<compile_context>
chip_gen: v7x
topology: tpu7x:2x2x1
jax: 0.10.2.dev20260603
libtpu: 0.0.44.dev20260713+nightly
codegen_flags: <defaults>
</compile_context>

<pallas_src>
import functools

import jax
import jax.numpy as jnp
from jax import lax
from jax.experimental import pallas as pl
from jax.experimental.pallas import tpu as pltpu
from jax.experimental.pallas import tpu_sc as plsc

N = 10000
E = 320000
NC = 2
NS = 16
NW = NC * NS
C = 128
NCH = E // C
NCHW = 78
NTAIL = NCH - NCHW * NW
STRIPE = N // NS
DIN = 128
DHID = 128
DOUT = 47
DOP = 48
NT = 1000
NTP = 1024
BM = 2000

_F32 = jnp.float32


def _vmesh():
    return plsc.VectorSubcoreMesh(core_axis_name="c", subcore_axis_name="s")


_SC_PARAMS = pltpu.CompilerParams(use_tc_tiling_on_sc=False)


def _agg_call(table, edges, with_deg):
    d = table.shape[1]
    nb = 2 if with_deg else 3
    scratch = ([pltpu.VMEM((2, C), jnp.int32)] * 6
               + [pltpu.VMEM((C, d), _F32)] * nb
               + [pltpu.VMEM_SHARED((N, d), _F32)]
               + [pltpu.SemaphoreType.DMA] * (6 + 2 * nb))
    out_type = [jax.ShapeDtypeStruct((NC * N, 128), _F32)]
    ins = [table, edges, jnp.zeros((STRIPE, d), _F32)]
    if with_deg:
        scratch += [pltpu.VMEM((C, 16), _F32),
                    pltpu.VMEM_SHARED((N, 16), _F32),
                    pltpu.SemaphoreType.DMA,
                    pltpu.SemaphoreType.DMA,
                    pltpu.SemaphoreType.DMA]
        out_type.append(jax.ShapeDtypeStruct((NC * N, 16), _F32))
        ins += [jnp.zeros((STRIPE, 16), _F32), jnp.ones((C, 16), _F32)]

    def body(*refs):
        it = iter(refs)
        tab = next(it)
        edge_h = next(it)
        zrow_h = next(it)
        if with_deg:
            zdeg_h = next(it)
            ones_h = next(it)
        accf_o = next(it)
        accd_o = next(it) if with_deg else None
        islot = [next(it) for _ in range(6)]
        bufs = [next(it) for _ in range(nb)]
        accsh = next(it)
        isem = [next(it) for _ in range(6)]
        gsem = [next(it) for _ in range(nb)]
        ssem = [next(it) for _ in range(nb)]
        if with_deg:
            onesb = next(it)
            degsh = next(it)
            dsem = [next(it) for _ in range(3)]

        c = lax.axis_index("c")
        s = lax.axis_index("s")
        w = c * NS + s
        row = pl.ds(s * STRIPE, STRIPE)
        pltpu.sync_copy(zrow_h, accsh.at[row])
        if with_deg:
            pltpu.sync_copy(zdeg_h, degsh.at[row])
            pltpu.sync_copy(ones_h, onesb)
        plsc.subcore_barrier()

        def i_cp(t, sl):
            off = (t * NW + w) * C
            return pltpu.make_async_copy(edge_h.at[:, pl.ds(off, C)],
                                         islot[sl], isem[sl])

        def g_cp(sl, b):
            return pltpu.make_async_copy(tab.at[islot[sl].at[0]], bufs[b],
                                         gsem[b])

        def s_cp(sl, b):
            return pltpu.make_async_copy(bufs[b], accsh.at[islot[sl].at[1]],
                                         ssem[b])

        def d_cp(sl, b3):
            return pltpu.make_async_copy(onesb, degsh.at[islot[sl].at[1]],
                                         dsem[b3])

        i_cp(0, 0).start()
        i_cp(1, 1).start()
        i_cp(2, 2).start()
        i_cp(0, 0).wait()
        g_cp(0, 0).start()
        i_cp(1, 1).wait()
        g_cp(1, 1).start()

        @pl.loop(0, NCHW // 6)
        def _(g):
            for b6 in range(6):
                bb = b6 % nb
                b3 = b6 % 3
                t = g * 6 + b6
                g_cp(b6, bb).wait()
                s_cp(b6, bb).start(add=True)
                if with_deg:
                    @pl.when(t >= 3)
                    def _():
                        d_cp(b6, b3).wait()

                    d_cp(b6, b3).start(add=True)
                    s_cp(b6, bb).wait()
                else:
                    pbb = (b6 + 2) % 3

                    @pl.when(t >= 1)
                    def _():
                        s_cp((b6 + 5) % 6, pbb).wait()

                @pl.when(t + 3 < NCHW)
                def _():
                    i_cp(t + 3, (b6 + 3) % 6).start()

                @pl.when(t + 2 < NCHW)
                def _():
                    i_cp(t + 2, (b6 + 2) % 6).wait()
                    g_cp((b6 + 2) % 6, (b6 + 2) % nb).start()

        if with_deg:
            for b3 in range(3):
                d_cp(0, b3).wait()
        else:
            s_cp((NCHW - 1) % 6, (NCHW - 1) % 3).wait()

        @pl.when(w < NTAIL)
        def _():
            i_cp(NCHW, 0).start()
            i_cp(NCHW, 0).wait()
            g_cp(0, 0).start()
            g_cp(0, 0).wait()
            s_cp(0, 0).start(add=True)
            s_cp(0, 0).wait()
            if with_deg:
                d_cp(0, 0).start(add=True)
                d_cp(0, 0).wait()

        plsc.subcore_barrier()
        orow = pl.ds(c * N + s * STRIPE, STRIPE)
        pltpu.sync_copy(accsh.at[row], accf_o.at[orow].at[:, pl.ds(0, d)])
        if with_deg:
            pltpu.sync_copy(degsh.at[row], accd_o.at[orow])

    k = pl.kernel(body, out_type=out_type, mesh=_vmesh(),
                  compiler_params=_SC_PARAMS, scratch_types=scratch)
    res = k(*ins)
    return (res[0], res[1]) if with_deg else res[0]


def _agg_deg(table, edges):
    return _agg_call(table, edges, True)


def _agg(table, edges):
    return _agg_call(table, edges, False)


def _layer1(accf, accd, feats, b1r, w1, w2p):

    def body(a0_r, a1_r, d0_r, d1_r, f_r, b_r, w1_r, w2_r, y_o, r_o):
        deg = d0_r[...][:, :1] + d1_r[...][:, :1]
        r = 1.0 / (deg + 1.0)
        t = (a0_r[...] + a1_r[...] + f_r[...]) * r
        h1 = jnp.maximum(jnp.dot(t, w1_r[...], preferred_element_type=_F32)
                         + b_r[...], 0.0)
        y_o[...] = jnp.dot(h1, w2_r[...], preferred_element_type=_F32)
        r_o[...] = jnp.broadcast_to(r, (BM, DOP))

    return pl.pallas_call(
        body,
        grid=(N // BM,),
        in_specs=[pl.BlockSpec((BM, DHID), lambda i: (i, 0)),
                  pl.BlockSpec((BM, DHID), lambda i: (i + N // BM, 0)),
                  pl.BlockSpec((BM, 16), lambda i: (i, 0)),
                  pl.BlockSpec((BM, 16), lambda i: (i + N // BM, 0)),
                  pl.BlockSpec((BM, DIN), lambda i: (i, 0)),
                  pl.BlockSpec((1, DHID), lambda i: (0, 0)),
                  pl.BlockSpec((DIN, DHID), lambda i: (0, 0)),
                  pl.BlockSpec((DHID, DOP), lambda i: (0, 0))],
        out_specs=[pl.BlockSpec((BM, DOP), lambda i: (i, 0)),
                   pl.BlockSpec((BM, DOP), lambda i: (i, 0))],
        out_shape=[jax.ShapeDtypeStruct((N, DOP), _F32),
                   jax.ShapeDtypeStruct((N, DOP), _F32)],
    )(accf, accf, accd, accd, feats, b1r, w1, w2p)


def _layer2_softmax(acc2, y2, rr, b2p):

    def body(a0_r, a1_r, y_r, r_r, b_r, h_r):
        h2 = ((a0_r[...][:, :DOP] + a1_r[...][:, :DOP] + y_r[...])
              * r_r[...] + b_r[...])
        col = lax.broadcasted_iota(jnp.int32, (BM, DOP), 1)
        x = jnp.where(col < DOUT, h2, -1e30)
        m = jnp.max(x, axis=1, keepdims=True)
        ls = (x - m) - jnp.log(jnp.sum(jnp.exp(x - m), axis=1,
                                       keepdims=True))
        h_r[...] = ls[:, :DOUT]

    return pl.pallas_call(
        body,
        grid=(N // BM,),
        in_specs=[pl.BlockSpec((BM, 128), lambda i: (i, 0)),
                  pl.BlockSpec((BM, 128), lambda i: (i + N // BM, 0)),
                  pl.BlockSpec((BM, DOP), lambda i: (i, 0)),
                  pl.BlockSpec((BM, DOP), lambda i: (i, 0)),
                  pl.BlockSpec((1, DOP), lambda i: (0, 0))],
        out_specs=pl.BlockSpec((BM, DOUT), lambda i: (i, 0)),
        out_shape=jax.ShapeDtypeStruct((N, DOUT), _F32),
    )(acc2, acc2, y2, rr, b2p)


def _select(acc2, accd, y2, labf, tnp):
    bs = NTP // NW

    @functools.partial(
        pl.kernel,
        out_type=[jax.ShapeDtypeStruct((NTP, 128), _F32),
                  jax.ShapeDtypeStruct((NTP, 128), _F32),
                  jax.ShapeDtypeStruct((NTP, DOP), _F32),
                  jax.ShapeDtypeStruct((NTP, 16), _F32),
                  jax.ShapeDtypeStruct((NTP, 16), _F32),
                  jax.ShapeDtypeStruct((NTP, 16), _F32)],
        mesh=_vmesh(),
        compiler_params=_SC_PARAMS,
        scratch_types=[pltpu.VMEM((bs,), jnp.int32),
                       pltpu.VMEM((bs,), jnp.int32),
                       pltpu.VMEM((bs, 128), _F32),
                       pltpu.VMEM((bs, 128), _F32),
                       pltpu.VMEM((bs, DOP), _F32),
                       pltpu.VMEM((bs, 16), _F32),
                       pltpu.VMEM((bs, 16), _F32),
                       pltpu.VMEM((bs, 16), _F32),
                       pltpu.SemaphoreType.DMA],
    )
    def k(acc2_h, accd_h, y2_h, lab_h, tn_h, a0_o, a1_o, y_o, d0_o, d1_o,
          l_o, idx, idx2, ba0, ba1, by, bd0, bd1, bl, sem):
        c = lax.axis_index("c")
        s = lax.axis_index("s")
        w = c * NS + s
        sl = pl.ds(w * bs, bs)
        pltpu.sync_copy(tn_h.at[sl], idx)

        @pl.loop(0, bs, step=16)
        def _(i):
            idx2[pl.ds(i, 16)] = idx[pl.ds(i, 16)] + N

        pltpu.async_copy(acc2_h.at[idx], ba0, sem).wait()
        pltpu.async_copy(acc2_h.at[idx2], ba1, sem).wait()
        pltpu.async_copy(y2_h.at[idx], by, sem).wait()
        pltpu.async_copy(accd_h.at[idx], bd0, sem).wait()
        pltpu.async_copy(accd_h.at[idx2], bd1, sem).wait()
        pltpu.async_copy(lab_h.at[idx], bl, sem).wait()
        pltpu.sync_copy(ba0, a0_o.at[sl])
        pltpu.sync_copy(ba1, a1_o.at[sl])
        pltpu.sync_copy(by, y_o.at[sl])
        pltpu.sync_copy(bd0, d0_o.at[sl])
        pltpu.sync_copy(bd1, d1_o.at[sl])
        pltpu.sync_copy(bl, l_o.at[sl])

    return k(acc2, accd, y2, labf, tnp)


def _loss(sel, b2p):

    def body(a0_r, a1_r, y_r, d0_r, d1_r, l_r, b_r, o_ref):
        deg = d0_r[...][:, :1] + d1_r[...][:, :1]
        h2 = ((a0_r[...][:, :DOP] + a1_r[...][:, :DOP] + y_r[...])
              / (deg + 1.0) + b_r[...])
        col = lax.broadcasted_iota(jnp.int32, (NTP, DOP), 1)
        x = jnp.where(col < DOUT, h2, -1e30)
        m = jnp.max(x, axis=1, keepdims=True)
        ls = (x - m) - jnp.log(jnp.sum(jnp.exp(x - m), axis=1,
                                       keepdims=True))
        lbl = l_r[...][:, :1].astype(jnp.int32)
        picked = jnp.sum(jnp.where(col == lbl, ls, 0.0), axis=1,
                         keepdims=True)
        rowv = lax.broadcasted_iota(jnp.int32, (NTP, 1), 0) < NT
        tot = jnp.sum(jnp.where(rowv, picked, 0.0), axis=0, keepdims=True)
        o_ref[...] = -tot / NT

    return pl.pallas_call(
        body,
        out_shape=jax.ShapeDtypeStruct((1, 1), _F32),
    )(*sel, b2p)


def kernel(feats, edge_index, label, train_nodes, W1, b1, W2, b2):
    w2p = jnp.zeros((DIN, DOP), _F32).at[:, :DOUT].set(W2)
    b1r = b1[None, :]
    b2p = jnp.zeros((1, DOP), _F32).at[0, :DOUT].set(b2)
    labf = jnp.broadcast_to(label.astype(_F32)[:, None], (N, 16))
    tnp = jnp.concatenate(
        [train_nodes, jnp.zeros((NTP - NT,), jnp.int32)])

    accf, accd = _agg_deg(feats, edge_index)
    y2, rr = _layer1(accf, accd, feats, b1r, W1, w2p)
    acc2 = _agg(y2, edge_index)
    h_out = _layer2_softmax(acc2, y2, rr, b2p)
    sel = _select(acc2, accd, y2, labf, tnp)
    loss = _loss(sel, b2p)[0, 0]
    return (h_out, loss)

# --- scband reference (transcript-rebuilt; emitter-appended) ---
"""Pipeline reference for scband-graph-sage-15788299780516 (READ-ONLY COPY).

The authoritative reference and input builder live on the scoring server;
editing this copy changes nothing except your own understanding.
"""

import jax, jax.numpy as jnp
import numpy as np

N = 10000
E = 320000
D_IN = 128
D_HID = 128
D_OUT = 47
N_TRAIN = 1000


def setup_inputs(seed: int = 0) -> dict:
    key = jax.random.key(seed)
    k1, k2, k3, k4, k5, k6, k7, k8 = jax.random.split(key, 8)
    feats = jax.random.normal(k1, (N, D_IN), dtype=jnp.float32)
    edge_index = jax.random.randint(k2, (2, E), 0, N, dtype=jnp.int32)
    label = jax.random.randint(k3, (N,), 0, D_OUT, dtype=jnp.int32)
    train_nodes = jax.random.randint(k4, (N_TRAIN,), 0, N, dtype=jnp.int32)
    # SAGEConv(aggregator_type='gcn') has a single fc_neigh linear per layer
    W1 = jax.random.normal(k5, (D_IN, D_HID), dtype=jnp.float32) * (1.0 / np.sqrt(D_IN))
    b1 = jnp.zeros((D_HID,), dtype=jnp.float32)
    W2 = jax.random.normal(k6, (D_HID, D_OUT), dtype=jnp.float32) * (1.0 / np.sqrt(D_HID))
    b2 = jnp.zeros((D_OUT,), dtype=jnp.float32)
    return {"feats": feats, "edge_index": edge_index, "label": label,
            "train_nodes": train_nodes, "W1": W1, "b1": b1, "W2": W2, "b2": b2}


def _sage_gcn_layer(h, src, dst, W, b):
    # DGL SAGEConv 'gcn' aggregator: mean over {neighbors} U {self}
    msg = h[src]                                            # gather
    neigh = jax.ops.segment_sum(msg, dst, num_segments=N)   # scatter-add
    deg = jax.ops.segment_sum(jnp.ones((src.shape[0],), jnp.float32), dst, num_segments=N)
    h_mean = (neigh + h) / (deg[:, None] + 1.0)
    return h_mean @ W + b


def reference(feats, edge_index, label, train_nodes, W1, b1, W2, b2):
    src = edge_index[0]
    dst = edge_index[1]
    h = _sage_gcn_layer(feats, src, dst, W1, b1)
    h = jax.nn.relu(h)          # activation; dropout is identity in eval/reference
    h = _sage_gcn_layer(h, src, dst, W2, b2)
    sel = h[train_nodes]
    lbl = label[train_nodes]
    ls = jax.nn.log_softmax(sel, axis=1)
    loss = -jnp.mean(jnp.take_along_axis(ls, lbl[:, None], axis=1))
    h_out = jax.nn.log_softmax(h, axis=1)
    return (h_out, loss)

if __name__ == "__main__":
    import jax
    _d = setup_inputs()
    print(jax.jit(kernel)(*tuple(_d.values())))

</pallas_src>

<mosaic_0001>
#map = affine_map<(d0, d1) -> (0, 0)>
module attributes {stable_mosaic.version = 14 : i64} {
  func.func @body(%arg0: i32, %arg1: i32, %arg2: memref<10000x128xf32, #tpu.memory_space<hbm>>, %arg3: memref<2x320000xi32, #tpu.memory_space<hbm>>, %arg4: memref<625x128xf32, #tpu.memory_space<hbm>>, %arg5: memref<625x16xf32, #tpu.memory_space<hbm>>, %arg6: memref<128x16xf32, #tpu.memory_space<hbm>>, %arg7: memref<20000x128xf32, #tpu.memory_space<hbm>>, %arg8: memref<20000x16xf32, #tpu.memory_space<hbm>>, %arg9: memref<2x128xi32, #tpu.memory_space<vmem>>, %arg10: memref<2x128xi32, #tpu.memory_space<vmem>>, %arg11: memref<2x128xi32, #tpu.memory_space<vmem>>, %arg12: memref<2x128xi32, #tpu.memory_space<vmem>>, %arg13: memref<2x128xi32, #tpu.memory_space<vmem>>, %arg14: memref<2x128xi32, #tpu.memory_space<vmem>>, %arg15: memref<128x128xf32, #tpu.memory_space<vmem>>, %arg16: memref<128x128xf32, #tpu.memory_space<vmem>>, %arg17: memref<10000x128xf32, #tpu.memory_space<vmem_shared>>, %arg18: memref<!tpu.dma_semaphore, #tpu.memory_space<semaphore_mem>>, %arg19: memref<!tpu.dma_semaphore, #tpu.memory_space<semaphore_mem>>, %arg20: memref<!tpu.dma_semaphore, #tpu.memory_space<semaphore_mem>>, %arg21: memref<!tpu.dma_semaphore, #tpu.memory_space<semaphore_mem>>, %arg22: memref<!tpu.dma_semaphore, #tpu.memory_space<semaphore_mem>>, %arg23: memref<!tpu.dma_semaphore, #tpu.memory_space<semaphore_mem>>, %arg24: memref<!tpu.dma_semaphore, #tpu.memory_space<semaphore_mem>>, %arg25: memref<!tpu.dma_semaphore, #tpu.memory_space<semaphore_mem>>, %arg26: memref<!tpu.dma_semaphore, #tpu.memory_space<semaphore_mem>>, %arg27: memref<!tpu.dma_semaphore, #tpu.memory_space<semaphore_mem>>, %arg28: memref<128x16xf32, #tpu.memory_space<vmem>>, %arg29: memref<10000x16xf32, #tpu.memory_space<vmem_shared>>, %arg30: memref<!tpu.dma_semaphore, #tpu.memory_space<semaphore_mem>>, %arg31: memref<!tpu.dma_semaphore, #tpu.memory_space<semaphore_mem>>, %arg32: memref<!tpu.dma_semaphore, #tpu.memory_space<semaphore_mem>>) attributes {dimension_semantics = [#tpu.dimension_semantics<core_parallel>, #tpu.dimension_semantics<subcore_parallel>], iteration_bounds = array<i64: 2, 16>, scalar_prefetch = 0 : i64, scratch_operands = 24 : i64, tpu.core_type = #tpu.core_type<sc_vector_subcore>, window_params = [{transform_indices = #map}, {transform_indices = #map}, {transform_indices = #map}, {transform_indices = #map}, {transform_indices = #map}, {transform_indices = #map}, {transform_indices = #map}]} {
    %mul3A = arith.constant 16 : i32
    %mul3A_0 = arith.muli %arg0, %mul3A : i32
    %add3A = arith.addi %mul3A_0, %arg1 : i32
    %mul3A_1 = arith.constant 625 : i32
    %mul3A_2 = arith.muli %arg1, %mul3A_1 : i32
    "tpu.region"() ({
      %run_scoped3A = tpu.sem_alloc : memref<!tpu.dma_semaphore, #tpu.memory_space<semaphore_mem>>
      %dma_start3A_88 = arith.constant 0 : i32
      %dma_start3A_89 = tpu.memref_slice %arg17[%mul3A_2, %dma_start3A_88] : memref<10000x128xf32, #tpu.memory_space<vmem_shared>> -> memref<625x128xf32, #tpu.memory_space<vmem_shared>>
      tpu.enqueue_dma source(%arg4 : memref<625x128xf32, #tpu.memory_space<hbm>>) target(%dma_start3A_89 : memref<625x128xf32, #tpu.memory_space<vmem_shared>>) target_semaphore(%run_scoped3A : memref<!tpu.dma_semaphore, #tpu.memory_space<semaphore_mem>>)
      %dma_wait3A_90 = arith.constant 0 : i32
      %dma_wait3A_91 = tpu.memref_slice %arg17[%mul3A_2, %dma_wait3A_90] : memref<10000x128xf32, #tpu.memory_space<vmem_shared>> -> memref<625x128xf32, #tpu.memory_space<vmem_shared>>
      tpu.wait_dma2 semaphore(%run_scoped3A : memref<!tpu.dma_semaphore, #tpu.memory_space<semaphore_mem>>) src(%arg4 : memref<625x128xf32, #tpu.memory_space<hbm>>) dst(%dma_wait3A_91 : memref<625x128xf32, #tpu.memory_space<vmem_shared>>)
      tpu.yield
    }) : () -> ()
    "tpu.region"() ({
      %run_scoped3A = tpu.sem_alloc : memref<!tpu.dma_semaphore, #tpu.memory_space<semaphore_mem>>
      %dma_start3A_88 = arith.constant 0 : i32
      %dma_start3A_89 = tpu.memref_slice %arg29[%mul3A_2, %dma_start3A_88] : memref<10000x16xf32, #tpu.memory_space<vmem_shared>> -> memref<625x16xf32, #tpu.memory_space<vmem_shared>>
      tpu.enqueue_dma source(%arg5 : memref<625x16xf32, #tpu.memory_space<hbm>>) target(%dma_start3A_89 : memref<625x16xf32, #tpu.memory_space<vmem_shared>>) target_semaphore(%run_scoped3A : memref<!tpu.dma_semaphore, #tpu.memory_space<semaphore_mem>>)
      %dma_wait3A_90 = arith.constant 0 : i32
      %dma_wait3A_91 = tpu.memref_slice %arg29[%mul3A_2, %dma_wait3A_90] : memref<10000x16xf32, #tpu.memory_space<vmem_shared>> -> memref<625x16xf32, #tpu.memory_space<vmem_shared>>
      tpu.wait_dma2 semaphore(%run_scoped3A : memref<!tpu.dma_semaphore, #tpu.memory_space<semaphore_mem>>) src(%arg5 : memref<625x16xf32, #tpu.memory_space<hbm>>) dst(%dma_wait3A_91 : memref<625x16xf32, #tpu.memory_space<vmem_shared>>)
      tpu.yield
    }) : () -> ()
    "tpu.region"() ({
      %run_scoped3A = tpu.sem_alloc : memref<!tpu.dma_semaphore, #tpu.memory_space<semaphore_mem>>
      tpu.enqueue_dma source(%arg6 : memref<128x16xf32, #tpu.memory_space<hbm>>) target(%arg28 : memref<128x16xf32, #tpu.memory_space<vmem>>) target_semaphore(%run_scoped3A : memref<!tpu.dma_semaphore, #tpu.memory_space<semaphore_mem>>)
      tpu.wait_dma2 semaphore(%run_scoped3A : memref<!tpu.dma_semaphore, #tpu.memory_space<semaphore_mem>>) src(%arg6 : memref<128x16xf32, #tpu.memory_space<hbm>>) dst(%arg28 : memref<128x16xf32, #tpu.memory_space<vmem>>)
      tpu.yield
    }) : () -> ()
    %barrier3A = arith.constant 0 : index
    tpu.barrier barrier_id(%barrier3A)
    %add3A_3 = arith.constant 0 : i32
    %add3A_4 = arith.addi %add3A_3, %add3A : i32
    %mul3A_5 = arith.constant 128 : i32
    %mul3A_6 = arith.muli %add3A_4, %mul3A_5 : i32
    %dma_start3A = arith.constant 0 : i32
    %dma_start3A_7 = tpu.memref_slice %arg3[%dma_start3A, %mul3A_6] : memref<2x320000xi32, #tpu.memory_space<hbm>> -> memref<2x128xi32, #tpu.memory_space<hbm>>
    %dma_start3A_8 = arith.constant 0 : i32
    %dma_start3A_9 = tpu.memref_slice %arg3[%dma_start3A_8, %mul3A_6] : memref<2x320000xi32, #tpu.memory_space<hbm>> -> memref<2x128xi32, #tpu.memory_space<hbm>>
    tpu.enqueue_dma source(%dma_start3A_9 : memref<2x128xi32, #tpu.memory_space<hbm>>) target(%arg9 : memref<2x128xi32, #tpu.memory_space<vmem>>) target_semaphore(%arg18 : memref<!tpu.dma_semaphore, #tpu.memory_space<semaphore_mem>>)
    %add3A_10 = arith.constant 32 : i32
    %add3A_11 = arith.addi %add3A_10, %add3A : i32
    %mul3A_12 = arith.constant 128 : i32
    %mul3A_13 = arith.muli %add3A_11, %mul3A_12 : i32
    %dma_start3A_14 = arith.constant 0 : i32
    %dma_start3A_15 = tpu.memref_slice %arg3[%dma_start3A_14, %mul3A_13] : memref<2x320000xi32, #tpu.memory_space<hbm>> -> memref<2x128xi32, #tpu.memory_space<hbm>>
    %dma_start3A_16 = arith.constant 0 : i32
    %dma_start3A_17 = tpu.memref_slice %arg3[%dma_start3A_16, %mul3A_13] : memref<2x320000xi32, #tpu.memory_space<hbm>> -> memref<2x128xi32, #tpu.memory_space<hbm>>
    tpu.enqueue_dma source(%dma_start3A_17 : memref<2x128xi32, #tpu.memory_space<hbm>>) target(%arg10 : memref<2x128xi32, #tpu.memory_space<vmem>>) target_semaphore(%arg19 : memref<!tpu.dma_semaphore, #tpu.memory_space<semaphore_mem>>)
    %add3A_18 = arith.constant 64 : i32
    %add3A_19 = arith.addi %add3A_18, %add3A : i32
    %mul3A_20 = arith.constant 128 : i32
    %mul3A_21 = arith.muli %add3A_19, %mul3A_20 : i32
    %dma_start3A_22 = arith.constant 0 : i32
    %dma_start3A_23 = tpu.memref_slice %arg3[%dma_start3A_22, %mul3A_21] : memref<2x320000xi32, #tpu.memory_space<hbm>> -> memref<2x128xi32, #tpu.memory_space<hbm>>
    %dma_start3A_24 = arith.constant 0 : i32
    %dma_start3A_25 = tpu.memref_slice %arg3[%dma_start3A_24, %mul3A_21] : memref<2x320000xi32, #tpu.memory_space<hbm>> -> memref<2x128xi32, #tpu.memory_space<hbm>>
    tpu.enqueue_dma source(%dma_start3A_25 : memref<2x128xi32, #tpu.memory_space<hbm>>) target(%arg11 : memref<2x128xi32, #tpu.memory_space<vmem>>) target_semaphore(%arg20 : memref<!tpu.dma_semaphore, #tpu.memory_space<semaphore_mem>>)
    %add3A_26 = arith.constant 0 : i32
    %add3A_27 = arith.addi %add3A_26, %add3A : i32
    %mul3A_28 = arith.constant 128 : i32
    %mul3A_29 = arith.muli %add3A_27, %mul3A_28 : i32
    %dma_wait3A = arith.constant 0 : i32
    %dma_wait3A_30 = tpu.memref_slice %arg3[%dma_wait3A, %mul3A_29] : memref<2x320000xi32, #tpu.memory_space<hbm>> -> memref<2x128xi32, #tpu.memory_space<hbm>>
    %dma_wait3A_31 = arith.constant 0 : i32
    %dma_wait3A_32 = tpu.memref_slice %arg3[%dma_wait3A_31, %mul3A_29] : memref<2x320000xi32, #tpu.memory_space<hbm>> -> memref<2x128xi32, #tpu.memory_space<hbm>>
    tpu.wait_dma2 semaphore(%arg18 : memref<!tpu.dma_semaphore, #tpu.memory_space<semaphore_mem>>) src(%dma_wait3A_32 : memref<2x128xi32, #tpu.memory_space<hbm>>) dst(%arg9 : memref<2x128xi32, #tpu.memory_space<vmem>>)
    %dma_start3A_33 = arith.constant 0 : i32
    %dma_start3A_34 = arith.constant 0 : i32
    %dma_start3A_35 = tpu.memref_slice %arg9[%dma_start3A_33, %dma_start3A_34] : memref<2x128xi32, #tpu.memory_space<vmem>> -> memref<1x128xi32, #tpu.memory_space<vmem>>
    %dma_start3A_36 = tpu.memref_squeeze %dma_start3A_35 : memref<1x128xi32, #tpu.memory_space<vmem>> -> memref<128xi32, #tpu.memory_space<vmem>>
    %dma_start3A_37 = arith.constant 0 : i32
    %dma_start3A_38 = arith.constant 0 : i32
    %dma_start3A_39 = tpu.memref_slice %arg2[%dma_start3A_37, %dma_start3A_38] : memref<10000x128xf32, #tpu.memory_space<hbm>> -> memref<10000x128xf32, #tpu.memory_space<hbm>>
    tpu.enqueue_indirect_dma source(%dma_start3A_39 : memref<10000x128xf32, #tpu.memory_space<hbm>>) target(%arg15 : memref<128x128xf32, #tpu.memory_space<vmem>>) offsets(%dma_start3A_36 : memref<128xi32, #tpu.memory_space<vmem>>) semaphore(%arg24 : memref<!tpu.dma_semaphore, #tpu.memory_space<semaphore_mem>>)
    %add3A_40 = arith.constant 32 : i32
    %add3A_41 = arith.addi %add3A_40, %add3A : i32
    %mul3A_42 = arith.constant 128 : i32
    %mul3A_43 = arith.muli %add3A_41, %mul3A_42 : i32
    %dma_wait3A_44 = arith.constant 0 : i32
    %dma_wait3A_45 = tpu.memref_slice %arg3[%dma_wait3A_44, %mul3A_43] : memref<2x320000xi32, #tpu.memory_space<hbm>> -> memref<2x128xi32, #tpu.memory_space<hbm>>
    %dma_wait3A_46 = arith.constant 0 : i32
    %dma_wait3A_47 = tpu.memref_slice %arg3[%dma_wait3A_46, %mul3A_43] : memref<2x320000xi32, #tpu.memory_space<hbm>> -> memref<2x128xi32, #tpu.memory_space<hbm>>
    tpu.wait_dma2 semaphore(%arg19 : memref<!tpu.dma_semaphore, #tpu.memory_space<semaphore_mem>>) src(%dma_wait3A_47 : memref<2x128xi32, #tpu.memory_space<hbm>>) dst(%arg10 : memref<2x128xi32, #tpu.memory_space<vmem>>)
    %dma_start3A_48 = arith.constant 0 : i32
    %dma_start3A_49 = arith.constant 0 : i32
    %dma_start3A_50 = tpu.memref_slice %arg10[%dma_start3A_48, %dma_start3A_49] : memref<2x128xi32, #tpu.memory_space<vmem>> -> memref<1x128xi32, #tpu.memory_space<vmem>>
    %dma_start3A_51 = tpu.memref_squeeze %dma_start3A_50 : memref<1x128xi32, #tpu.memory_space<vmem>> -> memref<128xi32, #tpu.memory_space<vmem>>
    %dma_start3A_52 = arith.constant 0 : i32
    %dma_start3A_53 = arith.constant 0 : i32
    %dma_start3A_54 = tpu.memref_slice %arg2[%dma_start3A_52, %dma_start3A_53] : memref<10000x128xf32, #tpu.memory_space<hbm>> -> memref<10000x128xf32, #tpu.memory_space<hbm>>
    tpu.enqueue_indirect_dma source(%dma_start3A_54 : memref<10000x128xf32, #tpu.memory_space<hbm>>) target(%arg16 : memref<128x128xf32, #tpu.memory_space<vmem>>) offsets(%dma_start3A_51 : memref<128xi32, #tpu.memory_space<vmem>>) semaphore(%arg25 : memref<!tpu.dma_semaphore, #tpu.memory_space<semaphore_mem>>)
    %scan3A = arith.constant 0 : i32
    %scan3A_55 = arith.constant 13 : i32
    %scan3A_56 = arith.addi %scan3A, %scan3A_55 : i32
    %scan3A_57 = arith.constant 1 : i32
    scf.for %scan3A_88 = %scan3A to %scan3A_56 step %scan3A_57  : i32 {
      %mul3A_89 = arith.constant 1 : i32
      %mul3A_90 = arith.muli %scan3A_88, %mul3A_89 : i32
      %add3A_91 = arith.constant 0 : i32
      %add3A_92 = arith.addi %add3A_91, %mul3A_90 : i32
      %mul3A_93 = arith.constant 6 : i32
      %mul3A_94 = arith.muli %add3A_92, %mul3A_93 : i32
      %add3A_95 = arith.constant 0 : i32
      %add3A_96 = arith.addi %mul3A_94, %add3A_95 : i32
      %dma_wait3A_97 = arith.constant 0 : i32
      %dma_wait3A_98 = arith.constant 0 : i32
      %dma_wait3A_99 = tpu.memref_slice %arg9[%dma_wait3A_97, %dma_wait3A_98] : memref<2x128xi32, #tpu.memory_space<vmem>> -> memref<1x128xi32, #tpu.memory_space<vmem>>
      %dma_wait3A_100 = tpu.memref_squeeze %dma_wait3A_99 : memref<1x128xi32, #tpu.memory_space<vmem>> -> memref<128xi32, #tpu.memory_space<vmem>>
      %dma_wait3A_101 = arith.constant 0 : i32
      %dma_wait3A_102 = arith.constant 0 : i32
      %dma_wait3A_103 = tpu.memref_slice %arg2[%dma_wait3A_101, %dma_wait3A_102] : memref<10000x128xf32, #tpu.memory_space<hbm>> -> memref<10000x128xf32, #tpu.memory_space<hbm>>
      tpu.wait_indirect_dma semaphore(%arg24 : memref<!tpu.dma_semaphore, #tpu.memory_space<semaphore_mem>>) src(%dma_wait3A_103 : memref<10000x128xf32, #tpu.memory_space<hbm>>) dst(%arg15 : memref<128x128xf32, #tpu.memory_space<vmem>>)
      %dma_start3A_104 = arith.constant 1 : i32
      %dma_start3A_105 = arith.constant 0 : i32
      %dma_start3A_106 = tpu.memref_slice %arg9[%dma_start3A_104, %dma_start3A_105] : memref<2x128xi32, #tpu.memory_space<vmem>> -> memref<1x128xi32, #tpu.memory_space<vmem>>
      %dma_start3A_107 = tpu.memref_squeeze %dma_start3A_106 : memref<1x128xi32, #tpu.memory_space<vmem>> -> memref<128xi32, #tpu.memory_space<vmem>>
      %dma_start3A_108 = arith.constant 0 : i32
      %dma_start3A_109 = arith.constant 0 : i32
      %dma_start3A_110 = tpu.memref_slice %arg17[%dma_start3A_108, %dma_start3A_109] : memref<10000x128xf32, #tpu.memory_space<vmem_shared>> -> memref<10000x128xf32, #tpu.memory_space<vmem_shared>>
      tpu.enqueue_indirect_dma source(%arg15 : memref<128x128xf32, #tpu.memory_space<vmem>>) target(%dma_start3A_110 : memref<10000x128xf32, #tpu.memory_space<vmem_shared>>) offsets(%dma_start3A_107 : memref<128xi32, #tpu.memory_space<vmem>>) semaphore(%arg26 : memref<!tpu.dma_semaphore, #tpu.memory_space<semaphore_mem>>) {add = true}
      %ge3A = arith.constant 3 : i32
      %ge3A_111 = arith.cmpi sge, %add3A_96, %ge3A : i32
      %convert_element_type3A_112 = arith.extui %ge3A_111 : i1 to i32
      %cond3A_113 = arith.constant 0 : i32
      %cond3A_114 = arith.cmpi ne, %convert_element_type3A_112, %cond3A_113 : i32
      scf.if %cond3A_114 {
        %dma_wait3A_398 = arith.constant 1 : i32
        %dma_wait3A_399 = arith.constant 0 : i32
        %dma_wait3A_400 = tpu.memref_slice %arg9[%dma_wait3A_398, %dma_wait3A_399] : memref<2x128xi32, #tpu.memory_space<vmem>> -> memref<1x128xi32, #tpu.memory_space<vmem>>
        %dma_wait3A_401 = tpu.memref_squeeze %dma_wait3A_400 : memref<1x128xi32, #tpu.memory_space<vmem>> -> memref<128xi32, #tpu.memory_space<vmem>>
        %dma_wait3A_402 = arith.constant 0 : i32
        %dma_wait3A_403 = arith.constant 0 : i32
        %dma_wait3A_404 = tpu.memref_slice %arg29[%dma_wait3A_402, %dma_wait3A_403] : memref<10000x16xf32, #tpu.memory_space<vmem_shared>> -> memref<10000x16xf32, #tpu.memory_space<vmem_shared>>
        tpu.wait_indirect_dma semaphore(%arg30 : memref<!tpu.dma_semaphore, #tpu.memory_space<semaphore_mem>>) src(%arg28 : memref<128x16xf32, #tpu.memory_space<vmem>>) dst(%dma_wait3A_404 : memref<10000x16xf32, #tpu.memory_space<vmem_shared>>)
      } else {
      }
      %dma_start3A_115 = arith.constant 1 : i32
      %dma_start3A_116 = arith.constant 0 : i32
      %dma_start3A_117 = tpu.memref_slice %arg9[%dma_start3A_115, %dma_start3A_116] : memref<2x128xi32, #tpu.memory_space<vmem>> -> memref<1x128xi32, #tpu.memory_space<vmem>>
      %dma_start3A_118 = tpu.memref_squeeze %dma_start3A_117 : memref<1x128xi32, #tpu.memory_space<vmem>> -> memref<128xi32, #tpu.memory_space<vmem>>
      %dma_start3A_119 = arith.constant 0 : i32
      %dma_start3A_120 = arith.constant 0 : i32
      %dma_start3A_121 = tpu.memref_slice %arg29[%dma_start3A_119, %dma_start3A_120] : memref<10000x16xf32, #tpu.memory_space<vmem_shared>> -> memref<10000x16xf32, #tpu.memory_space<vmem_shared>>
      tpu.enqueue_indirect_dma source(%arg28 : memref<128x16xf32, #tpu.memory_space<vmem>>) target(%dma_start3A_121 : memref<10000x16xf32, #tpu.memory_space<vmem_shared>>) offsets(%dma_start3A_118 : memref<128xi32, #tpu.memory_space<vmem>>) semaphore(%arg30 : memref<!tpu.dma_semaphore, #tpu.memory_space<semaphore_mem>>) {add = true}
      %dma_wait3A_122 = arith.constant 1 : i32
      %dma_wait3A_123 = arith.constant 0 : i32
      %dma_wait3A_124 = tpu.memref_slice %arg9[%dma_wait3A_122, %dma_wait3A_123] : memref<2x128xi32, #tpu.memory_space<vmem>> -> memref<1x128xi32, #tpu.memory_space<vmem>>
      %dma_wait3A_125 = tpu.memref_squeeze %dma_wait3A_124 : memref<1x128xi32, #tpu.memory_space<vmem>> -> memref<128xi32, #tpu.memory_space<vmem>>
      %dma_wait3A_126 = arith.constant 0 : i32
      %dma_wait3A_127 = arith.constant 0 : i32
      %dma_wait3A_128 = tpu.memref_slice %arg17[%dma_wait3A_126, %dma_wait3A_127] : memref<10000x128xf32, #tpu.memory_space<vmem_shared>> -> memref<10000x128xf32, #tpu.memory_space<vmem_shared>>
      tpu.wait_indirect_dma semaphore(%arg26 : memref<!tpu.dma_semaphore, #tpu.memory_space<semaphore_mem>>) src(%arg15 : memref<128x128xf32, #tpu.memory_space<vmem>>) dst(%dma_wait3A_128 : memref<10000x128xf32, #tpu.memory_space<vmem_shared>>)
      %add3A_129 = arith.constant 3 : i32
      %add3A_130 = arith.addi %add3A_96, %add3A_129 : i32
      %lt3A_131 = arith.constant 78 : i32
      %lt3A_132 = arith.cmpi slt, %add3A_130, %lt3A_131 : i32
      %convert_element_type3A_133 = arith.extui %lt3A_132 : i1 to i32
      %cond3A_134 = arith.constant 0 : i32
      %cond3A_135 = arith.cmpi ne, %convert_element_type3A_133, %cond3A_134 : i32
      scf.if %cond3A_135 {
        %add3A_398 = arith.constant 3 : i32
        %add3A_399 = arith.addi %add3A_96, %add3A_398 : i32
        %mul3A_400 = arith.constant 32 : i32
        %mul3A_401 = arith.muli %add3A_399, %mul3A_400 : i32
        %add3A_402 = arith.addi %mul3A_401, %add3A : i32
        %mul3A_403 = arith.constant 128 : i32
        %mul3A_404 = arith.muli %add3A_402, %mul3A_403 : i32
        %dma_start3A_405 = arith.constant 0 : i32
        %dma_start3A_406 = tpu.memref_slice %arg3[%dma_start3A_405, %mul3A_404] : memref<2x320000xi32, #tpu.memory_space<hbm>> -> memref<2x128xi32, #tpu.memory_space<hbm>>
        %dma_start3A_407 = arith.constant 0 : i32
        %dma_start3A_408 = tpu.memref_slice %arg3[%dma_start3A_407, %mul3A_404] : memref<2x320000xi32, #tpu.memory_space<hbm>> -> memref<2x128xi32, #tpu.memory_space<hbm>>
        tpu.enqueue_dma source(%dma_start3A_408 : memref<2x128xi32, #tpu.memory_space<hbm>>) target(%arg12 : memref<2x128xi32, #tpu.memory_space<vmem>>) target_semaphore(%arg21 : memref<!tpu.dma_semaphore, #tpu.memory_space<semaphore_mem>>)
      } else {
      }
      %add3A_136 = arith.constant 2 : i32
      %add3A_137 = arith.addi %add3A_96, %add3A_136 : i32
      %lt3A_138 = arith.constant 78 : i32
      %lt3A_139 = arith.cmpi slt, %add3A_137, %lt3A_138 : i32
      %convert_element_type3A_140 = arith.extui %lt3A_139 : i1 to i32
      %cond3A_141 = arith.constant 0 : i32
      %cond3A_142 = arith.cmpi ne, %convert_element_type3A_140, %cond3A_141 : i32
      scf.if %cond3A_142 {
        %add3A_398 = arith.constant 2 : i32
        %add3A_399 = arith.addi %add3A_96, %add3A_398 : i32
        %mul3A_400 = arith.constant 32 : i32
        %mul3A_401 = arith.muli %add3A_399, %mul3A_400 : i32
        %add3A_402 = arith.addi %mul3A_401, %add3A : i32
        %mul3A_403 = arith.constant 128 : i32
        %mul3A_404 = arith.muli %add3A_402, %mul3A_403 : i32
        %dma_wait3A_405 = arith.constant 0 : i32
        %dma_wait3A_406 = tpu.memref_slice %arg3[%dma_wait3A_405, %mul3A_404] : memref<2x320000xi32, #tpu.memory_space<hbm>> -> memref<2x128xi32, #tpu.memory_space<hbm>>
        %dma_wait3A_407 = arith.constant 0 : i32
        %dma_wait3A_408 = tpu.memref_slice %arg3[%dma_wait3A_407, %mul3A_404] : memref<2x320000xi32, #tpu.memory_space<hbm>> -> memref<2x128xi32, #tpu.memory_space<hbm>>
        tpu.wait_dma2 semaphore(%arg20 : memref<!tpu.dma_semaphore, #tpu.memory_space<semaphore_mem>>) src(%dma_wait3A_408 : memref<2x128xi32, #tpu.memory_space<hbm>>) dst(%arg11 : memref<2x128xi32, #tpu.memory_space<vmem>>)
        %dma_start3A_409 = arith.constant 0 : i32
        %dma_start3A_410 = arith.constant 0 : i32
        %dma_start3A_411 = tpu.memref_slice %arg11[%dma_start3A_409, %dma_start3A_410] : memref<2x128xi32, #tpu.memory_space<vmem>> -> memref<1x128xi32, #tpu.memory_space<vmem>>
        %dma_start3A_412 = tpu.memref_squeeze %dma_start3A_411 : memref<1x128xi32, #tpu.memory_space<vmem>> -> memref<128xi32, #tpu.memory_space<vmem>>
        %dma_start3A_413 = arith.constant 0 : i32
        %dma_start3A_414 = arith.constant 0 : i32
        %dma_start3A_415 = tpu.memref_slice %arg2[%dma_start3A_413, %dma_start3A_414] : memref<10000x128xf32, #tpu.memory_space<hbm>> -> memref<10000x128xf32, #tpu.memory_space<hbm>>
        tpu.enqueue_indirect_dma source(%dma_start3A_415 : memref<10000x128xf32, #tpu.memory_space<hbm>>) target(%arg15 : memref<128x128xf32, #tpu.memory_space<vmem>>) offsets(%dma_start3A_412 : memref<128xi32, #tpu.memory_space<vmem>>) semaphore(%arg24 : memref<!tpu.dma_semaphore, #tpu.memory_space<semaphore_mem>>)
      } else {
      }
      %mul3A_143 = arith.constant 6 : i32
      %mul3A_144 = arith.muli %add3A_92, %mul3A_143 : i32
      %add3A_145 = arith.constant 1 : i32
      %add3A_146 = arith.addi %mul3A_144, %add3A_145 : i32
      %dma_wait3A_147 = arith.constant 0 : i32
      %dma_wait3A_148 = arith.constant 0 : i32
      %dma_wait3A_149 = tpu.memref_slice %arg10[%dma_wait3A_147, %dma_wait3A_148] : memref<2x128xi32, #tpu.memory_space<vmem>> -> memref<1x128xi32, #tpu.memory_space<vmem>>
      %dma_wait3A_150 = tpu.memref_squeeze %dma_wait3A_149 : memref<1x128xi32, #tpu.memory_space<vmem>> -> memref<128xi32, #tpu.memory_space<vmem>>
      %dma_wait3A_151 = arith.constant 0 : i32
      %dma_wait3A_152 = arith.constant 0 : i32
      %dma_wait3A_153 = tpu.memref_slice %arg2[%dma_wait3A_151, %dma_wait3A_152] : memref<10000x128xf32, #tpu.memory_space<hbm>> -> memref<10000x128xf32, #tpu.memory_space<hbm>>
      tpu.wait_indirect_dma semaphore(%arg25 : memref<!tpu.dma_semaphore, #tpu.memory_space<semaphore_mem>>) src(%dma_wait3A_153 : memref<10000x128xf32, #tpu.memory_space<hbm>>) dst(%arg16 : memref<128x128xf32, #tpu.memory_space<vmem>>)
      %dma_start3A_154 = arith.constant 1 : i32
      %dma_start3A_155 = arith.constant 0 : i32
      %dma_start3A_156 = tpu.memref_slice %arg10[%dma_start3A_154, %dma_start3A_155] : memref<2x128xi32, #tpu.memory_space<vmem>> -> memref<1x128xi32, #tpu.memory_space<vmem>>
      %dma_start3A_157 = tpu.memref_squeeze %dma_start3A_156 : memref<1x128xi32, #tpu.memory_space<vmem>> -> memref<128xi32, #tpu.memory_space<vmem>>
      %dma_start3A_158 = arith.constant 0 : i32
      %dma_start3A_159 = arith.constant 0 : i32
      %dma_start3A_160 = tpu.memref_slice %arg17[%dma_start3A_158, %dma_start3A_159] : memref<10000x128xf32, #tpu.memory_space<vmem_shared>> -> memref<10000x128xf32, #tpu.memory_space<vmem_shared>>
      tpu.enqueue_indirect_dma source(%arg16 : memref<128x128xf32, #tpu.memory_space<vmem>>) target(%dma_start3A_160 : memref<10000x128xf32, #tpu.memory_space<vmem_shared>>) offsets(%dma_start3A_157 : memref<128xi32, #tpu.memory_space<vmem>>) semaphore(%arg27 : memref<!tpu.dma_semaphore, #tpu.memory_space<semaphore_mem>>) {add = true}
      %ge3A_161 = arith.constant 3 : i32
      %ge3A_162 = arith.cmpi sge, %add3A_146, %ge3A_161 : i32
      %convert_element_type3A_163 = arith.extui %ge3A_162 : i1 to i32
      %cond3A_164 = arith.constant 0 : i32
      %cond3A_165 = arith.cmpi ne, %convert_element_type3A_163, %cond3A_164 : i32
      scf.if %cond3A_165 {
        %dma_wait3A_398 = arith.constant 1 : i32
        %dma_wait3A_399 = arith.constant 0 : i32
        %dma_wait3A_400 = tpu.memref_slice %arg10[%dma_wait3A_398, %dma_wait3A_399] : memref<2x128xi32, #tpu.memory_space<vmem>> -> memref<1x128xi32, #tpu.memory_space<vmem>>
        %dma_wait3A_401 = tpu.memref_squeeze %dma_wait3A_400 : memref<1x128xi32, #tpu.memory_space<vmem>> -> memref<128xi32, #tpu.memory_space<vmem>>
        %dma_wait3A_402 = arith.constant 0 : i32
        %dma_wait3A_403 = arith.constant 0 : i32
        %dma_wait3A_404 = tpu.memref_slice %arg29[%dma_wait3A_402, %dma_wait3A_403] : memref<10000x16xf32, #tpu.memory_space<vmem_shared>> -> memref<10000x16xf32, #tpu.memory_space<vmem_shared>>
        tpu.wait_indirect_dma semaphore(%arg31 : memref<!tpu.dma_semaphore, #tpu.memory_space<semaphore_mem>>) src(%arg28 : memref<128x16xf32, #tpu.memory_space<vmem>>) dst(%dma_wait3A_404 : memref<10000x16xf32, #tpu.memory_space<vmem_shared>>)
      } else {
      }
      %dma_start3A_166 = arith.constant 1 : i32
      %dma_start3A_167 = arith.constant 0 : i32
      %dma_start3A_168 = tpu.memref_slice %arg10[%dma_start3A_166, %dma_start3A_167] : memref<2x128xi32, #tpu.memory_space<vmem>> -> memref<1x128xi32, #tpu.memory_space<vmem>>
      %dma_start3A_169 = tpu.memref_squeeze %dma_start3A_168 : memref<1x128xi32, #tpu.memory_space<vmem>> -> memref<128xi32, #tpu.memory_space<vmem>>
      %dma_start3A_170 = arith.constant 0 : i32
      %dma_start3A_171 = arith.constant 0 : i32
      %dma_start3A_172 = tpu.memref_slice %arg29[%dma_start3A_170, %dma_start3A_171] : memref<10000x16xf32, #tpu.memory_space<vmem_shared>> -> memref<10000x16xf32, #tpu.memory_space<vmem_shared>>
      tpu.enqueue_indirect_dma source(%arg28 : memref<128x16xf32, #tpu.memory_space<vmem>>) target(%dma_start3A_172 : memref<10000x16xf32, #tpu.memory_space<vmem_shared>>) offsets(%dma_start3A_169 : memref<128xi32, #tpu.memory_space<vmem>>) semaphore(%arg31 : memref<!tpu.dma_semaphore, #tpu.memory_space<semaphore_mem>>) {add = true}
      %dma_wait3A_173 = arith.constant 1 : i32
      %dma_wait3A_174 = arith.constant 0 : i32
      %dma_wait3A_175 = tpu.memref_slice %arg10[%dma_wait3A_173, %dma_wait3A_174] : memref<2x128xi32, #tpu.memory_space<vmem>> -> memref<1x128xi32, #tpu.memory_space<vmem>>
      %dma_wait3A_176 = tpu.memref_squeeze %dma_wait3A_175 : memref<1x128xi32, #tpu.memory_space<vmem>> -> memref<128xi32, #tpu.memory_space<vmem>>
      %dma_wait3A_177 = arith.constant 0 : i32
      %dma_wait3A_178 = arith.constant 0 : i32
      %dma_wait3A_179 = tpu.memref_slice %arg17[%dma_wait3A_177, %dma_wait3A_178] : memref<10000x128xf32, #tpu.memory_space<vmem_shared>> -> memref<10000x128xf32, #tpu.memory_space<vmem_shared>>
      tpu.wait_indirect_dma semaphore(%arg27 : memref<!tpu.dma_semaphore, #tpu.memory_space<semaphore_mem>>) src(%arg16 : memref<128x128xf32, #tpu.memory_space<vmem>>) dst(%dma_wait3A_179 : memref<10000x128xf32, #tpu.memory_space<vmem_shared>>)
      %add3A_180 = arith.constant 3 : i32
      %add3A_181 = arith.addi %add3A_146, %add3A_180 : i32
      %lt3A_182 = arith.constant 78 : i32
      %lt3A_183 = arith.cmpi slt, %add3A_181, %lt3A_182 : i32
      %convert_element_type3A_184 = arith.extui %lt3A_183 : i1 to i32
      %cond3A_185 = arith.constant 0 : i32
      %cond3A_186 = arith.cmpi ne, %convert_element_type3A_184, %cond3A_185 : i32
      scf.if %cond3A_186 {
        %add3A_398 = arith.constant 3 : i32
        %add3A_399 = arith.addi %add3A_146, %add3A_398 : i32
        %mul3A_400 = arith.constant 32 : i32
        %mul3A_401 = arith.muli %add3A_399, %mul3A_400 : i32
        %add3A_402 = arith.addi %mul3A_401, %add3A : i32
        %mul3A_403 = arith.constant 128 : i32
        %mul3A_404 = arith.muli %add3A_402, %mul3A_403 : i32
        %dma_start3A_405 = arith.constant 0 : i32
        %dma_start3A_406 = tpu.memref_slice %arg3[%dma_start3A_405, %mul3A_404] : memref<2x320000xi32, #tpu.memory_space<hbm>> -> memref<2x128xi32, #tpu.memory_space<hbm>>
        %dma_start3A_407 = arith.constant 0 : i32
        %dma_start3A_408 = tpu.memref_slice %arg3[%dma_start3A_407, %mul3A_404] : memref<2x320000xi32, #tpu.memory_space<hbm>> -> memref<2x128xi32, #tpu.memory_space<hbm>>
        tpu.enqueue_dma source(%dma_start3A_408 : memref<2x128xi32, #tpu.memory_space<hbm>>) target(%arg13 : memref<2x128xi32, #tpu.memory_space<vmem>>) target_semaphore(%arg22 : memref<!tpu.dma_semaphore, #tpu.memory_space<semaphore_mem>>)
      } else {
      }
      %add3A_187 = arith.constant 2 : i32
      %add3A_188 = arith.addi %add3A_146, %add3A_187 : i32
      %lt3A_189 = arith.constant 78 : i32
      %lt3A_190 = arith.cmpi slt, %add3A_188, %lt3A_189 : i32
      %convert_element_type3A_191 = arith.extui %lt3A_190 : i1 to i32
      %cond3A_192 = arith.constant 0 : i32
      %cond3A_193 = arith.cmpi ne, %convert_element_type3A_191, %cond3A_192 : i32
      scf.if %cond3A_193 {
        %add3A_398 = arith.constant 2 : i32
        %add3A_399 = arith.addi %add3A_146, %add3A_398 : i32
        %mul3A_400 = arith.constant 32 : i32
        %mul3A_401 = arith.muli %add3A_399, %mul3A_400 : i32
        %add3A_402 = arith.addi %mul3A_401, %add3A : i32
        %mul3A_403 = arith.constant 128 : i32
        %mul3A_404 = arith.muli %add3A_402, %mul3A_403 : i32
        %dma_wait3A_405 = arith.constant 0 : i32
        %dma_wait3A_406 = tpu.memref_slice %arg3[%dma_wait3A_405, %mul3A_404] : memref<2x320000xi32, #tpu.memory_space<hbm>> -> memref<2x128xi32, #tpu.memory_space<hbm>>
        %dma_wait3A_407 = arith.constant 0 : i32
        %dma_wait3A_408 = tpu.memref_slice %arg3[%dma_wait3A_407, %mul3A_404] : memref<2x320000xi32, #tpu.memory_space<hbm>> -> memref<2x128xi32, #tpu.memory_space<hbm>>
        tpu.wait_dma2 semaphore(%arg21 : memref<!tpu.dma_semaphore, #tpu.memory_space<semaphore_mem>>) src(%dma_wait3A_408 : memref<2x128xi32, #tpu.memory_space<hbm>>) dst(%arg12 : memref<2x128xi32, #tpu.memory_space<vmem>>)
        %dma_start3A_409 = arith.constant 0 : i32
        %dma_start3A_410 = arith.constant 0 : i32
        %dma_start3A_411 = tpu.memref_slice %arg12[%dma_start3A_409, %dma_start3A_410] : memref<2x128xi32, #tpu.memory_space<vmem>> -> memref<1x128xi32, #tpu.memory_space<vmem>>
        %dma_start3A_412 = tpu.memref_squeeze %dma_start3A_411 : memref<1x128xi32, #tpu.memory_space<vmem>> -> memref<128xi32, #tpu.memory_space<vmem>>
        %dma_start3A_413 = arith.constant 0 : i32
        %dma_start3A_414 = arith.constant 0 : i32
        %dma_start3A_415 = tpu.memref_slice %arg2[%dma_start3A_413, %dma_start3A_414] : memref<10000x128xf32, #tpu.memory_space<hbm>> -> memref<10000x128xf32, #tpu.memory_space<hbm>>
        tpu.enqueue_indirect_dma source(%dma_start3A_415 : memref<10000x128xf32, #tpu.memory_space<hbm>>) target(%arg16 : memref<128x128xf32, #tpu.memory_space<vmem>>) offsets(%dma_start3A_412 : memref<128xi32, #tpu.memory_space<vmem>>) semaphore(%arg25 : memref<!tpu.dma_semaphore, #tpu.memory_space<semaphore_mem>>)
      } else {
      }
      %mul3A_194 = arith.constant 6 : i32
      %mul3A_195 = arith.muli %add3A_92, %mul3A_194 : i32
      %add3A_196 = arith.constant 2 : i32
      %add3A_197 = arith.addi %mul3A_195, %add3A_196 : i32
      %dma_wait3A_198 = arith.constant 0 : i32
      %dma_wait3A_199 = arith.constant 0 : i32
      %dma_wait3A_200 = tpu.memref_slice %arg11[%dma_wait3A_198, %dma_wait3A_199] : memref<2x128xi32, #tpu.memory_space<vmem>> -> memref<1x128xi32, #tpu.memory_space<vmem>>
      %dma_wait3A_201 = tpu.memref_squeeze %dma_wait3A_200 : memref<1x128xi32, #tpu.memory_space<vmem>> -> memref<128xi32, #tpu.memory_space<vmem>>
      %dma_wait3A_202 = arith.constant 0 : i32
      %dma_wait3A_203 = arith.constant 0 : i32
      %dma_wait3A_204 = tpu.memref_slice %arg2[%dma_wait3A_202, %dma_wait3A_203] : memref<10000x128xf32, #tpu.memory_space<hbm>> -> memref<10000x128xf32, #tpu.memory_space<hbm>>
      tpu.wait_indirect_dma semaphore(%arg24 : memref<!tpu.dma_semaphore, #tpu.memory_space<semaphore_mem>>) src(%dma_wait3A_204 : memref<10000x128xf32, #tpu.memory_space<hbm>>) dst(%arg15 : memref<128x128xf32, #tpu.memory_space<vmem>>)
      %dma_start3A_205 = arith.constant 1 : i32
      %dma_start3A_206 = arith.constant 0 : i32
      %dma_start3A_207 = tpu.memref_slice %arg11[%dma_start3A_205, %dma_start3A_206] : memref<2x128xi32, #tpu.memory_space<vmem>> -> memref<1x128xi32, #tpu.memory_space<vmem>>
      %dma_start3A_208 = tpu.memref_squeeze %dma_start3A_207 : memref<1x128xi32, #tpu.memory_space<vmem>> -> memref<128xi32, #tpu.memory_space<vmem>>
      %dma_start3A_209 = arith.constant 0 : i32
      %dma_start3A_210 = arith.constant 0 : i32
      %dma_start3A_211 = tpu.memref_slice %arg17[%dma_start3A_209, %dma_start3A_210] : memref<10000x128xf32, #tpu.memory_space<vmem_shared>> -> memref<10000x128xf32, #tpu.memory_space<vmem_shared>>
      tpu.enqueue_indirect_dma source(%arg15 : memref<128x128xf32, #tpu.memory_space<vmem>>) target(%dma_start3A_211 : memref<10000x128xf32, #tpu.memory_space<vmem_shared>>) offsets(%dma_start3A_208 : memref<128xi32, #tpu.memory_space<vmem>>) semaphore(%arg26 : memref<!tpu.dma_semaphore, #tpu.memory_space<semaphore_mem>>) {add = true}
      %ge3A_212 = arith.constant 3 : i32
      %ge3A_213 = arith.cmpi sge, %add3A_197, %ge3A_212 : i32
      %convert_element_type3A_214 = arith.extui %ge3A_213 : i1 to i32
      %cond3A_215 = arith.constant 0 : i32
      %cond3A_216 = arith.cmpi ne, %convert_element_type3A_214, %cond3A_215 : i32
      scf.if %cond3A_216 {
        %dma_wait3A_398 = arith.constant 1 : i32
        %dma_wait3A_399 = arith.constant 0 : i32
        %dma_wait3A_400 = tpu.memref_slice %arg11[%dma_wait3A_398, %dma_wait3A_399] : memref<2x128xi32, #tpu.memory_space<vmem>> -> memref<1x128xi32, #tpu.memory_space<vmem>>
        %dma_wait3A_401 = tpu.memref_squeeze %dma_wait3A_400 : memref<1x128xi32, #tpu.memory_space<vmem>> -> memref<128xi32, #tpu.memory_space<vmem>>
        %dma_wait3A_402 = arith.constant 0 : i32
        %dma_wait3A_403 = arith.constant 0 : i32
        %dma_wait3A_404 = tpu.memref_slice %arg29[%dma_wait3A_402, %dma_wait3A_403] : memref<10000x16xf32, #tpu.memory_space<vmem_shared>> -> memref<10000x16xf32, #tpu.memory_space<vmem_shared>>
        tpu.wait_indirect_dma semaphore(%arg32 : memref<!tpu.dma_semaphore, #tpu.memory_space<semaphore_mem>>) src(%arg28 : memref<128x16xf32, #tpu.memory_space<vmem>>) dst(%dma_wait3A_404 : memref<10000x16xf32, #tpu.memory_space<vmem_shared>>)
      } else {
      }
      %dma_start3A_217 = arith.constant 1 : i32
      %dma_start3A_218 = arith.constant 0 : i32
      %dma_start3A_219 = tpu.memref_slice %arg11[%dma_start3A_217, %dma_start3A_218] : memref<2x128xi32, #tpu.memory_space<vmem>> -> memref<1x128xi32, #tpu.memory_space<vmem>>
      %dma_start3A_220 = tpu.memref_squeeze %dma_start3A_219 : memref<1x128xi32, #tpu.memory_space<vmem>> -> memref<128xi32, #tpu.memory_space<vmem>>
      %dma_start3A_221 = arith.constant 0 : i32
      %dma_start3A_222 = arith.constant 0 : i32
      %dma_start3A_223 = tpu.memref_slice %arg29[%dma_start3A_221, %dma_start3A_222] : memref<10000x16xf32, #tpu.memory_space<vmem_shared>> -> memref<10000x16xf32, #tpu.memory_space<vmem_shared>>
      tpu.enqueue_indirect_dma source(%arg28 : memref<128x16xf32, #tpu.memory_space<vmem>>) target(%dma_start3A_223 : memref<10000x16xf32, #tpu.memory_space<vmem_shared>>) offsets(%dma_start3A_220 : memref<128xi32, #tpu.memory_space<vmem>>) semaphore(%arg32 : memref<!tpu.dma_semaphore, #tpu.memory_space<semaphore_mem>>) {add = true}
      %dma_wait3A_224 = arith.constant 1 : i32
      %dma_wait3A_225 = arith.constant 0 : i32
      %dma_wait3A_226 = tpu.memref_slice %arg11[%dma_wait3A_224, %dma_wait3A_225] : memref<2x128xi32, #tpu.memory_space<vmem>> -> memref<1x128xi32, #tpu.memory_space<vmem>>
      %dma_wait3A_227 = tpu.memref_squeeze %dma_wait3A_226 : memref<1x128xi32, #tpu.memory_space<vmem>> -> memref<128xi32, #tpu.memory_space<vmem>>
      %dma_wait3A_228 = arith.constant 0 : i32
      %dma_wait3A_229 = arith.constant 0 : i32
      %dma_wait3A_230 = tpu.memref_slice %arg17[%dma_wait3A_228, %dma_wait3A_229] : memref<10000x128xf32, #tpu.memory_space<vmem_shared>> -> memref<10000x128xf32, #tpu.memory_space<vmem_shared>>
      tpu.wait_indirect_dma semaphore(%arg26 : memref<!tpu.dma_semaphore, #tpu.memory_space<semaphore_mem>>) src(%arg15 : memref<128x128xf32, #tpu.memory_space<vmem>>) dst(%dma_wait3A_230 : memref<10000x128xf32, #tpu.memory_space<vmem_shared>>)
      %add3A_231 = arith.constant 3 : i32
      %add3A_232 = arith.addi %add3A_197, %add3A_231 : i32
      %lt3A_233 = arith.constant 78 : i32
      %lt3A_234 = arith.cmpi slt, %add3A_232, %lt3A_233 : i32
      %convert_element_type3A_235 = arith.extui %lt3A_234 : i1 to i32
      %cond3A_236 = arith.constant 0 : i32
      %cond3A_237 = arith.cmpi ne, %convert_element_type3A_235, %cond3A_236 : i32
      scf.if %cond3A_237 {
        %add3A_398 = arith.constant 3 : i32
        %add3A_399 = arith.addi %add3A_197, %add3A_398 : i32
        %mul3A_400 = arith.constant 32 : i32
        %mul3A_401 = arith.muli %add3A_399, %mul3A_400 : i32
        %add3A_402 = arith.addi %mul3A_401, %add3A : i32
        %mul3A_403 = arith.constant 128 : i32
        %mul3A_404 = arith.muli %add3A_402, %mul3A_403 : i32
        %dma_start3A_405 = arith.constant 0 : i32
        %dma_start3A_406 = tpu.memref_slice %arg3[%dma_start3A_405, %mul3A_404] : memref<2x320000xi32, #tpu.memory_space<hbm>> -> memref<2x128xi32, #tpu.memory_space<hbm>>
        %dma_start3A_407 = arith.constant 0 : i32
        %dma_start3A_408 = tpu.memref_slice %arg3[%dma_start3A_407, %mul3A_404] : memref<2x320000xi32, #tpu.memory_space<hbm>> -> memref<2x128xi32, #tpu.memory_space<hbm>>
        tpu.enqueue_dma source(%dma_start3A_408 : memref<2x128xi32, #tpu.memory_space<hbm>>) target(%arg14 : memref<2x128xi32, #tpu.memory_space<vmem>>) target_semaphore(%arg23 : memref<!tpu.dma_semaphore, #tpu.memory_space<semaphore_mem>>)
      } else {
      }
      %add3A_238 = arith.constant 2 : i32
      %add3A_239 = arith.addi %add3A_197, %add3A_238 : i32
      %lt3A_240 = arith.constant 78 : i32
      %lt3A_241 = arith.cmpi slt, %add3A_239, %lt3A_240 : i32
      %convert_element_type3A_242 = arith.extui %lt3A_241 : i1 to i32
      %cond3A_243 = arith.constant 0 : i32
      %cond3A_244 = arith.cmpi ne, %convert_element_type3A_242, %cond3A_243 : i32
      scf.if %cond3A_244 {
        %add3A_398 = arith.constant 2 : i32
        %add3A_399 = arith.addi %add3A_197, %add3A_398 : i32
        %mul3A_400 = arith.constant 32 : i32
        %mul3A_401 = arith.muli %add3A_399, %mul3A_400 : i32
        %add3A_402 = arith.addi %mul3A_401, %add3A : i32
        %mul3A_403 = arith.constant 128 : i32
        %mul3A_404 = arith.muli %add3A_402, %mul3A_403 : i32
        %dma_wait3A_405 = arith.constant 0 : i32
        %dma_wait3A_406 = tpu.memref_slice %arg3[%dma_wait3A_405, %mul3A_404] : memref<2x320000xi32, #tpu.memory_space<hbm>> -> memref<2x128xi32, #tpu.memory_space<hbm>>
        %dma_wait3A_407 = arith.constant 0 : i32
        %dma_wait3A_408 = tpu.memref_slice %arg3[%dma_wait3A_407, %mul3A_404] : memref<2x320000xi32, #tpu.memory_space<hbm>> -> memref<2x128xi32, #tpu.memory_space<hbm>>
        tpu.wait_dma2 semaphore(%arg22 : memref<!tpu.dma_semaphore, #tpu.memory_space<semaphore_mem>>) src(%dma_wait3A_408 : memref<2x128xi32, #tpu.memory_space<hbm>>) dst(%arg13 : memref<2x128xi32, #tpu.memory_space<vmem>>)
        %dma_start3A_409 = arith.constant 0 : i32
        %dma_start3A_410 = arith.constant 0 : i32
        %dma_start3A_411 = tpu.memref_slice %arg13[%dma_start3A_409, %dma_start3A_410] : memref<2x128xi32, #tpu.memory_space<vmem>> -> memref<1x128xi32, #tpu.memory_space<vmem>>
        %dma_start3A_412 = tpu.memref_squeeze %dma_start3A_411 : memref<1x128xi32, #tpu.memory_space<vmem>> -> memref<128xi32, #tpu.memory_space<vmem>>
        %dma_start3A_413 = arith.constant 0 : i32
        %dma_start3A_414 = arith.constant 0 : i32
        %dma_start3A_415 = tpu.memref_slice %arg2[%dma_start3A_413, %dma_start3A_414] : memref<10000x128xf32, #tpu.memory_space<hbm>> -> memref<10000x128xf32, #tpu.memory_space<hbm>>
        tpu.enqueue_indirect_dma source(%dma_start3A_415 : memref<10000x128xf32, #tpu.memory_space<hbm>>) target(%arg15 : memref<128x128xf32, #tpu.memory_space<vmem>>) offsets(%dma_start3A_412 : memref<128xi32, #tpu.memory_space<vmem>>) semaphore(%arg24 : memref<!tpu.dma_semaphore, #tpu.memory_space<semaphore_mem>>)
      } else {
      }
      %mul3A_245 = arith.constant 6 : i32
      %mul3A_246 = arith.muli %add3A_92, %mul3A_245 : i32
      %add3A_247 = arith.constant 3 : i32
      %add3A_248 = arith.addi %mul3A_246, %add3A_247 : i32
      %dma_wait3A_249 = arith.constant 0 : i32
      %dma_wait3A_250 = arith.constant 0 : i32
      %dma_wait3A_251 = tpu.memref_slice %arg12[%dma_wait3A_249, %dma_wait3A_250] : memref<2x128xi32, #tpu.memory_space<vmem>> -> memref<1x128xi32, #tpu.memory_space<vmem>>
      %dma_wait3A_252 = tpu.memref_squeeze %dma_wait3A_251 : memref<1x128xi32, #tpu.memory_space<vmem>> -> memref<128xi32, #tpu.memory_space<vmem>>
      %dma_wait3A_253 = arith.constant 0 : i32
      %dma_wait3A_254 = arith.constant 0 : i32
      %dma_wait3A_255 = tpu.memref_slice %arg2[%dma_wait3A_253, %dma_wait3A_254] : memref<10000x128xf32, #tpu.memory_space<hbm>> -> memref<10000x128xf32, #tpu.memory_space<hbm>>
      tpu.wait_indirect_dma semaphore(%arg25 : memref<!tpu.dma_semaphore, #tpu.memory_space<semaphore_mem>>) src(%dma_wait3A_255 : memref<10000x128xf32, #tpu.memory_space<hbm>>) dst(%arg16 : memref<128x128xf32, #tpu.memory_space<vmem>>)
      %dma_start3A_256 = arith.constant 1 : i32
      %dma_start3A_257 = arith.constant 0 : i32
      %dma_start3A_258 = tpu.memref_slice %arg12[%dma_start3A_256, %dma_start3A_257] : memref<2x128xi32, #tpu.memory_space<vmem>> -> memref<1x128xi32, #tpu.memory_space<vmem>>
      %dma_start3A_259 = tpu.memref_squeeze %dma_start3A_258 : memref<1x128xi32, #tpu.memory_space<vmem>> -> memref<128xi32, #tpu.memory_space<vmem>>
      %dma_start3A_260 = arith.constant 0 : i32
      %dma_start3A_261 = arith.constant 0 : i32
      %dma_start3A_262 = tpu.memref_slice %arg17[%dma_start3A_260, %dma_start3A_261] : memref<10000x128xf32, #tpu.memory_space<vmem_shared>> -> memref<10000x128xf32, #tpu.memory_space<vmem_shared>>
      tpu.enqueue_indirect_dma source(%arg16 : memref<128x128xf32, #tpu.memory_space<vmem>>) target(%dma_start3A_262 : memref<10000x128xf32, #tpu.memory_space<vmem_shared>>) offsets(%dma_start3A_259 : memref<128xi32, #tpu.memory_space<vmem>>) semaphore(%arg27 : memref<!tpu.dma_semaphore, #tpu.memory_space<semaphore_mem>>) {add = true}
      %ge3A_263 = arith.constant 3 : i32
      %ge3A_264 = arith.cmpi sge, %add3A_248, %ge3A_263 : i32
      %convert_element_type3A_265 = arith.extui %ge3A_264 : i1 to i32
      %cond3A_266 = arith.constant 0 : i32
      %cond3A_267 = arith.cmpi ne, %convert_element_type3A_265, %cond3A_266 : i32
      scf.if %cond3A_267 {
        %dma_wait3A_398 = arith.constant 1 : i32
        %dma_wait3A_399 = arith.constant 0 : i32
        %dma_wait3A_400 = tpu.memref_slice %arg12[%dma_wait3A_398, %dma_wait3A_399] : memref<2x128xi32, #tpu.memory_space<vmem>> -> memref<1x128xi32, #tpu.memory_space<vmem>>
        %dma_wait3A_401 = tpu.memref_squeeze %dma_wait3A_400 : memref<1x128xi32, #tpu.memory_space<vmem>> -> memref<128xi32, #tpu.memory_space<vmem>>
        %dma_wait3A_402 = arith.constant 0 : i32
        %dma_wait3A_403 = arith.constant 0 : i32
        %dma_wait3A_404 = tpu.memref_slice %arg29[%dma_wait3A_402, %dma_wait3A_403] : memref<10000x16xf32, #tpu.memory_space<vmem_shared>> -> memref<10000x16xf32, #tpu.memory_space<vmem_shared>>
        tpu.wait_indirect_dma semaphore(%arg30 : memref<!tpu.dma_semaphore, #tpu.memory_space<semaphore_mem>>) src(%arg28 : memref<128x16xf32, #tpu.memory_space<vmem>>) dst(%dma_wait3A_404 : memref<10000x16xf32, #tpu.memory_space<vmem_shared>>)
      } else {
      }
      %dma_start3A_268 = arith.constant 1 : i32
      %dma_start3A_269 = arith.constant 0 : i32
      %dma_start3A_270 = tpu.memref_slice %arg12[%dma_start3A_268, %dma_start3A_269] : memref<2x128xi32, #tpu.memory_space<vmem>> -> memref<1x128xi32, #tpu.memory_space<vmem>>
      %dma_start3A_271 = tpu.memref_squeeze %dma_start3A_270 : memref<1x128xi32, #tpu.memory_space<vmem>> -> memref<128xi32, #tpu.memory_space<vmem>>
      %dma_start3A_272 = arith.constant 0 : i32
      %dma_start3A_273 = arith.constant 0 : i32
      %dma_start3A_274 = tpu.memref_slice %arg29[%dma_start3A_272, %dma_start3A_273] : memref<10000x16xf32, #tpu.memory_space<vmem_shared>> -> memref<10000x16xf32, #tpu.memory_space<vmem_shared>>
      tpu.enqueue_indirect_dma source(%arg28 : memref<128x16xf32, #tpu.memory_space<vmem>>) target(%dma_start3A_274 : memref<10000x16xf32, #tpu.memory_space<vmem_shared>>) offsets(%dma_start3A_271 : memref<128xi32, #tpu.memory_space<vmem>>) semaphore(%arg30 : memref<!tpu.dma_semaphore, #tpu.memory_space<semaphore_mem>>) {add = true}
      %dma_wait3A_275 = arith.constant 1 : i32
      %dma_wait3A_276 = arith.constant 0 : i32
      %dma_wait3A_277 = tpu.memref_slice %arg12[%dma_wait3A_275, %dma_wait3A_276] : memref<2x128xi32, #tpu.memory_space<vmem>> -> memref<1x128xi32, #tpu.memory_space<vmem>>
      %dma_wait3A_278 = tpu.memref_squeeze %dma_wait3A_277 : memref<1x128xi32, #tpu.memory_space<vmem>> -> memref<128xi32, #tpu.memory_space<vmem>>
      %dma_wait3A_279 = arith.constant 0 : i32
      %dma_wait3A_280 = arith.constant 0 : i32
      %dma_wait3A_281 = tpu.memref_slice %arg17[%dma_wait3A_279, %dma_wait3A_280] : memref<10000x128xf32, #tpu.memory_space<vmem_shared>> -> memref<10000x128xf32, #tpu.memory_space<vmem_shared>>
      tpu.wait_indirect_dma semaphore(%arg27 : memref<!tpu.dma_semaphore, #tpu.memory_space<semaphore_mem>>) src(%arg16 : memref<128x128xf32, #tpu.memory_space<vmem>>) dst(%dma_wait3A_281 : memref<10000x128xf32, #tpu.memory_space<vmem_shared>>)
      %add3A_282 = arith.constant 3 : i32
      %add3A_283 = arith.addi %add3A_248, %add3A_282 : i32
      %lt3A_284 = arith.constant 78 : i32
      %lt3A_285 = arith.cmpi slt, %add3A_283, %lt3A_284 : i32
      %convert_element_type3A_286 = arith.extui %lt3A_285 : i1 to i32
      %cond3A_287 = arith.constant 0 : i32
      %cond3A_288 = arith.cmpi ne, %convert_element_type3A_286, %cond3A_287 : i32
      scf.if %cond3A_288 {
        %add3A_398 = arith.constant 3 : i32
        %add3A_399 = arith.addi %add3A_248, %add3A_398 : i32
        %mul3A_400 = arith.constant 32 : i32
        %mul3A_401 = arith.muli %add3A_399, %mul3A_400 : i32
        %add3A_402 = arith.addi %mul3A_401, %add3A : i32
        %mul3A_403 = arith.constant 128 : i32
        %mul3A_404 = arith.muli %add3A_402, %mul3A_403 : i32
        %dma_start3A_405 = arith.constant 0 : i32
        %dma_start3A_406 = tpu.memref_slice %arg3[%dma_start3A_405, %mul3A_404] : memref<2x320000xi32, #tpu.memory_space<hbm>> -> memref<2x128xi32, #tpu.memory_space<hbm>>
        %dma_start3A_407 = arith.constant 0 : i32
        %dma_start3A_408 = tpu.memref_slice %arg3[%dma_start3A_407, %mul3A_404] : memref<2x320000xi32, #tpu.memory_space<hbm>> -> memref<2x128xi32, #tpu.memory_space<hbm>>
        tpu.enqueue_dma source(%dma_start3A_408 : memref<2x128xi32, #tpu.memory_space<hbm>>) target(%arg9 : memref<2x128xi32, #tpu.memory_space<vmem>>) target_semaphore(%arg18 : memref<!tpu.dma_semaphore, #tpu.memory_space<semaphore_mem>>)
      } else {
      }
      %add3A_289 = arith.constant 2 : i32
      %add3A_290 = arith.addi %add3A_248, %add3A_289 : i32
      %lt3A_291 = arith.constant 78 : i32
      %lt3A_292 = arith.cmpi slt, %add3A_290, %lt3A_291 : i32
      %convert_element_type3A_293 = arith.extui %lt3A_292 : i1 to i32
      %cond3A_294 = arith.constant 0 : i32
      %cond3A_295 = arith.cmpi ne, %convert_element_type3A_293, %cond3A_294 : i32
      scf.if %cond3A_295 {
        %add3A_398 = arith.constant 2 : i32
        %add3A_399 = arith.addi %add3A_248, %add3A_398 : i32
        %mul3A_400 = arith.constant 32 : i32
        %mul3A_401 = arith.muli %add3A_399, %mul3A_400 : i32
        %add3A_402 = arith.addi %mul3A_401, %add3A : i32
        %mul3A_403 = arith.constant 128 : i32
        %mul3A_404 = arith.muli %add3A_402, %mul3A_403 : i32
        %dma_wait3A_405 = arith.constant 0 : i32
        %dma_wait3A_406 = tpu.memref_slice %arg3[%dma_wait3A_405, %mul3A_404] : memref<2x320000xi32, #tpu.memory_space<hbm>> -> memref<2x128xi32, #tpu.memory_space<hbm>>
        %dma_wait3A_407 = arith.constant 0 : i32
        %dma_wait3A_408 = tpu.memref_slice %arg3[%dma_wait3A_407, %mul3A_404] : memref<2x320000xi32, #tpu.memory_space<hbm>> -> memref<2x128xi32, #tpu.memory_space<hbm>>
        tpu.wait_dma2 semaphore(%arg23 : memref<!tpu.dma_semaphore, #tpu.memory_space<semaphore_mem>>) src(%dma_wait3A_408 : memref<2x128xi32, #tpu.memory_space<hbm>>) dst(%arg14 : memref<2x128xi32, #tpu.memory_space<vmem>>)
        %dma_start3A_409 = arith.constant 0 : i32
        %dma_start3A_410 = arith.constant 0 : i32
        %dma_start3A_411 = tpu.memref_slice %arg14[%dma_start3A_409, %dma_start3A_410] : memref<2x128xi32, #tpu.memory_space<vmem>> -> memref<1x128xi32, #tpu.memory_space<vmem>>
        %dma_start3A_412 = tpu.memref_squeeze %dma_start3A_411 : memref<1x128xi32, #tpu.memory_space<vmem>> -> memref<128xi32, #tpu.memory_space<vmem>>
        %dma_start3A_413 = arith.constant 0 : i32
        %dma_start3A_414 = arith.constant 0 : i32
        %dma_start3A_415 = tpu.memref_slice %arg2[%dma_start3A_413, %dma_start3A_414] : memref<10000x128xf32, #tpu.memory_space<hbm>> -> memref<10000x128xf32, #tpu.memory_space<hbm>>
        tpu.enqueue_indirect_dma source(%dma_start3A_415 : memref<10000x128xf32, #tpu.memory_space<hbm>>) target(%arg16 : memref<128x128xf32, #tpu.memory_space<vmem>>) offsets(%dma_start3A_412 : memref<128xi32, #tpu.memory_space<vmem>>) semaphore(%arg25 : memref<!tpu.dma_semaphore, #tpu.memory_space<semaphore_mem>>)
      } else {
      }
      %mul3A_296 = arith.constant 6 : i32
      %mul3A_297 = arith.muli %add3A_92, %mul3A_296 : i32
      %add3A_298 = arith.constant 4 : i32
      %add3A_299 = arith.addi %mul3A_297, %add3A_298 : i32
      %dma_wait3A_300 = arith.constant 0 : i32
      %dma_wait3A_301 = arith.constant 0 : i32
      %dma_wait3A_302 = tpu.memref_slice %arg13[%dma_wait3A_300, %dma_wait3A_301] : memref<2x128xi32, #tpu.memory_space<vmem>> -> memref<1x128xi32, #tpu.memory_space<vmem>>
      %dma_wait3A_303 = tpu.memref_squeeze %dma_wait3A_302 : memref<1x128xi32, #tpu.memory_space<vmem>> -> memref<128xi32, #tpu.memory_space<vmem>>
      %dma_wait3A_304 = arith.constant 0 : i32
      %dma_wait3A_305 = arith.constant 0 : i32
      %dma_wait3A_306 = tpu.memref_slice %arg2[%dma_wait3A_304, %dma_wait3A_305] : memref<10000x128xf32, #tpu.memory_space<hbm>> -> memref<10000x128xf32, #tpu.memory_space<hbm>>
      tpu.wait_indirect_dma semaphore(%arg24 : memref<!tpu.dma_semaphore, #tpu.memory_space<semaphore_mem>>) src(%dma_wait3A_306 : memref<10000x128xf32, #tpu.memory_space<hbm>>) dst(%arg15 : memref<128x128xf32, #tpu.memory_space<vmem>>)
      %dma_start3A_307 = arith.constant 1 : i32
      %dma_start3A_308 = arith.constant 0 : i32
      %dma_start3A_309 = tpu.memref_slice %arg13[%dma_start3A_307, %dma_start3A_308] : memref<2x128xi32, #tpu.memory_space<vmem>> -> memref<1x128xi32, #tpu.memory_space<vmem>>
      %dma_start3A_310 = tpu.memref_squeeze %dma_start3A_309 : memref<1x128xi32, #tpu.memory_space<vmem>> -> memref<128xi32, #tpu.memory_space<vmem>>
      %dma_start3A_311 = arith.constant 0 : i32
      %dma_start3A_312 = arith.constant 0 : i32
      %dma_start3A_313 = tpu.memref_slice %arg17[%dma_start3A_311, %dma_start3A_312] : memref<10000x128xf32, #tpu.memory_space<vmem_shared>> -> memref<10000x128xf32, #tpu.memory_space<vmem_shared>>
      tpu.enqueue_indirect_dma source(%arg15 : memref<128x128xf32, #tpu.memory_space<vmem>>) target(%dma_start3A_313 : memref<10000x128xf32, #tpu.memory_space<vmem_shared>>) offsets(%dma_start3A_310 : memref<128xi32, #tpu.memory_space<vmem>>) semaphore(%arg26 : memref<!tpu.dma_semaphore, #tpu.memory_space<semaphore_mem>>) {add = true}
      %ge3A_314 = arith.constant 3 : i32
      %ge3A_315 = arith.cmpi sge, %add3A_299, %ge3A_314 : i32
      %convert_element_type3A_316 = arith.extui %ge3A_315 : i1 to i32
      %cond3A_317 = arith.constant 0 : i32
      %cond3A_318 = arith.cmpi ne, %convert_element_type3A_316, %cond3A_317 : i32
      scf.if %cond3A_318 {
        %dma_wait3A_398 = arith.constant 1 : i32
        %dma_wait3A_399 = arith.constant 0 : i32
        %dma_wait3A_400 = tpu.memref_slice %arg13[%dma_wait3A_398, %dma_wait3A_399] : memref<2x128xi32, #tpu.memory_space<vmem>> -> memref<1x128xi32, #tpu.memory_space<vmem>>
        %dma_wait3A_401 = tpu.memref_squeeze %dma_wait3A_400 : memref<1x128xi32, #tpu.memory_space<vmem>> -> memref<128xi32, #tpu.memory_space<vmem>>
        %dma_wait3A_402 = arith.constant 0 : i32
        %dma_wait3A_403 = arith.constant 0 : i32
        %dma_wait3A_404 = tpu.memref_slice %arg29[%dma_wait3A_402, %dma_wait3A_403] : memref<10000x16xf32, #tpu.memory_space<vmem_shared>> -> memref<10000x16xf32, #tpu.memory_space<vmem_shared>>
        tpu.wait_indirect_dma semaphore(%arg31 : memref<!tpu.dma_semaphore, #tpu.memory_space<semaphore_mem>>) src(%arg28 : memref<128x16xf32, #tpu.memory_space<vmem>>) dst(%dma_wait3A_404 : memref<10000x16xf32, #tpu.memory_space<vmem_shared>>)
      } else {
      }
      %dma_start3A_319 = arith.constant 1 : i32
      %dma_start3A_320 = arith.constant 0 : i32
      %dma_start3A_321 = tpu.memref_slice %arg13[%dma_start3A_319, %dma_start3A_320] : memref<2x128xi32, #tpu.memory_space<vmem>> -> memref<1x128xi32, #tpu.memory_space<vmem>>
      %dma_start3A_322 = tpu.memref_squeeze %dma_start3A_321 : memref<1x128xi32, #tpu.memory_space<vmem>> -> memref<128xi32, #tpu.memory_space<vmem>>
      %dma_start3A_323 = arith.constant 0 : i32
      %dma_start3A_324 = arith.constant 0 : i32
      %dma_start3A_325 = tpu.memref_slice %arg29[%dma_start3A_323, %dma_start3A_324] : memref<10000x16xf32, #tpu.memory_space<vmem_shared>> -> memref<10000x16xf32, #tpu.memory_space<vmem_shared>>
      tpu.enqueue_indirect_dma source(%arg28 : memref<128x16xf32, #tpu.memory_space<vmem>>) target(%dma_start3A_325 : memref<10000x16xf32, #tpu.memory_space<vmem_shared>>) offsets(%dma_start3A_322 : memref<128xi32, #tpu.memory_space<vmem>>) semaphore(%arg31 : memref<!tpu.dma_semaphore, #tpu.memory_space<semaphore_mem>>) {add = true}
      %dma_wait3A_326 = arith.constant 1 : i32
      %dma_wait3A_327 = arith.constant 0 : i32
      %dma_wait3A_328 = tpu.memref_slice %arg13[%dma_wait3A_326, %dma_wait3A_327] : memref<2x128xi32, #tpu.memory_space<vmem>> -> memref<1x128xi32, #tpu.memory_space<vmem>>
      %dma_wait3A_329 = tpu.memref_squeeze %dma_wait3A_328 : memref<1x128xi32, #tpu.memory_space<vmem>> -> memref<128xi32, #tpu.memory_space<vmem>>
      %dma_wait3A_330 = arith.constant 0 : i32
      %dma_wait3A_331 = arith.constant 0 : i32
      %dma_wait3A_332 = tpu.memref_slice %arg17[%dma_wait3A_330, %dma_wait3A_331] : memref<10000x128xf32, #tpu.memory_space<vmem_shared>> -> memref<10000x128xf32, #tpu.memory_space<vmem_shared>>
      tpu.wait_indirect_dma semaphore(%arg26 : memref<!tpu.dma_semaphore, #tpu.memory_space<semaphore_mem>>) src(%arg15 : memref<128x128xf32, #tpu.memory_space<vmem>>) dst(%dma_wait3A_332 : memref<10000x128xf32, #tpu.memory_space<vmem_shared>>)
      %add3A_333 = arith.constant 3 : i32
      %add3A_334 = arith.addi %add3A_299, %add3A_333 : i32
      %lt3A_335 = arith.constant 78 : i32
      %lt3A_336 = arith.cmpi slt, %add3A_334, %lt3A_335 : i32
      %convert_element_type3A_337 = arith.extui %lt3A_336 : i1 to i32
      %cond3A_338 = arith.constant 0 : i32
      %cond3A_339 = arith.cmpi ne, %convert_element_type3A_337, %cond3A_338 : i32
      scf.if %cond3A_339 {
        %add3A_398 = arith.constant 3 : i32
        %add3A_399 = arith.addi %add3A_299, %add3A_398 : i32
        %mul3A_400 = arith.constant 32 : i32
        %mul3A_401 = arith.muli %add3A_399, %mul3A_400 : i32
        %add3A_402 = arith.addi %mul3A_401, %add3A : i32
        %mul3A_403 = arith.constant 128 : i32
        %mul3A_404 = arith.muli %add3A_402, %mul3A_403 : i32
        %dma_start3A_405 = arith.constant 0 : i32
        %dma_start3A_406 = tpu.memref_slice %arg3[%dma_start3A_405, %mul3A_404] : memref<2x320000xi32, #tpu.memory_space<hbm>> -> memref<2x128xi32, #tpu.memory_space<hbm>>
        %dma_start3A_407 = arith.constant 0 : i32
        %dma_start3A_408 = tpu.memref_slice %arg3[%dma_start3A_407, %mul3A_404] : memref<2x320000xi32, #tpu.memory_space<hbm>> -> memref<2x128xi32, #tpu.memory_space<hbm>>
        tpu.enqueue_dma source(%dma_start3A_408 : memref<2x128xi32, #tpu.memory_space<hbm>>) target(%arg10 : memref<2x128xi32, #tpu.memory_space<vmem>>) target_semaphore(%arg19 : memref<!tpu.dma_semaphore, #tpu.memory_space<semaphore_mem>>)
      } else {
      }
      %add3A_340 = arith.constant 2 : i32
      %add3A_341 = arith.addi %add3A_299, %add3A_340 : i32
      %lt3A_342 = arith.constant 78 : i32
      %lt3A_343 = arith.cmpi slt, %add3A_341, %lt3A_342 : i32
      %convert_element_type3A_344 = arith.extui %lt3A_343 : i1 to i32
      %cond3A_345 = arith.constant 0 : i32
      %cond3A_346 = arith.cmpi ne, %convert_element_type3A_344, %cond3A_345 : i32
      scf.if %cond3A_346 {
        %add3A_398 = arith.constant 2 : i32
        %add3A_399 = arith.addi %add3A_299, %add3A_398 : i32
        %mul3A_400 = arith.constant 32 : i32
        %mul3A_401 = arith.muli %add3A_399, %mul3A_400 : i32
        %add3A_402 = arith.addi %mul3A_401, %add3A : i32
        %mul3A_403 = arith.constant 128 : i32
        %mul3A_404 = arith.muli %add3A_402, %mul3A_403 : i32
        %dma_wait3A_405 = arith.constant 0 : i32
        %dma_wait3A_406 = tpu.memref_slice %arg3[%dma_wait3A_405, %mul3A_404] : memref<2x320000xi32, #tpu.memory_space<hbm>> -> memref<2x128xi32, #tpu.memory_space<hbm>>
        %dma_wait3A_407 = arith.constant 0 : i32
        %dma_wait3A_408 = tpu.memref_slice %arg3[%dma_wait3A_407, %mul3A_404] : memref<2x320000xi32, #tpu.memory_space<hbm>> -> memref<2x128xi32, #tpu.memory_space<hbm>>
        tpu.wait_dma2 semaphore(%arg18 : memref<!tpu.dma_semaphore, #tpu.memory_space<semaphore_mem>>) src(%dma_wait3A_408 : memref<2x128xi32, #tpu.memory_space<hbm>>) dst(%arg9 : memref<2x128xi32, #tpu.memory_space<vmem>>)
        %dma_start3A_409 = arith.constant 0 : i32
        %dma_start3A_410 = arith.constant 0 : i32
        %dma_start3A_411 = tpu.memref_slice %arg9[%dma_start3A_409, %dma_start3A_410] : memref<2x128xi32, #tpu.memory_space<vmem>> -> memref<1x128xi32, #tpu.memory_space<vmem>>
        %dma_start3A_412 = tpu.memref_squeeze %dma_start3A_411 : memref<1x128xi32, #tpu.memory_space<vmem>> -> memref<128xi32, #tpu.memory_space<vmem>>
        %dma_start3A_413 = arith.constant 0 : i32
        %dma_start3A_414 = arith.constant 0 : i32
        %dma_start3A_415 = tpu.memref_slice %arg2[%dma_start3A_413, %dma_start3A_414] : memref<10000x128xf32, #tpu.memory_space<hbm>> -> memref<10000x128xf32, #tpu.memory_space<hbm>>
        tpu.enqueue_indirect_dma source(%dma_start3A_415 : memref<10000x128xf32, #tpu.memory_space<hbm>>) target(%arg15 : memref<128x128xf32, #tpu.memory_space<vmem>>) offsets(%dma_start3A_412 : memref<128xi32, #tpu.memory_space<vmem>>) semaphore(%arg24 : memref<!tpu.dma_semaphore, #tpu.memory_space<semaphore_mem>>)
      } else {
      }
      %mul3A_347 = arith.constant 6 : i32
      %mul3A_348 = arith.muli %add3A_92, %mul3A_347 : i32
      %add3A_349 = arith.constant 5 : i32
      %add3A_350 = arith.addi %mul3A_348, %add3A_349 : i32
      %dma_wait3A_351 = arith.constant 0 : i32
      %dma_wait3A_352 = arith.constant 0 : i32
      %dma_wait3A_353 = tpu.memref_slice %arg14[%dma_wait3A_351, %dma_wait3A_352] : memref<2x128xi32, #tpu.memory_space<vmem>> -> memref<1x128xi32, #tpu.memory_space<vmem>>
      %dma_wait3A_354 = tpu.memref_squeeze %dma_wait3A_353 : memref<1x128xi32, #tpu.memory_space<vmem>> -> memref<128xi32, #tpu.memory_space<vmem>>
      %dma_wait3A_355 = arith.constant 0 : i32
      %dma_wait3A_356 = arith.constant 0 : i32
      %dma_wait3A_357 = tpu.memref_slice %arg2[%dma_wait3A_355, %dma_wait3A_356] : memref<10000x128xf32, #tpu.memory_space<hbm>> -> memref<10000x128xf32, #tpu.memory_space<hbm>>
      tpu.wait_indirect_dma semaphore(%arg25 : memref<!tpu.dma_semaphore, #tpu.memory_space<semaphore_mem>>) src(%dma_wait3A_357 : memref<10000x128xf32, #tpu.memory_space<hbm>>) dst(%arg16 : memref<128x128xf32, #tpu.memory_space<vmem>>)
      %dma_start3A_358 = arith.constant 1 : i32
      %dma_start3A_359 = arith.constant 0 : i32
      %dma_start3A_360 = tpu.memref_slice %arg14[%dma_start3A_358, %dma_start3A_359] : memref<2x128xi32, #tpu.memory_space<vmem>> -> memref<1x128xi32, #tpu.memory_space<vmem>>
      %dma_start3A_361 = tpu.memref_squeeze %dma_start3A_360 : memref<1x128xi32, #tpu.memory_space<vmem>> -> memref<128xi32, #tpu.memory_space<vmem>>
      %dma_start3A_362 = arith.constant 0 : i32
      %dma_start3A_363 = arith.constant 0 : i32
      %dma_start3A_364 = tpu.memref_slice %arg17[%dma_start3A_362, %dma_start3A_363] : memref<10000x128xf32, #tpu.memory_space<vmem_shared>> -> memref<10000x128xf32, #tpu.memory_space<vmem_shared>>
      tpu.enqueue_indirect_dma source(%arg16 : memref<128x128xf32, #tpu.memory_space<vmem>>) target(%dma_start3A_364 : memref<10000x128xf32, #tpu.memory_space<vmem_shared>>) offsets(%dma_start3A_361 : memref<128xi32, #tpu.memory_space<vmem>>) semaphore(%arg27 : memref<!tpu.dma_semaphore, #tpu.memory_space<semaphore_mem>>) {add = true}
      %ge3A_365 = arith.constant 3 : i32
      %ge3A_366 = arith.cmpi sge, %add3A_350, %ge3A_365 : i32
      %convert_element_type3A_367 = arith.extui %ge3A_366 : i1 to i32
      %cond3A_368 = arith.constant 0 : i32
      %cond3A_369 = arith.cmpi ne, %convert_element_type3A_367, %cond3A_368 : i32
      scf.if %cond3A_369 {
        %dma_wait3A_398 = arith.constant 1 : i32
        %dma_wait3A_399 = arith.constant 0 : i32
        %dma_wait3A_400 = tpu.memref_slice %arg14[%dma_wait3A_398, %dma_wait3A_399] : memref<2x128xi32, #tpu.memory_space<vmem>> -> memref<1x128xi32, #tpu.memory_space<vmem>>
        %dma_wait3A_401 = tpu.memref_squeeze %dma_wait3A_400 : memref<1x128xi32, #tpu.memory_space<vmem>> -> memref<128xi32, #tpu.memory_space<vmem>>
        %dma_wait3A_402 = arith.constant 0 : i32
        %dma_wait3A_403 = arith.constant 0 : i32
        %dma_wait3A_404 = tpu.memref_slice %arg29[%dma_wait3A_402, %dma_wait3A_403] : memref<10000x16xf32, #tpu.memory_space<vmem_shared>> -> memref<10000x16xf32, #tpu.memory_space<vmem_shared>>
        tpu.wait_indirect_dma semaphore(%arg32 : memref<!tpu.dma_semaphore, #tpu.memory_space<semaphore_mem>>) src(%arg28 : memref<128x16xf32, #tpu.memory_space<vmem>>) dst(%dma_wait3A_404 : memref<10000x16xf32, #tpu.memory_space<vmem_shared>>)
      } else {
      }
      %dma_start3A_370 = arith.constant 1 : i32
      %dma_start3A_371 = arith.constant 0 : i32
      %dma_start3A_372 = tpu.memref_slice %arg14[%dma_start3A_370, %dma_start3A_371] : memref<2x128xi32, #tpu.memory_space<vmem>> -> memref<1x128xi32, #tpu.memory_space<vmem>>
      %dma_start3A_373 = tpu.memref_squeeze %dma_start3A_372 : memref<1x128xi32, #tpu.memory_space<vmem>> -> memref<128xi32, #tpu.memory_space<vmem>>
      %dma_start3A_374 = arith.constant 0 : i32
      %dma_start3A_375 = arith.constant 0 : i32
      %dma_start3A_376 = tpu.memref_slice %arg29[%dma_start3A_374, %dma_start3A_375] : memref<10000x16xf32, #tpu.memory_space<vmem_shared>> -> memref<10000x16xf32, #tpu.memory_space<vmem_shared>>
      tpu.enqueue_indirect_dma source(%arg28 : memref<128x16xf32, #tpu.memory_space<vmem>>) target(%dma_start3A_376 : memref<10000x16xf32, #tpu.memory_space<vmem_shared>>) offsets(%dma_start3A_373 : memref<128xi32, #tpu.memory_space<vmem>>) semaphore(%arg32 : memref<!tpu.dma_semaphore, #tpu.memory_space<semaphore_mem>>) {add = true}
      %dma_wait3A_377 = arith.constant 1 : i32
      %dma_wait3A_378 = arith.constant 0 : i32
      %dma_wait3A_379 = tpu.memref_slice %arg14[%dma_wait3A_377, %dma_wait3A_378] : memref<2x128xi32, #tpu.memory_space<vmem>> -> memref<1x128xi32, #tpu.memory_space<vmem>>
      %dma_wait3A_380 = tpu.memref_squeeze %dma_wait3A_379 : memref<1x128xi32, #tpu.memory_space<vmem>> -> memref<128xi32, #tpu.memory_space<vmem>>
      %dma_wait3A_381 = arith.constant 0 : i32
      %dma_wait3A_382 = arith.constant 0 : i32
      %dma_wait3A_383 = tpu.memref_slice %arg17[%dma_wait3A_381, %dma_wait3A_382] : memref<10000x128xf32, #tpu.memory_space<vmem_shared>> -> memref<10000x128xf32, #tpu.memory_space<vmem_shared>>
      tpu.wait_indirect_dma semaphore(%arg27 : memref<!tpu.dma_semaphore, #tpu.memory_space<semaphore_mem>>) src(%arg16 : memref<128x128xf32, #tpu.memory_space<vmem>>) dst(%dma_wait3A_383 : memref<10000x128xf32, #tpu.memory_space<vmem_shared>>)
      %add3A_384 = arith.constant 3 : i32
      %add3A_385 = arith.addi %add3A_350, %add3A_384 : i32
      %lt3A_386 = arith.constant 78 : i32
      %lt3A_387 = arith.cmpi slt, %add3A_385, %lt3A_386 : i32
      %convert_element_type3A_388 = arith.extui %lt3A_387 : i1 to i32
      %cond3A_389 = arith.constant 0 : i32
      %cond3A_390 = arith.cmpi ne, %convert_element_type3A_388, %cond3A_389 : i32
      scf.if %cond3A_390 {
        %add3A_398 = arith.constant 3 : i32
        %add3A_399 = arith.addi %add3A_350, %add3A_398 : i32
        %mul3A_400 = arith.constant 32 : i32
        %mul3A_401 = arith.muli %add3A_399, %mul3A_400 : i32
        %add3A_402 = arith.addi %mul3A_401, %add3A : i32
        %mul3A_403 = arith.constant 128 : i32
        %mul3A_404 = arith.muli %add3A_402, %mul3A_403 : i32
        %dma_start3A_405 = arith.constant 0 : i32
        %dma_start3A_406 = tpu.memref_slice %arg3[%dma_start3A_405, %mul3A_404] : memref<2x320000xi32, #tpu.memory_space<hbm>> -> memref<2x128xi32, #tpu.memory_space<hbm>>
        %dma_start3A_407 = arith.constant 0 : i32
        %dma_start3A_408 = tpu.memref_slice %arg3[%dma_start3A_407, %mul3A_404] : memref<2x320000xi32, #tpu.memory_space<hbm>> -> memref<2x128xi32, #tpu.memory_space<hbm>>
        tpu.enqueue_dma source(%dma_start3A_408 : memref<2x128xi32, #tpu.memory_space<hbm>>) target(%arg11 : memref<2x128xi32, #tpu.memory_space<vmem>>) target_semaphore(%arg20 : memref<!tpu.dma_semaphore, #tpu.memory_space<semaphore_mem>>)
      } else {
      }
      %add3A_391 = arith.constant 2 : i32
      %add3A_392 = arith.addi %add3A_350, %add3A_391 : i32
      %lt3A_393 = arith.constant 78 : i32
      %lt3A_394 = arith.cmpi slt, %add3A_392, %lt3A_393 : i32
      %convert_element_type3A_395 = arith.extui %lt3A_394 : i1 to i32
      %cond3A_396 = arith.constant 0 : i32
      %cond3A_397 = arith.cmpi ne, %convert_element_type3A_395, %cond3A_396 : i32
      scf.if %cond3A_397 {
        %add3A_398 = arith.constant 2 : i32
        %add3A_399 = arith.addi %add3A_350, %add3A_398 : i32
        %mul3A_400 = arith.constant 32 : i32
        %mul3A_401 = arith.muli %add3A_399, %mul3A_400 : i32
        %add3A_402 = arith.addi %mul3A_401, %add3A : i32
        %mul3A_403 = arith.constant 128 : i32
        %mul3A_404 = arith.muli %add3A_402, %mul3A_403 : i32
        %dma_wait3A_405 = arith.constant 0 : i32
        %dma_wait3A_406 = tpu.memref_slice %arg3[%dma_wait3A_405, %mul3A_404] : memref<2x320000xi32, #tpu.memory_space<hbm>> -> memref<2x128xi32, #tpu.memory_space<hbm>>
        %dma_wait3A_407 = arith.constant 0 : i32
        %dma_wait3A_408 = tpu.memref_slice %arg3[%dma_wait3A_407, %mul3A_404] : memref<2x320000xi32, #tpu.memory_space<hbm>> -> memref<2x128xi32, #tpu.memory_space<hbm>>
        tpu.wait_dma2 semaphore(%arg19 : memref<!tpu.dma_semaphore, #tpu.memory_space<semaphore_mem>>) src(%dma_wait3A_408 : memref<2x128xi32, #tpu.memory_space<hbm>>) dst(%arg10 : memref<2x128xi32, #tpu.memory_space<vmem>>)
        %dma_start3A_409 = arith.constant 0 : i32
        %dma_start3A_410 = arith.constant 0 : i32
        %dma_start3A_411 = tpu.memref_slice %arg10[%dma_start3A_409, %dma_start3A_410] : memref<2x128xi32, #tpu.memory_space<vmem>> -> memref<1x128xi32, #tpu.memory_space<vmem>>
        %dma_start3A_412 = tpu.memref_squeeze %dma_start3A_411 : memref<1x128xi32, #tpu.memory_space<vmem>> -> memref<128xi32, #tpu.memory_space<vmem>>
        %dma_start3A_413 = arith.constant 0 : i32
        %dma_start3A_414 = arith.constant 0 : i32
        %dma_start3A_415 = tpu.memref_slice %arg2[%dma_start3A_413, %dma_start3A_414] : memref<10000x128xf32, #tpu.memory_space<hbm>> -> memref<10000x128xf32, #tpu.memory_space<hbm>>
        tpu.enqueue_indirect_dma source(%dma_start3A_415 : memref<10000x128xf32, #tpu.memory_space<hbm>>) target(%arg16 : memref<128x128xf32, #tpu.memory_space<vmem>>) offsets(%dma_start3A_412 : memref<128xi32, #tpu.memory_space<vmem>>) semaphore(%arg25 : memref<!tpu.dma_semaphore, #tpu.memory_space<semaphore_mem>>)
      } else {
      }
    }
    %scan3A_58 = arith.constant 13 : i32
    %dma_wait3A_59 = arith.constant 1 : i32
    %dma_wait3A_60 = arith.constant 0 : i32
    %dma_wait3A_61 = tpu.memref_slice %arg9[%dma_wait3A_59, %dma_wait3A_60] : memref<2x128xi32, #tpu.memory_space<vmem>> -> memref<1x128xi32, #tpu.memory_space<vmem>>
    %dma_wait3A_62 = tpu.memref_squeeze %dma_wait3A_61 : memref<1x128xi32, #tpu.memory_space<vmem>> -> memref<128xi32, #tpu.memory_space<vmem>>
    %dma_wait3A_63 = arith.constant 0 : i32
    %dma_wait3A_64 = arith.constant 0 : i32
    %dma_wait3A_65 = tpu.memref_slice %arg29[%dma_wait3A_63, %dma_wait3A_64] : memref<10000x16xf32, #tpu.memory_space<vmem_shared>> -> memref<10000x16xf32, #tpu.memory_space<vmem_shared>>
    tpu.wait_indirect_dma semaphore(%arg30 : memref<!tpu.dma_semaphore, #tpu.memory_space<semaphore_mem>>) src(%arg28 : memref<128x16xf32, #tpu.memory_space<vmem>>) dst(%dma_wait3A_65 : memref<10000x16xf32, #tpu.memory_space<vmem_shared>>)
    %dma_wait3A_66 = arith.constant 1 : i32
    %dma_wait3A_67 = arith.constant 0 : i32
    %dma_wait3A_68 = tpu.memref_slice %arg9[%dma_wait3A_66, %dma_wait3A_67] : memref<2x128xi32, #tpu.memory_space<vmem>> -> memref<1x128xi32, #tpu.memory_space<vmem>>
    %dma_wait3A_69 = tpu.memref_squeeze %dma_wait3A_68 : memref<1x128xi32, #tpu.memory_space<vmem>> -> memref<128xi32, #tpu.memory_space<vmem>>
    %dma_wait3A_70 = arith.constant 0 : i32
    %dma_wait3A_71 = arith.constant 0 : i32
    %dma_wait3A_72 = tpu.memref_slice %arg29[%dma_wait3A_70, %dma_wait3A_71] : memref<10000x16xf32, #tpu.memory_space<vmem_shared>> -> memref<10000x16xf32, #tpu.memory_space<vmem_shared>>
    tpu.wait_indirect_dma semaphore(%arg31 : memref<!tpu.dma_semaphore, #tpu.memory_space<semaphore_mem>>) src(%arg28 : memref<128x16xf32, #tpu.memory_space<vmem>>) dst(%dma_wait3A_72 : memref<10000x16xf32, #tpu.memory_space<vmem_shared>>)
    %dma_wait3A_73 = arith.constant 1 : i32
    %dma_wait3A_74 = arith.constant 0 : i32
    %dma_wait3A_75 = tpu.memref_slice %arg9[%dma_wait3A_73, %dma_wait3A_74] : memref<2x128xi32, #tpu.memory_space<vmem>> -> memref<1x128xi32, #tpu.memory_space<vmem>>
    %dma_wait3A_76 = tpu.memref_squeeze %dma_wait3A_75 : memref<1x128xi32, #tpu.memory_space<vmem>> -> memref<128xi32, #tpu.memory_space<vmem>>
    %dma_wait3A_77 = arith.constant 0 : i32
    %dma_wait3A_78 = arith.constant 0 : i32
    %dma_wait3A_79 = tpu.memref_slice %arg29[%dma_wait3A_77, %dma_wait3A_78] : memref<10000x16xf32, #tpu.memory_space<vmem_shared>> -> memref<10000x16xf32, #tpu.memory_space<vmem_shared>>
    tpu.wait_indirect_dma semaphore(%arg32 : memref<!tpu.dma_semaphore, #tpu.memory_space<semaphore_mem>>) src(%arg28 : memref<128x16xf32, #tpu.memory_space<vmem>>) dst(%dma_wait3A_79 : memref<10000x16xf32, #tpu.memory_space<vmem_shared>>)
    %lt3A = arith.constant 4 : i32
    %lt3A_80 = arith.cmpi slt, %add3A, %lt3A : i32
    %convert_element_type3A = arith.extui %lt3A_80 : i1 to i32
    %cond3A = arith.constant 0 : i32
    %cond3A_81 = arith.cmpi ne, %convert_element_type3A, %cond3A : i32
    scf.if %cond3A_81 {
      %add3A_88 = arith.constant 2496 : i32
      %add3A_89 = arith.addi %add3A_88, %add3A : i32
      %mul3A_90 = arith.constant 128 : i32
      %mul3A_91 = arith.muli %add3A_89, %mul3A_90 : i32
      %dma_start3A_92 = arith.constant 0 : i32
      %dma_start3A_93 = tpu.memref_slice %arg3[%dma_start3A_92, %mul3A_91] : memref<2x320000xi32, #tpu.memory_space<hbm>> -> memref<2x128xi32, #tpu.memory_space<hbm>>
      %dma_start3A_94 = arith.constant 0 : i32
      %dma_start3A_95 = tpu.memref_slice %arg3[%dma_start3A_94, %mul3A_91] : memref<2x320000xi32, #tpu.memory_space<hbm>> -> memref<2x128xi32, #tpu.memory_space<hbm>>
      tpu.enqueue_dma source(%dma_start3A_95 : memref<2x128xi32, #tpu.memory_space<hbm>>) target(%arg9 : memref<2x128xi32, #tpu.memory_space<vmem>>) target_semaphore(%arg18 : memref<!tpu.dma_semaphore, #tpu.memory_space<semaphore_mem>>)
      %add3A_96 = arith.constant 2496 : i32
      %add3A_97 = arith.addi %add3A_96, %add3A : i32
      %mul3A_98 = arith.constant 128 : i32
      %mul3A_99 = arith.muli %add3A_97, %mul3A_98 : i32
      %dma_wait3A_100 = arith.constant 0 : i32
      %dma_wait3A_101 = tpu.memref_slice %arg3[%dma_wait3A_100, %mul3A_99] : memref<2x320000xi32, #tpu.memory_space<hbm>> -> memref<2x128xi32, #tpu.memory_space<hbm>>
      %dma_wait3A_102 = arith.constant 0 : i32
      %dma_wait3A_103 = tpu.memref_slice %arg3[%dma_wait3A_102, %mul3A_99] : memref<2x320000xi32, #tpu.memory_space<hbm>> -> memref<2x128xi32, #tpu.memory_space<hbm>>
      tpu.wait_dma2 semaphore(%arg18 : memref<!tpu.dma_semaphore, #tpu.memory_space<semaphore_mem>>) src(%dma_wait3A_103 : memref<2x128xi32, #tpu.memory_space<hbm>>) dst(%arg9 : memref<2x128xi32, #tpu.memory_space<vmem>>)
      %dma_start3A_104 = arith.constant 0 : i32
      %dma_start3A_105 = arith.constant 0 : i32
      %dma_start3A_106 = tpu.memref_slice %arg9[%dma_start3A_104, %dma_start3A_105] : memref<2x128xi32, #tpu.memory_space<vmem>> -> memref<1x128xi32, #tpu.memory_space<vmem>>
      %dma_start3A_107 = tpu.memref_squeeze %dma_start3A_106 : memref<1x128xi32, #tpu.memory_space<vmem>> -> memref<128xi32, #tpu.memory_space<vmem>>
      %dma_start3A_108 = arith.constant 0 : i32
      %dma_start3A_109 = arith.constant 0 : i32
      %dma_start3A_110 = tpu.memref_slice %arg2[%dma_start3A_108, %dma_start3A_109] : memref<10000x128xf32, #tpu.memory_space<hbm>> -> memref<10000x128xf32, #tpu.memory_space<hbm>>
      tpu.enqueue_indirect_dma source(%dma_start3A_110 : memref<10000x128xf32, #tpu.memory_space<hbm>>) target(%arg15 : memref<128x128xf32, #tpu.memory_space<vmem>>) offsets(%dma_start3A_107 : memref<128xi32, #tpu.memory_space<vmem>>) semaphore(%arg24 : memref<!tpu.dma_semaphore, #tpu.memory_space<semaphore_mem>>)
      %dma_wait3A_111 = arith.constant 0 : i32
      %dma_wait3A_112 = arith.constant 0 : i32
      %dma_wait3A_113 = tpu.memref_slice %arg9[%dma_wait3A_111, %dma_wait3A_112] : memref<2x128xi32, #tpu.memory_space<vmem>> -> memref<1x128xi32, #tpu.memory_space<vmem>>
      %dma_wait3A_114 = tpu.memref_squeeze %dma_wait3A_113 : memref<1x128xi32, #tpu.memory_space<vmem>> -> memref<128xi32, #tpu.memory_space<vmem>>
      %dma_wait3A_115 = arith.constant 0 : i32
      %dma_wait3A_116 = arith.constant 0 : i32
      %dma_wait3A_117 = tpu.memref_slice %arg2[%dma_wait3A_115, %dma_wait3A_116] : memref<10000x128xf32, #tpu.memory_space<hbm>> -> memref<10000x128xf32, #tpu.memory_space<hbm>>
      tpu.wait_indirect_dma semaphore(%arg24 : memref<!tpu.dma_semaphore, #tpu.memory_space<semaphore_mem>>) src(%dma_wait3A_117 : memref<10000x128xf32, #tpu.memory_space<hbm>>) dst(%arg15 : memref<128x128xf32, #tpu.memory_space<vmem>>)
      %dma_start3A_118 = arith.constant 1 : i32
      %dma_start3A_119 = arith.constant 0 : i32
      %dma_start3A_120 = tpu.memref_slice %arg9[%dma_start3A_118, %dma_start3A_119] : memref<2x128xi32, #tpu.memory_space<vmem>> -> memref<1x128xi32, #tpu.memory_space<vmem>>
      %dma_start3A_121 = tpu.memref_squeeze %dma_start3A_120 : memref<1x128xi32, #tpu.memory_space<vmem>> -> memref<128xi32, #tpu.memory_space<vmem>>
      %dma_start3A_122 = arith.constant 0 : i32
      %dma_start3A_123 = arith.constant 0 : i32
      %dma_start3A_124 = tpu.memref_slice %arg17[%dma_start3A_122, %dma_start3A_123] : memref<10000x128xf32, #tpu.memory_space<vmem_shared>> -> memref<10000x128xf32, #tpu.memory_space<vmem_shared>>
      tpu.enqueue_indirect_dma source(%arg15 : memref<128x128xf32, #tpu.memory_space<vmem>>) target(%dma_start3A_124 : memref<10000x128xf32, #tpu.memory_space<vmem_shared>>) offsets(%dma_start3A_121 : memref<128xi32, #tpu.memory_space<vmem>>) semaphore(%arg26 : memref<!tpu.dma_semaphore, #tpu.memory_space<semaphore_mem>>) {add = true}
      %dma_wait3A_125 = arith.constant 1 : i32
      %dma_wait3A_126 = arith.constant 0 : i32
      %dma_wait3A_127 = tpu.memref_slice %arg9[%dma_wait3A_125, %dma_wait3A_126] : memref<2x128xi32, #tpu.memory_space<vmem>> -> memref<1x128xi32, #tpu.memory_space<vmem>>
      %dma_wait3A_128 = tpu.memref_squeeze %dma_wait3A_127 : memref<1x128xi32, #tpu.memory_space<vmem>> -> memref<128xi32, #tpu.memory_space<vmem>>
      %dma_wait3A_129 = arith.constant 0 : i32
      %dma_wait3A_130 = arith.constant 0 : i32
      %dma_wait3A_131 = tpu.memref_slice %arg17[%dma_wait3A_129, %dma_wait3A_130] : memref<10000x128xf32, #tpu.memory_space<vmem_shared>> -> memref<10000x128xf32, #tpu.memory_space<vmem_shared>>
      tpu.wait_indirect_dma semaphore(%arg26 : memref<!tpu.dma_semaphore, #tpu.memory_space<semaphore_mem>>) src(%arg15 : memref<128x128xf32, #tpu.memory_space<vmem>>) dst(%dma_wait3A_131 : memref<10000x128xf32, #tpu.memory_space<vmem_shared>>)
      %dma_start3A_132 = arith.constant 1 : i32
      %dma_start3A_133 = arith.constant 0 : i32
      %dma_start3A_134 = tpu.memref_slice %arg9[%dma_start3A_132, %dma_start3A_133] : memref<2x128xi32, #tpu.memory_space<vmem>> -> memref<1x128xi32, #tpu.memory_space<vmem>>
      %dma_start3A_135 = tpu.memref_squeeze %dma_start3A_134 : memref<1x128xi32, #tpu.memory_space<vmem>> -> memref<128xi32, #tpu.memory_space<vmem>>
      %dma_start3A_136 = arith.constant 0 : i32
      %dma_start3A_137 = arith.constant 0 : i32
      %dma_start3A_138 = tpu.memref_slice %arg29[%dma_start3A_136, %dma_start3A_137] : memref<10000x16xf32, #tpu.memory_space<vmem_shared>> -> memref<10000x16xf32, #tpu.memory_space<vmem_shared>>
      tpu.enqueue_indirect_dma source(%arg28 : memref<128x16xf32, #tpu.memory_space<vmem>>) target(%dma_start3A_138 : memref<10000x16xf32, #tpu.memory_space<vmem_shared>>) offsets(%dma_start3A_135 : memref<128xi32, #tpu.memory_space<vmem>>) semaphore(%arg30 : memref<!tpu.dma_semaphore, #tpu.memory_space<semaphore_mem>>) {add = true}
      %dma_wait3A_139 = arith.constant 1 : i32
      %dma_wait3A_140 = arith.constant 0 : i32
      %dma_wait3A_141 = tpu.memref_slice %arg9[%dma_wait3A_139, %dma_wait3A_140] : memref<2x128xi32, #tpu.memory_space<vmem>> -> memref<1x128xi32, #tpu.memory_space<vmem>>
      %dma_wait3A_142 = tpu.memref_squeeze %dma_wait3A_141 : memref<1x128xi32, #tpu.memory_space<vmem>> -> memref<128xi32, #tpu.memory_space<vmem>>
      %dma_wait3A_143 = arith.constant 0 : i32
      %dma_wait3A_144 = arith.constant 0 : i32
      %dma_wait3A_145 = tpu.memref_slice %arg29[%dma_wait3A_143, %dma_wait3A_144] : memref<10000x16xf32, #tpu.memory_space<vmem_shared>> -> memref<10000x16xf32, #tpu.memory_space<vmem_shared>>
      tpu.wait_indirect_dma semaphore(%arg30 : memref<!tpu.dma_semaphore, #tpu.memory_space<semaphore_mem>>) src(%arg28 : memref<128x16xf32, #tpu.memory_space<vmem>>) dst(%dma_wait3A_145 : memref<10000x16xf32, #tpu.memory_space<vmem_shared>>)
    } else {
    }
    %barrier3A_82 = arith.constant 0 : index
    tpu.barrier barrier_id(%barrier3A_82)
    %mul3A_83 = arith.constant 10000 : i32
    %mul3A_84 = arith.muli %arg0, %mul3A_83 : i32
    %mul3A_85 = arith.constant 625 : i32
    %mul3A_86 = arith.muli %arg1, %mul3A_85 : i32
    %add3A_87 = arith.addi %mul3A_84, %mul3A_86 : i32
    "tpu.region"() ({
      %run_scoped3A = tpu.sem_alloc : memref<!tpu.dma_semaphore, #tpu.memory_space<semaphore_mem>>
      %dma_start3A_88 = arith.constant 0 : i32
      %dma_start3A_89 = tpu.memref_slice %arg7[%add3A_87, %dma_start3A_88] : memref<20000x128xf32, #tpu.memory_space<hbm>> -> memref<625x128xf32, #tpu.memory_space<hbm>>
      %dma_start3A_90 = arith.constant 0 : i32
      %dma_start3A_91 = arith.constant 0 : i32
      %dma_start3A_92 = tpu.memref_slice %dma_start3A_89[%dma_start3A_90, %dma_start3A_91] : memref<625x128xf32, #tpu.memory_space<hbm>> -> memref<625x128xf32, #tpu.memory_space<hbm>>
      %dma_start3A_93 = arith.constant 0 : i32
      %dma_start3A_94 = tpu.memref_slice %arg17[%mul3A_2, %dma_start3A_93] : memref<10000x128xf32, #tpu.memory_space<vmem_shared>> -> memref<625x128xf32, #tpu.memory_space<vmem_shared>>
      tpu.enqueue_dma source(%dma_start3A_94 : memref<625x128xf32, #tpu.memory_space<vmem_shared>>) target(%dma_start3A_92 : memref<625x128xf32, #tpu.memory_space<hbm>>) target_semaphore(%run_scoped3A : memref<!tpu.dma_semaphore, #tpu.memory_space<semaphore_mem>>)
      %dma_wait3A_95 = arith.constant 0 : i32
      %dma_wait3A_96 = tpu.memref_slice %arg7[%add3A_87, %dma_wait3A_95] : memref<20000x128xf32, #tpu.memory_space<hbm>> -> memref<625x128xf32, #tpu.memory_space<hbm>>
      %dma_wait3A_97 = arith.constant 0 : i32
      %dma_wait3A_98 = arith.constant 0 : i32
      %dma_wait3A_99 = tpu.memref_slice %dma_wait3A_96[%dma_wait3A_97, %dma_wait3A_98] : memref<625x128xf32, #tpu.memory_space<hbm>> -> memref<625x128xf32, #tpu.memory_space<hbm>>
      %dma_wait3A_100 = arith.constant 0 : i32
      %dma_wait3A_101 = tpu.memref_slice %arg17[%mul3A_2, %dma_wait3A_100] : memref<10000x128xf32, #tpu.memory_space<vmem_shared>> -> memref<625x128xf32, #tpu.memory_space<vmem_shared>>
      tpu.wait_dma2 semaphore(%run_scoped3A : memref<!tpu.dma_semaphore, #tpu.memory_space<semaphore_mem>>) src(%dma_wait3A_101 : memref<625x128xf32, #tpu.memory_space<vmem_shared>>) dst(%dma_wait3A_99 : memref<625x128xf32, #tpu.memory_space<hbm>>)
      tpu.yield
    }) : () -> ()
    "tpu.region"() ({
      %run_scoped3A = tpu.sem_alloc : memref<!tpu.dma_semaphore, #tpu.memory_space<semaphore_mem>>
      %dma_start3A_88 = arith.constant 0 : i32
      %dma_start3A_89 = tpu.memref_slice %arg8[%add3A_87, %dma_start3A_88] : memref<20000x16xf32, #tpu.memory_space<hbm>> -> memref<625x16xf32, #tpu.memory_space<hbm>>
      %dma_start3A_90 = arith.constant 0 : i32
      %dma_start3A_91 = tpu.memref_slice %arg29[%mul3A_2, %dma_start3A_90] : memref<10000x16xf32, #tpu.memory_space<vmem_shared>> -> memref<625x16xf32, #tpu.memory_space<vmem_shared>>
      tpu.enqueue_dma source(%dma_start3A_91 : memref<625x16xf32, #tpu.memory_space<vmem_shared>>) target(%dma_start3A_89 : memref<625x16xf32, #tpu.memory_space<hbm>>) target_semaphore(%run_scoped3A : memref<!tpu.dma_semaphore, #tpu.memory_space<semaphore_mem>>)
      %dma_wait3A_92 = arith.constant 0 : i32
      %dma_wait3A_93 = tpu.memref_slice %arg8[%add3A_87, %dma_wait3A_92] : memref<20000x16xf32, #tpu.memory_space<hbm>> -> memref<625x16xf32, #tpu.memory_space<hbm>>
      %dma_wait3A_94 = arith.constant 0 : i32
      %dma_wait3A_95 = tpu.memref_slice %arg29[%mul3A_2, %dma_wait3A_94] : memref<10000x16xf32, #tpu.memory_space<vmem_shared>> -> memref<625x16xf32, #tpu.memory_space<vmem_shared>>
      tpu.wait_dma2 semaphore(%run_scoped3A : memref<!tpu.dma_semaphore, #tpu.memory_space<semaphore_mem>>) src(%dma_wait3A_95 : memref<625x16xf32, #tpu.memory_space<vmem_shared>>) dst(%dma_wait3A_93 : memref<625x16xf32, #tpu.memory_space<hbm>>)
      tpu.yield
    }) : () -> ()
    return
  }
}

#map = affine_map<(d0, d1) -> (0, 0)>
module attributes {stable_mosaic.version = 14 : i64} {
  func.func @body(%arg0: i32, %arg1: i32, %arg2: memref<10000x48xf32, #tpu.memory_space<hbm>>, %arg3: memref<2x320000xi32, #tpu.memory_space<hbm>>, %arg4: memref<625x48xf32, #tpu.memory_space<hbm>>, %arg5: memref<20000x128xf32, #tpu.memory_space<hbm>>, %arg6: memref<2x128xi32, #tpu.memory_space<vmem>>, %arg7: memref<2x128xi32, #tpu.memory_space<vmem>>, %arg8: memref<2x128xi32, #tpu.memory_space<vmem>>, %arg9: memref<2x128xi32, #tpu.memory_space<vmem>>, %arg10: memref<2x128xi32, #tpu.memory_space<vmem>>, %arg11: memref<2x128xi32, #tpu.memory_space<vmem>>, %arg12: memref<128x48xf32, #tpu.memory_space<vmem>>, %arg13: memref<128x48xf32, #tpu.memory_space<vmem>>, %arg14: memref<128x48xf32, #tpu.memory_space<vmem>>, %arg15: memref<10000x48xf32, #tpu.memory_space<vmem_shared>>, %arg16: memref<!tpu.dma_semaphore, #tpu.memory_space<semaphore_mem>>, %arg17: memref<!tpu.dma_semaphore, #tpu.memory_space<semaphore_mem>>, %arg18: memref<!tpu.dma_semaphore, #tpu.memory_space<semaphore_mem>>, %arg19: memref<!tpu.dma_semaphore, #tpu.memory_space<semaphore_mem>>, %arg20: memref<!tpu.dma_semaphore, #tpu.memory_space<semaphore_mem>>, %arg21: memref<!tpu.dma_semaphore, #tpu.memory_space<semaphore_mem>>, %arg22: memref<!tpu.dma_semaphore, #tpu.memory_space<semaphore_mem>>, %arg23: memref<!tpu.dma_semaphore, #tpu.memory_space<semaphore_mem>>, %arg24: memref<!tpu.dma_semaphore, #tpu.memory_space<semaphore_mem>>, %arg25: memref<!tpu.dma_semaphore, #tpu.memory_space<semaphore_mem>>, %arg26: memref<!tpu.dma_semaphore, #tpu.memory_space<semaphore_mem>>, %arg27: memref<!tpu.dma_semaphore, #tpu.memory_space<semaphore_mem>>) attributes {dimension_semantics = [#tpu.dimension_semantics<core_parallel>, #tpu.dimension_semantics<subcore_parallel>], iteration_bounds = array<i64: 2, 16>, scalar_prefetch = 0 : i64, scratch_operands = 22 : i64, tpu.core_type = #tpu.core_type<sc_vector_subcore>, window_params = [{transform_indices = #map}, {transform_indices = #map}, {transform_indices = #map}, {transform_indices = #map}]} {
    %mul3A = arith.constant 16 : i32
    %mul3A_0 = arith.muli %arg0, %mul3A : i32
    %add3A = arith.addi %mul3A_0, %arg1 : i32
    %mul3A_1 = arith.constant 625 : i32
    %mul3A_2 = arith.muli %arg1, %mul3A_1 : i32
    "tpu.region"() ({
      %run_scoped3A = tpu.sem_alloc : memref<!tpu.dma_semaphore, #tpu.memory_space<semaphore_mem>>
      %dma_start3A_74 = arith.constant 0 : i32
      %dma_start3A_75 = tpu.memref_slice %arg15[%mul3A_2, %dma_start3A_74] : memref<10000x48xf32, #tpu.memory_space<vmem_shared>> -> memref<625x48xf32, #tpu.memory_space<vmem_shared>>
      tpu.enqueue_dma source(%arg4 : memref<625x48xf32, #tpu.memory_space<hbm>>) target(%dma_start3A_75 : memref<625x48xf32, #tpu.memory_space<vmem_shared>>) target_semaphore(%run_scoped3A : memref<!tpu.dma_semaphore, #tpu.memory_space<semaphore_mem>>)
      %dma_wait3A_76 = arith.constant 0 : i32
      %dma_wait3A_77 = tpu.memref_slice %arg15[%mul3A_2, %dma_wait3A_76] : memref<10000x48xf32, #tpu.memory_space<vmem_shared>> -> memref<625x48xf32, #tpu.memory_space<vmem_shared>>
      tpu.wait_dma2 semaphore(%run_scoped3A : memref<!tpu.dma_semaphore, #tpu.memory_space<semaphore_mem>>) src(%arg4 : memref<625x48xf32, #tpu.memory_space<hbm>>) dst(%dma_wait3A_77 : memref<625x48xf32, #tpu.memory_space<vmem_shared>>)
      tpu.yield
    }) : () -> ()
    %barrier3A = arith.constant 0 : index
    tpu.barrier barrier_id(%barrier3A)
    %add3A_3 = arith.constant 0 : i32
    %add3A_4 = arith.addi %add3A_3, %add3A : i32
    %mul3A_5 = arith.constant 128 : i32
    %mul3A_6 = arith.muli %add3A_4, %mul3A_5 : i32
    %dma_start3A = arith.constant 0 : i32
    %dma_start3A_7 = tpu.memref_slice %arg3[%dma_start3A, %mul3A_6] : memref<2x320000xi32, #tpu.memory_space<hbm>> -> memref<2x128xi32, #tpu.memory_space<hbm>>
    %dma_start3A_8 = arith.constant 0 : i32
    %dma_start3A_9 = tpu.memref_slice %arg3[%dma_start3A_8, %mul3A_6] : memref<2x320000xi32, #tpu.memory_space<hbm>> -> memref<2x128xi32, #tpu.memory_space<hbm>>
    tpu.enqueue_dma source(%dma_start3A_9 : memref<2x128xi32, #tpu.memory_space<hbm>>) target(%arg6 : memref<2x128xi32, #tpu.memory_space<vmem>>) target_semaphore(%arg16 : memref<!tpu.dma_semaphore, #tpu.memory_space<semaphore_mem>>)
    %add3A_10 = arith.constant 32 : i32
    %add3A_11 = arith.addi %add3A_10, %add3A : i32
    %mul3A_12 = arith.constant 128 : i32
    %mul3A_13 = arith.muli %add3A_11, %mul3A_12 : i32
    %dma_start3A_14 = arith.constant 0 : i32
    %dma_start3A_15 = tpu.memref_slice %arg3[%dma_start3A_14, %mul3A_13] : memref<2x320000xi32, #tpu.memory_space<hbm>> -> memref<2x128xi32, #tpu.memory_space<hbm>>
    %dma_start3A_16 = arith.constant 0 : i32
    %dma_start3A_17 = tpu.memref_slice %arg3[%dma_start3A_16, %mul3A_13] : memref<2x320000xi32, #tpu.memory_space<hbm>> -> memref<2x128xi32, #tpu.memory_space<hbm>>
    tpu.enqueue_dma source(%dma_start3A_17 : memref<2x128xi32, #tpu.memory_space<hbm>>) target(%arg7 : memref<2x128xi32, #tpu.memory_space<vmem>>) target_semaphore(%arg17 : memref<!tpu.dma_semaphore, #tpu.memory_space<semaphore_mem>>)
    %add3A_18 = arith.constant 64 : i32
    %add3A_19 = arith.addi %add3A_18, %add3A : i32
    %mul3A_20 = arith.constant 128 : i32
    %mul3A_21 = arith.muli %add3A_19, %mul3A_20 : i32
    %dma_start3A_22 = arith.constant 0 : i32
    %dma_start3A_23 = tpu.memref_slice %arg3[%dma_start3A_22, %mul3A_21] : memref<2x320000xi32, #tpu.memory_space<hbm>> -> memref<2x128xi32, #tpu.memory_space<hbm>>
    %dma_start3A_24 = arith.constant 0 : i32
    %dma_start3A_25 = tpu.memref_slice %arg3[%dma_start3A_24, %mul3A_21] : memref<2x320000xi32, #tpu.memory_space<hbm>> -> memref<2x128xi32, #tpu.memory_space<hbm>>
    tpu.enqueue_dma source(%dma_start3A_25 : memref<2x128xi32, #tpu.memory_space<hbm>>) target(%arg8 : memref<2x128xi32, #tpu.memory_space<vmem>>) target_semaphore(%arg18 : memref<!tpu.dma_semaphore, #tpu.memory_space<semaphore_mem>>)
    %add3A_26 = arith.constant 0 : i32
    %add3A_27 = arith.addi %add3A_26, %add3A : i32
    %mul3A_28 = arith.constant 128 : i32
    %mul3A_29 = arith.muli %add3A_27, %mul3A_28 : i32
    %dma_wait3A = arith.constant 0 : i32
    %dma_wait3A_30 = tpu.memref_slice %arg3[%dma_wait3A, %mul3A_29] : memref<2x320000xi32, #tpu.memory_space<hbm>> -> memref<2x128xi32, #tpu.memory_space<hbm>>
    %dma_wait3A_31 = arith.constant 0 : i32
    %dma_wait3A_32 = tpu.memref_slice %arg3[%dma_wait3A_31, %mul3A_29] : memref<2x320000xi32, #tpu.memory_space<hbm>> -> memref<2x128xi32, #tpu.memory_space<hbm>>
    tpu.wait_dma2 semaphore(%arg16 : memref<!tpu.dma_semaphore, #tpu.memory_space<semaphore_mem>>) src(%dma_wait3A_32 : memref<2x128xi32, #tpu.memory_space<hbm>>) dst(%arg6 : memref<2x128xi32, #tpu.memory_space<vmem>>)
    %dma_start3A_33 = arith.constant 0 : i32
    %dma_start3A_34 = arith.constant 0 : i32
    %dma_start3A_35 = tpu.memref_slice %arg6[%dma_start3A_33, %dma_start3A_34] : memref<2x128xi32, #tpu.memory_space<vmem>> -> memref<1x128xi32, #tpu.memory_space<vmem>>
    %dma_start3A_36 = tpu.memref_squeeze %dma_start3A_35 : memref<1x128xi32, #tpu.memory_space<vmem>> -> memref<128xi32, #tpu.memory_space<vmem>>
    %dma_start3A_37 = arith.constant 0 : i32
    %dma_start3A_38 = arith.constant 0 : i32
    %dma_start3A_39 = tpu.memref_slice %arg2[%dma_start3A_37, %dma_start3A_38] : memref<10000x48xf32, #tpu.memory_space<hbm>> -> memref<10000x48xf32, #tpu.memory_space<hbm>>
    tpu.enqueue_indirect_dma source(%dma_start3A_39 : memref<10000x48xf32, #tpu.memory_space<hbm>>) target(%arg12 : memref<128x48xf32, #tpu.memory_space<vmem>>) offsets(%dma_start3A_36 : memref<128xi32, #tpu.memory_space<vmem>>) semaphore(%arg22 : memref<!tpu.dma_semaphore, #tpu.memory_space<semaphore_mem>>)
    %add3A_40 = arith.constant 32 : i32
    %add3A_41 = arith.addi %add3A_40, %add3A : i32
    %mul3A_42 = arith.constant 128 : i32
    %mul3A_43 = arith.muli %add3A_41, %mul3A_42 : i32
    %dma_wait3A_44 = arith.constant 0 : i32
    %dma_wait3A_45 = tpu.memref_slice %arg3[%dma_wait3A_44, %mul3A_43] : memref<2x320000xi32, #tpu.memory_space<hbm>> -> memref<2x128xi32, #tpu.memory_space<hbm>>
    %dma_wait3A_46 = arith.constant 0 : i32
    %dma_wait3A_47 = tpu.memref_slice %arg3[%dma_wait3A_46, %mul3A_43] : memref<2x320000xi32, #tpu.memory_space<hbm>> -> memref<2x128xi32, #tpu.memory_space<hbm>>
    tpu.wait_dma2 semaphore(%arg17 : memref<!tpu.dma_semaphore, #tpu.memory_space<semaphore_mem>>) src(%dma_wait3A_47 : memref<2x128xi32, #tpu.memory_space<hbm>>) dst(%arg7 : memref<2x128xi32, #tpu.memory_space<vmem>>)
    %dma_start3A_48 = arith.constant 0 : i32
    %dma_start3A_49 = arith.constant 0 : i32
    %dma_start3A_50 = tpu.memref_slice %arg7[%dma_start3A_48, %dma_start3A_49] : memref<2x128xi32, #tpu.memory_space<vmem>> -> memref<1x128xi32, #tpu.memory_space<vmem>>
    %dma_start3A_51 = tpu.memref_squeeze %dma_start3A_50 : memref<1x128xi32, #tpu.memory_space<vmem>> -> memref<128xi32, #tpu.memory_space<vmem>>
    %dma_start3A_52 = arith.constant 0 : i32
    %dma_start3A_53 = arith.constant 0 : i32
    %dma_start3A_54 = tpu.memref_slice %arg2[%dma_start3A_52, %dma_start3A_53] : memref<10000x48xf32, #tpu.memory_space<hbm>> -> memref<10000x48xf32, #tpu.memory_space<hbm>>
    tpu.enqueue_indirect_dma source(%dma_start3A_54 : memref<10000x48xf32, #tpu.memory_space<hbm>>) target(%arg13 : memref<128x48xf32, #tpu.memory_space<vmem>>) offsets(%dma_start3A_51 : memref<128xi32, #tpu.memory_space<vmem>>) semaphore(%arg23 : memref<!tpu.dma_semaphore, #tpu.memory_space<semaphore_mem>>)
    %scan3A = arith.constant 0 : i32
    %scan3A_55 = arith.constant 13 : i32
    %scan3A_56 = arith.addi %scan3A, %scan3A_55 : i32
    %scan3A_57 = arith.constant 1 : i32
    scf.for %scan3A_74 = %scan3A to %scan3A_56 step %scan3A_57  : i32 {
      %mul3A_75 = arith.constant 1 : i32
      %mul3A_76 = arith.muli %scan3A_74, %mul3A_75 : i32
      %add3A_77 = arith.constant 0 : i32
      %add3A_78 = arith.addi %add3A_77, %mul3A_76 : i32
      %mul3A_79 = arith.constant 6 : i32
      %mul3A_80 = arith.muli %add3A_78, %mul3A_79 : i32
      %add3A_81 = arith.constant 0 : i32
      %add3A_82 = arith.addi %mul3A_80, %add3A_81 : i32
      %dma_wait3A_83 = arith.constant 0 : i32
      %dma_wait3A_84 = arith.constant 0 : i32
      %dma_wait3A_85 = tpu.memref_slice %arg6[%dma_wait3A_83, %dma_wait3A_84] : memref<2x128xi32, #tpu.memory_space<vmem>> -> memref<1x128xi32, #tpu.memory_space<vmem>>
      %dma_wait3A_86 = tpu.memref_squeeze %dma_wait3A_85 : memref<1x128xi32, #tpu.memory_space<vmem>> -> memref<128xi32, #tpu.memory_space<vmem>>
      %dma_wait3A_87 = arith.constant 0 : i32
      %dma_wait3A_88 = arith.constant 0 : i32
      %dma_wait3A_89 = tpu.memref_slice %arg2[%dma_wait3A_87, %dma_wait3A_88] : memref<10000x48xf32, #tpu.memory_space<hbm>> -> memref<10000x48xf32, #tpu.memory_space<hbm>>
      tpu.wait_indirect_dma semaphore(%arg22 : memref<!tpu.dma_semaphore, #tpu.memory_space<semaphore_mem>>) src(%dma_wait3A_89 : memref<10000x48xf32, #tpu.memory_space<hbm>>) dst(%arg12 : memref<128x48xf32, #tpu.memory_space<vmem>>)
      %dma_start3A_90 = arith.constant 1 : i32
      %dma_start3A_91 = arith.constant 0 : i32
      %dma_start3A_92 = tpu.memref_slice %arg6[%dma_start3A_90, %dma_start3A_91] : memref<2x128xi32, #tpu.memory_space<vmem>> -> memref<1x128xi32, #tpu.memory_space<vmem>>
      %dma_start3A_93 = tpu.memref_squeeze %dma_start3A_92 : memref<1x128xi32, #tpu.memory_space<vmem>> -> memref<128xi32, #tpu.memory_space<vmem>>
      %dma_start3A_94 = arith.constant 0 : i32
      %dma_start3A_95 = arith.constant 0 : i32
      %dma_start3A_96 = tpu.memref_slice %arg15[%dma_start3A_94, %dma_start3A_95] : memref<10000x48xf32, #tpu.memory_space<vmem_shared>> -> memref<10000x48xf32, #tpu.memory_space<vmem_shared>>
      tpu.enqueue_indirect_dma source(%arg12 : memref<128x48xf32, #tpu.memory_space<vmem>>) target(%dma_start3A_96 : memref<10000x48xf32, #tpu.memory_space<vmem_shared>>) offsets(%dma_start3A_93 : memref<128xi32, #tpu.memory_space<vmem>>) semaphore(%arg25 : memref<!tpu.dma_semaphore, #tpu.memory_space<semaphore_mem>>) {add = true}
      %ge3A = arith.constant 1 : i32
      %ge3A_97 = arith.cmpi sge, %add3A_82, %ge3A : i32
      %convert_element_type3A_98 = arith.extui %ge3A_97 : i1 to i32
      %cond3A_99 = arith.constant 0 : i32
      %cond3A_100 = arith.cmpi ne, %convert_element_type3A_98, %cond3A_99 : i32
      scf.if %cond3A_100 {
        %dma_wait3A_300 = arith.constant 1 : i32
        %dma_wait3A_301 = arith.constant 0 : i32
        %dma_wait3A_302 = tpu.memref_slice %arg11[%dma_wait3A_300, %dma_wait3A_301] : memref<2x128xi32, #tpu.memory_space<vmem>> -> memref<1x128xi32, #tpu.memory_space<vmem>>
        %dma_wait3A_303 = tpu.memref_squeeze %dma_wait3A_302 : memref<1x128xi32, #tpu.memory_space<vmem>> -> memref<128xi32, #tpu.memory_space<vmem>>
        %dma_wait3A_304 = arith.constant 0 : i32
        %dma_wait3A_305 = arith.constant 0 : i32
        %dma_wait3A_306 = tpu.memref_slice %arg15[%dma_wait3A_304, %dma_wait3A_305] : memref<10000x48xf32, #tpu.memory_space<vmem_shared>> -> memref<10000x48xf32, #tpu.memory_space<vmem_shared>>
        tpu.wait_indirect_dma semaphore(%arg27 : memref<!tpu.dma_semaphore, #tpu.memory_space<semaphore_mem>>) src(%arg14 : memref<128x48xf32, #tpu.memory_space<vmem>>) dst(%dma_wait3A_306 : memref<10000x48xf32, #tpu.memory_space<vmem_shared>>)
      } else {
      }
      %add3A_101 = arith.constant 3 : i32
      %add3A_102 = arith.addi %add3A_82, %add3A_101 : i32
      %lt3A_103 = arith.constant 78 : i32
      %lt3A_104 = arith.cmpi slt, %add3A_102, %lt3A_103 : i32
      %convert_element_type3A_105 = arith.extui %lt3A_104 : i1 to i32
      %cond3A_106 = arith.constant 0 : i32
      %cond3A_107 = arith.cmpi ne, %convert_element_type3A_105, %cond3A_106 : i32
      scf.if %cond3A_107 {
        %add3A_300 = arith.constant 3 : i32
        %add3A_301 = arith.addi %add3A_82, %add3A_300 : i32
        %mul3A_302 = arith.constant 32 : i32
        %mul3A_303 = arith.muli %add3A_301, %mul3A_302 : i32
        %add3A_304 = arith.addi %mul3A_303, %add3A : i32
        %mul3A_305 = arith.constant 128 : i32
        %mul3A_306 = arith.muli %add3A_304, %mul3A_305 : i32
        %dma_start3A_307 = arith.constant 0 : i32
        %dma_start3A_308 = tpu.memref_slice %arg3[%dma_start3A_307, %mul3A_306] : memref<2x320000xi32, #tpu.memory_space<hbm>> -> memref<2x128xi32, #tpu.memory_space<hbm>>
        %dma_start3A_309 = arith.constant 0 : i32
        %dma_start3A_310 = tpu.memref_slice %arg3[%dma_start3A_309, %mul3A_306] : memref<2x320000xi32, #tpu.memory_space<hbm>> -> memref<2x128xi32, #tpu.memory_space<hbm>>
        tpu.enqueue_dma source(%dma_start3A_310 : memref<2x128xi32, #tpu.memory_space<hbm>>) target(%arg9 : memref<2x128xi32, #tpu.memory_space<vmem>>) target_semaphore(%arg19 : memref<!tpu.dma_semaphore, #tpu.memory_space<semaphore_mem>>)
      } else {
      }
      %add3A_108 = arith.constant 2 : i32
      %add3A_109 = arith.addi %add3A_82, %add3A_108 : i32
      %lt3A_110 = arith.constant 78 : i32
      %lt3A_111 = arith.cmpi slt, %add3A_109, %lt3A_110 : i32
      %convert_element_type3A_112 = arith.extui %lt3A_111 : i1 to i32
      %cond3A_113 = arith.constant 0 : i32
      %cond3A_114 = arith.cmpi ne, %convert_element_type3A_112, %cond3A_113 : i32
      scf.if %cond3A_114 {
        %add3A_300 = arith.constant 2 : i32
        %add3A_301 = arith.addi %add3A_82, %add3A_300 : i32
        %mul3A_302 = arith.constant 32 : i32
        %mul3A_303 = arith.muli %add3A_301, %mul3A_302 : i32
        %add3A_304 = arith.addi %mul3A_303, %add3A : i32
        %mul3A_305 = arith.constant 128 : i32
        %mul3A_306 = arith.muli %add3A_304, %mul3A_305 : i32
        %dma_wait3A_307 = arith.constant 0 : i32
        %dma_wait3A_308 = tpu.memref_slice %arg3[%dma_wait3A_307, %mul3A_306] : memref<2x320000xi32, #tpu.memory_space<hbm>> -> memref<2x128xi32, #tpu.memory_space<hbm>>
        %dma_wait3A_309 = arith.constant 0 : i32
        %dma_wait3A_310 = tpu.memref_slice %arg3[%dma_wait3A_309, %mul3A_306] : memref<2x320000xi32, #tpu.memory_space<hbm>> -> memref<2x128xi32, #tpu.memory_space<hbm>>
        tpu.wait_dma2 semaphore(%arg18 : memref<!tpu.dma_semaphore, #tpu.memory_space<semaphore_mem>>) src(%dma_wait3A_310 : memref<2x128xi32, #tpu.memory_space<hbm>>) dst(%arg8 : memref<2x128xi32, #tpu.memory_space<vmem>>)
        %dma_start3A_311 = arith.constant 0 : i32
        %dma_start3A_312 = arith.constant 0 : i32
        %dma_start3A_313 = tpu.memref_slice %arg8[%dma_start3A_311, %dma_start3A_312] : memref<2x128xi32, #tpu.memory_space<vmem>> -> memref<1x128xi32, #tpu.memory_space<vmem>>
        %dma_start3A_314 = tpu.memref_squeeze %dma_start3A_313 : memref<1x128xi32, #tpu.memory_space<vmem>> -> memref<128xi32, #tpu.memory_space<vmem>>
        %dma_start3A_315 = arith.constant 0 : i32
        %dma_start3A_316 = arith.constant 0 : i32
        %dma_start3A_317 = tpu.memref_slice %arg2[%dma_start3A_315, %dma_start3A_316] : memref<10000x48xf32, #tpu.memory_space<hbm>> -> memref<10000x48xf32, #tpu.memory_space<hbm>>
        tpu.enqueue_indirect_dma source(%dma_start3A_317 : memref<10000x48xf32, #tpu.memory_space<hbm>>) target(%arg14 : memref<128x48xf32, #tpu.memory_space<vmem>>) offsets(%dma_start3A_314 : memref<128xi32, #tpu.memory_space<vmem>>) semaphore(%arg24 : memref<!tpu.dma_semaphore, #tpu.memory_space<semaphore_mem>>)
      } else {
      }
      %mul3A_115 = arith.constant 6 : i32
      %mul3A_116 = arith.muli %add3A_78, %mul3A_115 : i32
      %add3A_117 = arith.constant 1 : i32
      %add3A_118 = arith.addi %mul3A_116, %add3A_117 : i32
      %dma_wait3A_119 = arith.constant 0 : i32
      %dma_wait3A_120 = arith.constant 0 : i32
      %dma_wait3A_121 = tpu.memref_slice %arg7[%dma_wait3A_119, %dma_wait3A_120] : memref<2x128xi32, #tpu.memory_space<vmem>> -> memref<1x128xi32, #tpu.memory_space<vmem>>
      %dma_wait3A_122 = tpu.memref_squeeze %dma_wait3A_121 : memref<1x128xi32, #tpu.memory_space<vmem>> -> memref<128xi32, #tpu.memory_space<vmem>>
      %dma_wait3A_123 = arith.constant 0 : i32
      %dma_wait3A_124 = arith.constant 0 : i32
      %dma_wait3A_125 = tpu.memref_slice %arg2[%dma_wait3A_123, %dma_wait3A_124] : memref<10000x48xf32, #tpu.memory_space<hbm>> -> memref<10000x48xf32, #tpu.memory_space<hbm>>
      tpu.wait_indirect_dma semaphore(%arg23 : memref<!tpu.dma_semaphore, #tpu.memory_space<semaphore_mem>>) src(%dma_wait3A_125 : memref<10000x48xf32, #tpu.memory_space<hbm>>) dst(%arg13 : memref<128x48xf32, #tpu.memory_space<vmem>>)
      %dma_start3A_126 = arith.constant 1 : i32
      %dma_start3A_127 = arith.constant 0 : i32
      %dma_start3A_128 = tpu.memref_slice %arg7[%dma_start3A_126, %dma_start3A_127] : memref<2x128xi32, #tpu.memory_space<vmem>> -> memref<1x128xi32, #tpu.memory_space<vmem>>
      %dma_start3A_129 = tpu.memref_squeeze %dma_start3A_128 : memref<1x128xi32, #tpu.memory_space<vmem>> -> memref<128xi32, #tpu.memory_space<vmem>>
      %dma_start3A_130 = arith.constant 0 : i32
      %dma_start3A_131 = arith.constant 0 : i32
      %dma_start3A_132 = tpu.memref_slice %arg15[%dma_start3A_130, %dma_start3A_131] : memref<10000x48xf32, #tpu.memory_space<vmem_shared>> -> memref<10000x48xf32, #tpu.memory_space<vmem_shared>>
      tpu.enqueue_indirect_dma source(%arg13 : memref<128x48xf32, #tpu.memory_space<vmem>>) target(%dma_start3A_132 : memref<10000x48xf32, #tpu.memory_space<vmem_shared>>) offsets(%dma_start3A_129 : memref<128xi32, #tpu.memory_space<vmem>>) semaphore(%arg26 : memref<!tpu.dma_semaphore, #tpu.memory_space<semaphore_mem>>) {add = true}
      %ge3A_133 = arith.constant 1 : i32
      %ge3A_134 = arith.cmpi sge, %add3A_118, %ge3A_133 : i32
      %convert_element_type3A_135 = arith.extui %ge3A_134 : i1 to i32
      %cond3A_136 = arith.constant 0 : i32
      %cond3A_137 = arith.cmpi ne, %convert_element_type3A_135, %cond3A_136 : i32
      scf.if %cond3A_137 {
        %dma_wait3A_300 = arith.constant 1 : i32
        %dma_wait3A_301 = arith.constant 0 : i32
        %dma_wait3A_302 = tpu.memref_slice %arg6[%dma_wait3A_300, %dma_wait3A_301] : memref<2x128xi32, #tpu.memory_space<vmem>> -> memref<1x128xi32, #tpu.memory_space<vmem>>
        %dma_wait3A_303 = tpu.memref_squeeze %dma_wait3A_302 : memref<1x128xi32, #tpu.memory_space<vmem>> -> memref<128xi32, #tpu.memory_space<vmem>>
        %dma_wait3A_304 = arith.constant 0 : i32
        %dma_wait3A_305 = arith.constant 0 : i32
        %dma_wait3A_306 = tpu.memref_slice %arg15[%dma_wait3A_304, %dma_wait3A_305] : memref<10000x48xf32, #tpu.memory_space<vmem_shared>> -> memref<10000x48xf32, #tpu.memory_space<vmem_shared>>
        tpu.wait_indirect_dma semaphore(%arg25 : memref<!tpu.dma_semaphore, #tpu.memory_space<semaphore_mem>>) src(%arg12 : memref<128x48xf32, #tpu.memory_space<vmem>>) dst(%dma_wait3A_306 : memref<10000x48xf32, #tpu.memory_space<vmem_shared>>)
      } else {
      }
      %add3A_138 = arith.constant 3 : i32
      %add3A_139 = arith.addi %add3A_118, %add3A_138 : i32
      %lt3A_140 = arith.constant 78 : i32
      %lt3A_141 = arith.cmpi slt, %add3A_139, %lt3A_140 : i32
      %convert_element_type3A_142 = arith.extui %lt3A_141 : i1 to i32
      %cond3A_143 = arith.constant 0 : i32
      %cond3A_144 = arith.cmpi ne, %convert_element_type3A_142, %cond3A_143 : i32
      scf.if %cond3A_144 {
        %add3A_300 = arith.constant 3 : i32
        %add3A_301 = arith.addi %add3A_118, %add3A_300 : i32
        %mul3A_302 = arith.constant 32 : i32
        %mul3A_303 = arith.muli %add3A_301, %mul3A_302 : i32
        %add3A_304 = arith.addi %mul3A_303, %add3A : i32
        %mul3A_305 = arith.constant 128 : i32
        %mul3A_306 = arith.muli %add3A_304, %mul3A_305 : i32
        %dma_start3A_307 = arith.constant 0 : i32
        %dma_start3A_308 = tpu.memref_slice %arg3[%dma_start3A_307, %mul3A_306] : memref<2x320000xi32, #tpu.memory_space<hbm>> -> memref<2x128xi32, #tpu.memory_space<hbm>>
        %dma_start3A_309 = arith.constant 0 : i32
        %dma_start3A_310 = tpu.memref_slice %arg3[%dma_start3A_309, %mul3A_306] : memref<2x320000xi32, #tpu.memory_space<hbm>> -> memref<2x128xi32, #tpu.memory_space<hbm>>
        tpu.enqueue_dma source(%dma_start3A_310 : memref<2x128xi32, #tpu.memory_space<hbm>>) target(%arg10 : memref<2x128xi32, #tpu.memory_space<vmem>>) target_semaphore(%arg20 : memref<!tpu.dma_semaphore, #tpu.memory_space<semaphore_mem>>)
      } else {
      }
      %add3A_145 = arith.constant 2 : i32
      %add3A_146 = arith.addi %add3A_118, %add3A_145 : i32
      %lt3A_147 = arith.constant 78 : i32
      %lt3A_148 = arith.cmpi slt, %add3A_146, %lt3A_147 : i32
      %convert_element_type3A_149 = arith.extui %lt3A_148 : i1 to i32
      %cond3A_150 = arith.constant 0 : i32
      %cond3A_151 = arith.cmpi ne, %convert_element_type3A_149, %cond3A_150 : i32
      scf.if %cond3A_151 {
        %add3A_300 = arith.constant 2 : i32
        %add3A_301 = arith.addi %add3A_118, %add3A_300 : i32
        %mul3A_302 = arith.constant 32 : i32
        %mul3A_303 = arith.muli %add3A_301, %mul3A_302 : i32
        %add3A_304 = arith.addi %mul3A_303, %add3A : i32
        %mul3A_305 = arith.constant 128 : i32
        %mul3A_306 = arith.muli %add3A_304, %mul3A_305 : i32
        %dma_wait3A_307 = arith.constant 0 : i32
        %dma_wait3A_308 = tpu.memref_slice %arg3[%dma_wait3A_307, %mul3A_306] : memref<2x320000xi32, #tpu.memory_space<hbm>> -> memref<2x128xi32, #tpu.memory_space<hbm>>
        %dma_wait3A_309 = arith.constant 0 : i32
        %dma_wait3A_310 = tpu.memref_slice %arg3[%dma_wait3A_309, %mul3A_306] : memref<2x320000xi32, #tpu.memory_space<hbm>> -> memref<2x128xi32, #tpu.memory_space<hbm>>
        tpu.wait_dma2 semaphore(%arg19 : memref<!tpu.dma_semaphore, #tpu.memory_space<semaphore_mem>>) src(%dma_wait3A_310 : memref<2x128xi32, #tpu.memory_space<hbm>>) dst(%arg9 : memref<2x128xi32, #tpu.memory_space<vmem>>)
        %dma_start3A_311 = arith.constant 0 : i32
        %dma_start3A_312 = arith.constant 0 : i32
        %dma_start3A_313 = tpu.memref_slice %arg9[%dma_start3A_311, %dma_start3A_312] : memref<2x128xi32, #tpu.memory_space<vmem>> -> memref<1x128xi32, #tpu.memory_space<vmem>>
        %dma_start3A_314 = tpu.memref_squeeze %dma_start3A_313 : memref<1x128xi32, #tpu.memory_space<vmem>> -> memref<128xi32, #tpu.memory_space<vmem>>
        %dma_start3A_315 = arith.constant 0 : i32
        %dma_start3A_316 = arith.constant 0 : i32
        %dma_start3A_317 = tpu.memref_slice %arg2[%dma_start3A_315, %dma_start3A_316] : memref<10000x48xf32, #tpu.memory_space<hbm>> -> memref<10000x48xf32, #tpu.memory_space<hbm>>
        tpu.enqueue_indirect_dma source(%dma_start3A_317 : memref<10000x48xf32, #tpu.memory_space<hbm>>) target(%arg12 : memref<128x48xf32, #tpu.memory_space<vmem>>) offsets(%dma_start3A_314 : memref<128xi32, #tpu.memory_space<vmem>>) semaphore(%arg22 : memref<!tpu.dma_semaphore, #tpu.memory_space<semaphore_mem>>)
      } else {
      }
      %mul3A_152 = arith.constant 6 : i32
      %mul3A_153 = arith.muli %add3A_78, %mul3A_152 : i32
      %add3A_154 = arith.constant 2 : i32
      %add3A_155 = arith.addi %mul3A_153, %add3A_154 : i32
      %dma_wait3A_156 = arith.constant 0 : i32
      %dma_wait3A_157 = arith.constant 0 : i32
      %dma_wait3A_158 = tpu.memref_slice %arg8[%dma_wait3A_156, %dma_wait3A_157] : memref<2x128xi32, #tpu.memory_space<vmem>> -> memref<1x128xi32, #tpu.memory_space<vmem>>
      %dma_wait3A_159 = tpu.memref_squeeze %dma_wait3A_158 : memref<1x128xi32, #tpu.memory_space<vmem>> -> memref<128xi32, #tpu.memory_space<vmem>>
      %dma_wait3A_160 = arith.constant 0 : i32
      %dma_wait3A_161 = arith.constant 0 : i32
      %dma_wait3A_162 = tpu.memref_slice %arg2[%dma_wait3A_160, %dma_wait3A_161] : memref<10000x48xf32, #tpu.memory_space<hbm>> -> memref<10000x48xf32, #tpu.memory_space<hbm>>
      tpu.wait_indirect_dma semaphore(%arg24 : memref<!tpu.dma_semaphore, #tpu.memory_space<semaphore_mem>>) src(%dma_wait3A_162 : memref<10000x48xf32, #tpu.memory_space<hbm>>) dst(%arg14 : memref<128x48xf32, #tpu.memory_space<vmem>>)
      %dma_start3A_163 = arith.constant 1 : i32
      %dma_start3A_164 = arith.constant 0 : i32
      %dma_start3A_165 = tpu.memref_slice %arg8[%dma_start3A_163, %dma_start3A_164] : memref<2x128xi32, #tpu.memory_space<vmem>> -> memref<1x128xi32, #tpu.memory_space<vmem>>
      %dma_start3A_166 = tpu.memref_squeeze %dma_start3A_165 : memref<1x128xi32, #tpu.memory_space<vmem>> -> memref<128xi32, #tpu.memory_space<vmem>>
      %dma_start3A_167 = arith.constant 0 : i32
      %dma_start3A_168 = arith.constant 0 : i32
      %dma_start3A_169 = tpu.memref_slice %arg15[%dma_start3A_167, %dma_start3A_168] : memref<10000x48xf32, #tpu.memory_space<vmem_shared>> -> memref<10000x48xf32, #tpu.memory_space<vmem_shared>>
      tpu.enqueue_indirect_dma source(%arg14 : memref<128x48xf32, #tpu.memory_space<vmem>>) target(%dma_start3A_169 : memref<10000x48xf32, #tpu.memory_space<vmem_shared>>) offsets(%dma_start3A_166 : memref<128xi32, #tpu.memory_space<vmem>>) semaphore(%arg27 : memref<!tpu.dma_semaphore, #tpu.memory_space<semaphore_mem>>) {add = true}
      %ge3A_170 = arith.constant 1 : i32
      %ge3A_171 = arith.cmpi sge, %add3A_155, %ge3A_170 : i32
      %convert_element_type3A_172 = arith.extui %ge3A_171 : i1 to i32
      %cond3A_173 = arith.constant 0 : i32
      %cond3A_174 = arith.cmpi ne, %convert_element_type3A_172, %cond3A_173 : i32
      scf.if %cond3A_174 {
        %dma_wait3A_300 = arith.constant 1 : i32
        %dma_wait3A_301 = arith.constant 0 : i32
        %dma_wait3A_302 = tpu.memref_slice %arg7[%dma_wait3A_300, %dma_wait3A_301] : memref<2x128xi32, #tpu.memory_space<vmem>> -> memref<1x128xi32, #tpu.memory_space<vmem>>
        %dma_wait3A_303 = tpu.memref_squeeze %dma_wait3A_302 : memref<1x128xi32, #tpu.memory_space<vmem>> -> memref<128xi32, #tpu.memory_space<vmem>>
        %dma_wait3A_304 = arith.constant 0 : i32
        %dma_wait3A_305 = arith.constant 0 : i32
        %dma_wait3A_306 = tpu.memref_slice %arg15[%dma_wait3A_304, %dma_wait3A_305] : memref<10000x48xf32, #tpu.memory_space<vmem_shared>> -> memref<10000x48xf32, #tpu.memory_space<vmem_shared>>
        tpu.wait_indirect_dma semaphore(%arg26 : memref<!tpu.dma_semaphore, #tpu.memory_space<semaphore_mem>>) src(%arg13 : memref<128x48xf32, #tpu.memory_space<vmem>>) dst(%dma_wait3A_306 : memref<10000x48xf32, #tpu.memory_space<vmem_shared>>)
      } else {
      }
      %add3A_175 = arith.constant 3 : i32
      %add3A_176 = arith.addi %add3A_155, %add3A_175 : i32
      %lt3A_177 = arith.constant 78 : i32
      %lt3A_178 = arith.cmpi slt, %add3A_176, %lt3A_177 : i32
      %convert_element_type3A_179 = arith.extui %lt3A_178 : i1 to i32
      %cond3A_180 = arith.constant 0 : i32
      %cond3A_181 = arith.cmpi ne, %convert_element_type3A_179, %cond3A_180 : i32
      scf.if %cond3A_181 {
        %add3A_300 = arith.constant 3 : i32
        %add3A_301 = arith.addi %add3A_155, %add3A_300 : i32
        %mul3A_302 = arith.constant 32 : i32
        %mul3A_303 = arith.muli %add3A_301, %mul3A_302 : i32
        %add3A_304 = arith.addi %mul3A_303, %add3A : i32
        %mul3A_305 = arith.constant 128 : i32
        %mul3A_306 = arith.muli %add3A_304, %mul3A_305 : i32
        %dma_start3A_307 = arith.constant 0 : i32
        %dma_start3A_308 = tpu.memref_slice %arg3[%dma_start3A_307, %mul3A_306] : memref<2x320000xi32, #tpu.memory_space<hbm>> -> memref<2x128xi32, #tpu.memory_space<hbm>>
        %dma_start3A_309 = arith.constant 0 : i32
        %dma_start3A_310 = tpu.memref_slice %arg3[%dma_start3A_309, %mul3A_306] : memref<2x320000xi32, #tpu.memory_space<hbm>> -> memref<2x128xi32, #tpu.memory_space<hbm>>
        tpu.enqueue_dma source(%dma_start3A_310 : memref<2x128xi32, #tpu.memory_space<hbm>>) target(%arg11 : memref<2x128xi32, #tpu.memory_space<vmem>>) target_semaphore(%arg21 : memref<!tpu.dma_semaphore, #tpu.memory_space<semaphore_mem>>)
      } else {
      }
      %add3A_182 = arith.constant 2 : i32
      %add3A_183 = arith.addi %add3A_155, %add3A_182 : i32
      %lt3A_184 = arith.constant 78 : i32
      %lt3A_185 = arith.cmpi slt, %add3A_183, %lt3A_184 : i32
      %convert_element_type3A_186 = arith.extui %lt3A_185 : i1 to i32
      %cond3A_187 = arith.constant 0 : i32
      %cond3A_188 = arith.cmpi ne, %convert_element_type3A_186, %cond3A_187 : i32
      scf.if %cond3A_188 {
        %add3A_300 = arith.constant 2 : i32
        %add3A_301 = arith.addi %add3A_155, %add3A_300 : i32
        %mul3A_302 = arith.constant 32 : i32
        %mul3A_303 = arith.muli %add3A_301, %mul3A_302 : i32
        %add3A_304 = arith.addi %mul3A_303, %add3A : i32
        %mul3A_305 = arith.constant 128 : i32
        %mul3A_306 = arith.muli %add3A_304, %mul3A_305 : i32
        %dma_wait3A_307 = arith.constant 0 : i32
        %dma_wait3A_308 = tpu.memref_slice %arg3[%dma_wait3A_307, %mul3A_306] : memref<2x320000xi32, #tpu.memory_space<hbm>> -> memref<2x128xi32, #tpu.memory_space<hbm>>
        %dma_wait3A_309 = arith.constant 0 : i32
        %dma_wait3A_310 = tpu.memref_slice %arg3[%dma_wait3A_309, %mul3A_306] : memref<2x320000xi32, #tpu.memory_space<hbm>> -> memref<2x128xi32, #tpu.memory_space<hbm>>
        tpu.wait_dma2 semaphore(%arg20 : memref<!tpu.dma_semaphore, #tpu.memory_space<semaphore_mem>>) src(%dma_wait3A_310 : memref<2x128xi32, #tpu.memory_space<hbm>>) dst(%arg10 : memref<2x128xi32, #tpu.memory_space<vmem>>)
        %dma_start3A_311 = arith.constant 0 : i32
        %dma_start3A_312 = arith.constant 0 : i32
        %dma_start3A_313 = tpu.memref_slice %arg10[%dma_start3A_311, %dma_start3A_312] : memref<2x128xi32, #tpu.memory_space<vmem>> -> memref<1x128xi32, #tpu.memory_space<vmem>>
        %dma_start3A_314 = tpu.memref_squeeze %dma_start3A_313 : memref<1x128xi32, #tpu.memory_space<vmem>> -> memref<128xi32, #tpu.memory_space<vmem>>
        %dma_start3A_315 = arith.constant 0 : i32
        %dma_start3A_316 = arith.constant 0 : i32
        %dma_start3A_317 = tpu.memref_slice %arg2[%dma_start3A_315, %dma_start3A_316] : memref<10000x48xf32, #tpu.memory_space<hbm>> -> memref<10000x48xf32, #tpu.memory_space<hbm>>
        tpu.enqueue_indirect_dma source(%dma_start3A_317 : memref<10000x48xf32, #tpu.memory_space<hbm>>) target(%arg13 : memref<128x48xf32, #tpu.memory_space<vmem>>) offsets(%dma_start3A_314 : memref<128xi32, #tpu.memory_space<vmem>>) semaphore(%arg23 : memref<!tpu.dma_semaphore, #tpu.memory_space<semaphore_mem>>)
      } else {
      }
      %mul3A_189 = arith.constant 6 : i32
      %mul3A_190 = arith.muli %add3A_78, %mul3A_189 : i32
      %add3A_191 = arith.constant 3 : i32
      %add3A_192 = arith.addi %mul3A_190, %add3A_191 : i32
      %dma_wait3A_193 = arith.constant 0 : i32
      %dma_wait3A_194 = arith.constant 0 : i32
      %dma_wait3A_195 = tpu.memref_slice %arg9[%dma_wait3A_193, %dma_wait3A_194] : memref<2x128xi32, #tpu.memory_space<vmem>> -> memref<1x128xi32, #tpu.memory_space<vmem>>
      %dma_wait3A_196 = tpu.memref_squeeze %dma_wait3A_195 : memref<1x128xi32, #tpu.memory_space<vmem>> -> memref<128xi32, #tpu.memory_space<vmem>>
      %dma_wait3A_197 = arith.constant 0 : i32
      %dma_wait3A_198 = arith.constant 0 : i32
      %dma_wait3A_199 = tpu.memref_slice %arg2[%dma_wait3A_197, %dma_wait3A_198] : memref<10000x48xf32, #tpu.memory_space<hbm>> -> memref<10000x48xf32, #tpu.memory_space<hbm>>
      tpu.wait_indirect_dma semaphore(%arg22 : memref<!tpu.dma_semaphore, #tpu.memory_space<semaphore_mem>>) src(%dma_wait3A_199 : memref<10000x48xf32, #tpu.memory_space<hbm>>) dst(%arg12 : memref<128x48xf32, #tpu.memory_space<vmem>>)
      %dma_start3A_200 = arith.constant 1 : i32
      %dma_start3A_201 = arith.constant 0 : i32
      %dma_start3A_202 = tpu.memref_slice %arg9[%dma_start3A_200, %dma_start3A_201] : memref<2x128xi32, #tpu.memory_space<vmem>> -> memref<1x128xi32, #tpu.memory_space<vmem>>
      %dma_start3A_203 = tpu.memref_squeeze %dma_start3A_202 : memref<1x128xi32, #tpu.memory_space<vmem>> -> memref<128xi32, #tpu.memory_space<vmem>>
      %dma_start3A_204 = arith.constant 0 : i32
      %dma_start3A_205 = arith.constant 0 : i32
      %dma_start3A_206 = tpu.memref_slice %arg15[%dma_start3A_204, %dma_start3A_205] : memref<10000x48xf32, #tpu.memory_space<vmem_shared>> -> memref<10000x48xf32, #tpu.memory_space<vmem_shared>>
      tpu.enqueue_indirect_dma source(%arg12 : memref<128x48xf32, #tpu.memory_space<vmem>>) target(%dma_start3A_206 : memref<10000x48xf32, #tpu.memory_space<vmem_shared>>) offsets(%dma_start3A_203 : memref<128xi32, #tpu.memory_space<vmem>>) semaphore(%arg25 : memref<!tpu.dma_semaphore, #tpu.memory_space<semaphore_mem>>) {add = true}
      %ge3A_207 = arith.constant 1 : i32
      %ge3A_208 = arith.cmpi sge, %add3A_192, %ge3A_207 : i32
      %convert_element_type3A_209 = arith.extui %ge3A_208 : i1 to i32
      %cond3A_210 = arith.constant 0 : i32
      %cond3A_211 = arith.cmpi ne, %convert_element_type3A_209, %cond3A_210 : i32
      scf.if %cond3A_211 {
        %dma_wait3A_300 = arith.constant 1 : i32
        %dma_wait3A_301 = arith.constant 0 : i32
        %dma_wait3A_302 = tpu.memref_slice %arg8[%dma_wait3A_300, %dma_wait3A_301] : memref<2x128xi32, #tpu.memory_space<vmem>> -> memref<1x128xi32, #tpu.memory_space<vmem>>
        %dma_wait3A_303 = tpu.memref_squeeze %dma_wait3A_302 : memref<1x128xi32, #tpu.memory_space<vmem>> -> memref<128xi32, #tpu.memory_space<vmem>>
        %dma_wait3A_304 = arith.constant 0 : i32
        %dma_wait3A_305 = arith.constant 0 : i32
        %dma_wait3A_306 = tpu.memref_slice %arg15[%dma_wait3A_304, %dma_wait3A_305] : memref<10000x48xf32, #tpu.memory_space<vmem_shared>> -> memref<10000x48xf32, #tpu.memory_space<vmem_shared>>
        tpu.wait_indirect_dma semaphore(%arg27 : memref<!tpu.dma_semaphore, #tpu.memory_space<semaphore_mem>>) src(%arg14 : memref<128x48xf32, #tpu.memory_space<vmem>>) dst(%dma_wait3A_306 : memref<10000x48xf32, #tpu.memory_space<vmem_shared>>)
      } else {
      }
      %add3A_212 = arith.constant 3 : i32
      %add3A_213 = arith.addi %add3A_192, %add3A_212 : i32
      %lt3A_214 = arith.constant 78 : i32
      %lt3A_215 = arith.cmpi slt, %add3A_213, %lt3A_214 : i32
      %convert_element_type3A_216 = arith.extui %lt3A_215 : i1 to i32
      %cond3A_217 = arith.constant 0 : i32
      %cond3A_218 = arith.cmpi ne, %convert_element_type3A_216, %cond3A_217 : i32
      scf.if %cond3A_218 {
        %add3A_300 = arith.constant 3 : i32
        %add3A_301 = arith.addi %add3A_192, %add3A_300 : i32
        %mul3A_302 = arith.constant 32 : i32
        %mul3A_303 = arith.muli %add3A_301, %mul3A_302 : i32
        %add3A_304 = arith.addi %mul3A_303, %add3A : i32
        %mul3A_305 = arith.constant 128 : i32
        %mul3A_306 = arith.muli %add3A_304, %mul3A_305 : i32
        %dma_start3A_307 = arith.constant 0 : i32
        %dma_start3A_308 = tpu.memref_slice %arg3[%dma_start3A_307, %mul3A_306] : memref<2x320000xi32, #tpu.memory_space<hbm>> -> memref<2x128xi32, #tpu.memory_space<hbm>>
        %dma_start3A_309 = arith.constant 0 : i32
        %dma_start3A_310 = tpu.memref_slice %arg3[%dma_start3A_309, %mul3A_306] : memref<2x320000xi32, #tpu.memory_space<hbm>> -> memref<2x128xi32, #tpu.memory_space<hbm>>
        tpu.enqueue_dma source(%dma_start3A_310 : memref<2x128xi32, #tpu.memory_space<hbm>>) target(%arg6 : memref<2x128xi32, #tpu.memory_space<vmem>>) target_semaphore(%arg16 : memref<!tpu.dma_semaphore, #tpu.memory_space<semaphore_mem>>)
      } else {
      }
      %add3A_219 = arith.constant 2 : i32
      %add3A_220 = arith.addi %add3A_192, %add3A_219 : i32
      %lt3A_221 = arith.constant 78 : i32
      %lt3A_222 = arith.cmpi slt, %add3A_220, %lt3A_221 : i32
      %convert_element_type3A_223 = arith.extui %lt3A_222 : i1 to i32
      %cond3A_224 = arith.constant 0 : i32
      %cond3A_225 = arith.cmpi ne, %convert_element_type3A_223, %cond3A_224 : i32
      scf.if %cond3A_225 {
        %add3A_300 = arith.constant 2 : i32
        %add3A_301 = arith.addi %add3A_192, %add3A_300 : i32
        %mul3A_302 = arith.constant 32 : i32
        %mul3A_303 = arith.muli %add3A_301, %mul3A_302 : i32
        %add3A_304 = arith.addi %mul3A_303, %add3A : i32
        %mul3A_305 = arith.constant 128 : i32
        %mul3A_306 = arith.muli %add3A_304, %mul3A_305 : i32
        %dma_wait3A_307 = arith.constant 0 : i32
        %dma_wait3A_308 = tpu.memref_slice %arg3[%dma_wait3A_307, %mul3A_306] : memref<2x320000xi32, #tpu.memory_space<hbm>> -> memref<2x128xi32, #tpu.memory_space<hbm>>
        %dma_wait3A_309 = arith.constant 0 : i32
        %dma_wait3A_310 = tpu.memref_slice %arg3[%dma_wait3A_309, %mul3A_306] : memref<2x320000xi32, #tpu.memory_space<hbm>> -> memref<2x128xi32, #tpu.memory_space<hbm>>
        tpu.wait_dma2 semaphore(%arg21 : memref<!tpu.dma_semaphore, #tpu.memory_space<semaphore_mem>>) src(%dma_wait3A_310 : memref<2x128xi32, #tpu.memory_space<hbm>>) dst(%arg11 : memref<2x128xi32, #tpu.memory_space<vmem>>)
        %dma_start3A_311 = arith.constant 0 : i32
        %dma_start3A_312 = arith.constant 0 : i32
        %dma_start3A_313 = tpu.memref_slice %arg11[%dma_start3A_311, %dma_start3A_312] : memref<2x128xi32, #tpu.memory_space<vmem>> -> memref<1x128xi32, #tpu.memory_space<vmem>>
        %dma_start3A_314 = tpu.memref_squeeze %dma_start3A_313 : memref<1x128xi32, #tpu.memory_space<vmem>> -> memref<128xi32, #tpu.memory_space<vmem>>
        %dma_start3A_315 = arith.constant 0 : i32
        %dma_start3A_316 = arith.constant 0 : i32
        %dma_start3A_317 = tpu.memref_slice %arg2[%dma_start3A_315, %dma_start3A_316] : memref<10000x48xf32, #tpu.memory_space<hbm>> -> memref<10000x48xf32, #tpu.memory_space<hbm>>
        tpu.enqueue_indirect_dma source(%dma_start3A_317 : memref<10000x48xf32, #tpu.memory_space<hbm>>) target(%arg14 : memref<128x48xf32, #tpu.memory_space<vmem>>) offsets(%dma_start3A_314 : memref<128xi32, #tpu.memory_space<vmem>>) semaphore(%arg24 : memref<!tpu.dma_semaphore, #tpu.memory_space<semaphore_mem>>)
      } else {
      }
      %mul3A_226 = arith.constant 6 : i32
      %mul3A_227 = arith.muli %add3A_78, %mul3A_226 : i32
      %add3A_228 = arith.constant 4 : i32
      %add3A_229 = arith.addi %mul3A_227, %add3A_228 : i32
      %dma_wait3A_230 = arith.constant 0 : i32
      %dma_wait3A_231 = arith.constant 0 : i32
      %dma_wait3A_232 = tpu.memref_slice %arg10[%dma_wait3A_230, %dma_wait3A_231] : memref<2x128xi32, #tpu.memory_space<vmem>> -> memref<1x128xi32, #tpu.memory_space<vmem>>
      %dma_wait3A_233 = tpu.memref_squeeze %dma_wait3A_232 : memref<1x128xi32, #tpu.memory_space<vmem>> -> memref<128xi32, #tpu.memory_space<vmem>>
      %dma_wait3A_234 = arith.constant 0 : i32
      %dma_wait3A_235 = arith.constant 0 : i32
      %dma_wait3A_236 = tpu.memref_slice %arg2[%dma_wait3A_234, %dma_wait3A_235] : memref<10000x48xf32, #tpu.memory_space<hbm>> -> memref<10000x48xf32, #tpu.memory_space<hbm>>
      tpu.wait_indirect_dma semaphore(%arg23 : memref<!tpu.dma_semaphore, #tpu.memory_space<semaphore_mem>>) src(%dma_wait3A_236 : memref<10000x48xf32, #tpu.memory_space<hbm>>) dst(%arg13 : memref<128x48xf32, #tpu.memory_space<vmem>>)
      %dma_start3A_237 = arith.constant 1 : i32
      %dma_start3A_238 = arith.constant 0 : i32
      %dma_start3A_239 = tpu.memref_slice %arg10[%dma_start3A_237, %dma_start3A_238] : memref<2x128xi32, #tpu.memory_space<vmem>> -> memref<1x128xi32, #tpu.memory_space<vmem>>
      %dma_start3A_240 = tpu.memref_squeeze %dma_start3A_239 : memref<1x128xi32, #tpu.memory_space<vmem>> -> memref<128xi32, #tpu.memory_space<vmem>>
      %dma_start3A_241 = arith.constant 0 : i32
      %dma_start3A_242 = arith.constant 0 : i32
      %dma_start3A_243 = tpu.memref_slice %arg15[%dma_start3A_241, %dma_start3A_242] : memref<10000x48xf32, #tpu.memory_space<vmem_shared>> -> memref<10000x48xf32, #tpu.memory_space<vmem_shared>>
      tpu.enqueue_indirect_dma source(%arg13 : memref<128x48xf32, #tpu.memory_space<vmem>>) target(%dma_start3A_243 : memref<10000x48xf32, #tpu.memory_space<vmem_shared>>) offsets(%dma_start3A_240 : memref<128xi32, #tpu.memory_space<vmem>>) semaphore(%arg26 : memref<!tpu.dma_semaphore, #tpu.memory_space<semaphore_mem>>) {add = true}
      %ge3A_244 = arith.constant 1 : i32
      %ge3A_245 = arith.cmpi sge, %add3A_229, %ge3A_244 : i32
      %convert_element_type3A_246 = arith.extui %ge3A_245 : i1 to i32
      %cond3A_247 = arith.constant 0 : i32
      %cond3A_248 = arith.cmpi ne, %convert_element_type3A_246, %cond3A_247 : i32
      scf.if %cond3A_248 {
        %dma_wait3A_300 = arith.constant 1 : i32
        %dma_wait3A_301 = arith.constant 0 : i32
        %dma_wait3A_302 = tpu.memref_slice %arg9[%dma_wait3A_300, %dma_wait3A_301] : memref<2x128xi32, #tpu.memory_space<vmem>> -> memref<1x128xi32, #tpu.memory_space<vmem>>
        %dma_wait3A_303 = tpu.memref_squeeze %dma_wait3A_302 : memref<1x128xi32, #tpu.memory_space<vmem>> -> memref<128xi32, #tpu.memory_space<vmem>>
        %dma_wait3A_304 = arith.constant 0 : i32
        %dma_wait3A_305 = arith.constant 0 : i32
        %dma_wait3A_306 = tpu.memref_slice %arg15[%dma_wait3A_304, %dma_wait3A_305] : memref<10000x48xf32, #tpu.memory_space<vmem_shared>> -> memref<10000x48xf32, #tpu.memory_space<vmem_shared>>
        tpu.wait_indirect_dma semaphore(%arg25 : memref<!tpu.dma_semaphore, #tpu.memory_space<semaphore_mem>>) src(%arg12 : memref<128x48xf32, #tpu.memory_space<vmem>>) dst(%dma_wait3A_306 : memref<10000x48xf32, #tpu.memory_space<vmem_shared>>)
      } else {
      }
      %add3A_249 = arith.constant 3 : i32
      %add3A_250 = arith.addi %add3A_229, %add3A_249 : i32
      %lt3A_251 = arith.constant 78 : i32
      %lt3A_252 = arith.cmpi slt, %add3A_250, %lt3A_251 : i32
      %convert_element_type3A_253 = arith.extui %lt3A_252 : i1 to i32
      %cond3A_254 = arith.constant 0 : i32
      %cond3A_255 = arith.cmpi ne, %convert_element_type3A_253, %cond3A_254 : i32
      scf.if %cond3A_255 {
        %add3A_300 = arith.constant 3 : i32
        %add3A_301 = arith.addi %add3A_229, %add3A_300 : i32
        %mul3A_302 = arith.constant 32 : i32
        %mul3A_303 = arith.muli %add3A_301, %mul3A_302 : i32
        %add3A_304 = arith.addi %mul3A_303, %add3A : i32
        %mul3A_305 = arith.constant 128 : i32
        %mul3A_306 = arith.muli %add3A_304, %mul3A_305 : i32
        %dma_start3A_307 = arith.constant 0 : i32
        %dma_start3A_308 = tpu.memref_slice %arg3[%dma_start3A_307, %mul3A_306] : memref<2x320000xi32, #tpu.memory_space<hbm>> -> memref<2x128xi32, #tpu.memory_space<hbm>>
        %dma_start3A_309 = arith.constant 0 : i32
        %dma_start3A_310 = tpu.memref_slice %arg3[%dma_start3A_309, %mul3A_306] : memref<2x320000xi32, #tpu.memory_space<hbm>> -> memref<2x128xi32, #tpu.memory_space<hbm>>
        tpu.enqueue_dma source(%dma_start3A_310 : memref<2x128xi32, #tpu.memory_space<hbm>>) target(%arg7 : memref<2x128xi32, #tpu.memory_space<vmem>>) target_semaphore(%arg17 : memref<!tpu.dma_semaphore, #tpu.memory_space<semaphore_mem>>)
      } else {
      }
      %add3A_256 = arith.constant 2 : i32
      %add3A_257 = arith.addi %add3A_229, %add3A_256 : i32
      %lt3A_258 = arith.constant 78 : i32
      %lt3A_259 = arith.cmpi slt, %add3A_257, %lt3A_258 : i32
      %convert_element_type3A_260 = arith.extui %lt3A_259 : i1 to i32
      %cond3A_261 = arith.constant 0 : i32
      %cond3A_262 = arith.cmpi ne, %convert_element_type3A_260, %cond3A_261 : i32
      scf.if %cond3A_262 {
        %add3A_300 = arith.constant 2 : i32
        %add3A_301 = arith.addi %add3A_229, %add3A_300 : i32
        %mul3A_302 = arith.constant 32 : i32
        %mul3A_303 = arith.muli %add3A_301, %mul3A_302 : i32
        %add3A_304 = arith.addi %mul3A_303, %add3A : i32
        %mul3A_305 = arith.constant 128 : i32
        %mul3A_306 = arith.muli %add3A_304, %mul3A_305 : i32
        %dma_wait3A_307 = arith.constant 0 : i32
        %dma_wait3A_308 = tpu.memref_slice %arg3[%dma_wait3A_307, %mul3A_306] : memref<2x320000xi32, #tpu.memory_space<hbm>> -> memref<2x128xi32, #tpu.memory_space<hbm>>
        %dma_wait3A_309 = arith.constant 0 : i32
        %dma_wait3A_310 = tpu.memref_slice %arg3[%dma_wait3A_309, %mul3A_306] : memref<2x320000xi32, #tpu.memory_space<hbm>> -> memref<2x128xi32, #tpu.memory_space<hbm>>
        tpu.wait_dma2 semaphore(%arg16 : memref<!tpu.dma_semaphore, #tpu.memory_space<semaphore_mem>>) src(%dma_wait3A_310 : memref<2x128xi32, #tpu.memory_space<hbm>>) dst(%arg6 : memref<2x128xi32, #tpu.memory_space<vmem>>)
        %dma_start3A_311 = arith.constant 0 : i32
        %dma_start3A_312 = arith.constant 0 : i32
        %dma_start3A_313 = tpu.memref_slice %arg6[%dma_start3A_311, %dma_start3A_312] : memref<2x128xi32, #tpu.memory_space<vmem>> -> memref<1x128xi32, #tpu.memory_space<vmem>>
        %dma_start3A_314 = tpu.memref_squeeze %dma_start3A_313 : memref<1x128xi32, #tpu.memory_space<vmem>> -> memref<128xi32, #tpu.memory_space<vmem>>
        %dma_start3A_315 = arith.constant 0 : i32
        %dma_start3A_316 = arith.constant 0 : i32
        %dma_start3A_317 = tpu.memref_slice %arg2[%dma_start3A_315, %dma_start3A_316] : memref<10000x48xf32, #tpu.memory_space<hbm>> -> memref<10000x48xf32, #tpu.memory_space<hbm>>
        tpu.enqueue_indirect_dma source(%dma_start3A_317 : memref<10000x48xf32, #tpu.memory_space<hbm>>) target(%arg12 : memref<128x48xf32, #tpu.memory_space<vmem>>) offsets(%dma_start3A_314 : memref<128xi32, #tpu.memory_space<vmem>>) semaphore(%arg22 : memref<!tpu.dma_semaphore, #tpu.memory_space<semaphore_mem>>)
      } else {
      }
      %mul3A_263 = arith.constant 6 : i32
      %mul3A_264 = arith.muli %add3A_78, %mul3A_263 : i32
      %add3A_265 = arith.constant 5 : i32
      %add3A_266 = arith.addi %mul3A_264, %add3A_265 : i32
      %dma_wait3A_267 = arith.constant 0 : i32
      %dma_wait3A_268 = arith.constant 0 : i32
      %dma_wait3A_269 = tpu.memref_slice %arg11[%dma_wait3A_267, %dma_wait3A_268] : memref<2x128xi32, #tpu.memory_space<vmem>> -> memref<1x128xi32, #tpu.memory_space<vmem>>
      %dma_wait3A_270 = tpu.memref_squeeze %dma_wait3A_269 : memref<1x128xi32, #tpu.memory_space<vmem>> -> memref<128xi32, #tpu.memory_space<vmem>>
      %dma_wait3A_271 = arith.constant 0 : i32
      %dma_wait3A_272 = arith.constant 0 : i32
      %dma_wait3A_273 = tpu.memref_slice %arg2[%dma_wait3A_271, %dma_wait3A_272] : memref<10000x48xf32, #tpu.memory_space<hbm>> -> memref<10000x48xf32, #tpu.memory_space<hbm>>
      tpu.wait_indirect_dma semaphore(%arg24 : memref<!tpu.dma_semaphore, #tpu.memory_space<semaphore_mem>>) src(%dma_wait3A_273 : memref<10000x48xf32, #tpu.memory_space<hbm>>) dst(%arg14 : memref<128x48xf32, #tpu.memory_space<vmem>>)
      %dma_start3A_274 = arith.constant 1 : i32
      %dma_start3A_275 = arith.constant 0 : i32
      %dma_start3A_276 = tpu.memref_slice %arg11[%dma_start3A_274, %dma_start3A_275] : memref<2x128xi32, #tpu.memory_space<vmem>> -> memref<1x128xi32, #tpu.memory_space<vmem>>
      %dma_start3A_277 = tpu.memref_squeeze %dma_start3A_276 : memref<1x128xi32, #tpu.memory_space<vmem>> -> memref<128xi32, #tpu.memory_space<vmem>>
      %dma_start3A_278 = arith.constant 0 : i32
      %dma_start3A_279 = arith.constant 0 : i32
      %dma_start3A_280 = tpu.memref_slice %arg15[%dma_start3A_278, %dma_start3A_279] : memref<10000x48xf32, #tpu.memory_space<vmem_shared>> -> memref<10000x48xf32, #tpu.memory_space<vmem_shared>>
      tpu.enqueue_indirect_dma source(%arg14 : memref<128x48xf32, #tpu.memory_space<vmem>>) target(%dma_start3A_280 : memref<10000x48xf32, #tpu.memory_space<vmem_shared>>) offsets(%dma_start3A_277 : memref<128xi32, #tpu.memory_space<vmem>>) semaphore(%arg27 : memref<!tpu.dma_semaphore, #tpu.memory_space<semaphore_mem>>) {add = true}
      %ge3A_281 = arith.constant 1 : i32
      %ge3A_282 = arith.cmpi sge, %add3A_266, %ge3A_281 : i32
      %convert_element_type3A_283 = arith.extui %ge3A_282 : i1 to i32
      %cond3A_284 = arith.constant 0 : i32
      %cond3A_285 = arith.cmpi ne, %convert_element_type3A_283, %cond3A_284 : i32
      scf.if %cond3A_285 {
        %dma_wait3A_300 = arith.constant 1 : i32
        %dma_wait3A_301 = arith.constant 0 : i32
        %dma_wait3A_302 = tpu.memref_slice %arg10[%dma_wait3A_300, %dma_wait3A_301] : memref<2x128xi32, #tpu.memory_space<vmem>> -> memref<1x128xi32, #tpu.memory_space<vmem>>
        %dma_wait3A_303 = tpu.memref_squeeze %dma_wait3A_302 : memref<1x128xi32, #tpu.memory_space<vmem>> -> memref<128xi32, #tpu.memory_space<vmem>>
        %dma_wait3A_304 = arith.constant 0 : i32
        %dma_wait3A_305 = arith.constant 0 : i32
        %dma_wait3A_306 = tpu.memref_slice %arg15[%dma_wait3A_304, %dma_wait3A_305] : memref<10000x48xf32, #tpu.memory_space<vmem_shared>> -> memref<10000x48xf32, #tpu.memory_space<vmem_shared>>
        tpu.wait_indirect_dma semaphore(%arg26 : memref<!tpu.dma_semaphore, #tpu.memory_space<semaphore_mem>>) src(%arg13 : memref<128x48xf32, #tpu.memory_space<vmem>>) dst(%dma_wait3A_306 : memref<10000x48xf32, #tpu.memory_space<vmem_shared>>)
      } else {
      }
      %add3A_286 = arith.constant 3 : i32
      %add3A_287 = arith.addi %add3A_266, %add3A_286 : i32
      %lt3A_288 = arith.constant 78 : i32
      %lt3A_289 = arith.cmpi slt, %add3A_287, %lt3A_288 : i32
      %convert_element_type3A_290 = arith.extui %lt3A_289 : i1 to i32
      %cond3A_291 = arith.constant 0 : i32
      %cond3A_292 = arith.cmpi ne, %convert_element_type3A_290, %cond3A_291 : i32
      scf.if %cond3A_292 {
        %add3A_300 = arith.constant 3 : i32
        %add3A_301 = arith.addi %add3A_266, %add3A_300 : i32
        %mul3A_302 = arith.constant 32 : i32
        %mul3A_303 = arith.muli %add3A_301, %mul3A_302 : i32
        %add3A_304 = arith.addi %mul3A_303, %add3A : i32
        %mul3A_305 = arith.constant 128 : i32
        %mul3A_306 = arith.muli %add3A_304, %mul3A_305 : i32
        %dma_start3A_307 = arith.constant 0 : i32
        %dma_start3A_308 = tpu.memref_slice %arg3[%dma_start3A_307, %mul3A_306] : memref<2x320000xi32, #tpu.memory_space<hbm>> -> memref<2x128xi32, #tpu.memory_space<hbm>>
        %dma_start3A_309 = arith.constant 0 : i32
        %dma_start3A_310 = tpu.memref_slice %arg3[%dma_start3A_309, %mul3A_306] : memref<2x320000xi32, #tpu.memory_space<hbm>> -> memref<2x128xi32, #tpu.memory_space<hbm>>
        tpu.enqueue_dma source(%dma_start3A_310 : memref<2x128xi32, #tpu.memory_space<hbm>>) target(%arg8 : memref<2x128xi32, #tpu.memory_space<vmem>>) target_semaphore(%arg18 : memref<!tpu.dma_semaphore, #tpu.memory_space<semaphore_mem>>)
      } else {
      }
      %add3A_293 = arith.constant 2 : i32
      %add3A_294 = arith.addi %add3A_266, %add3A_293 : i32
      %lt3A_295 = arith.constant 78 : i32
      %lt3A_296 = arith.cmpi slt, %add3A_294, %lt3A_295 : i32
      %convert_element_type3A_297 = arith.extui %lt3A_296 : i1 to i32
      %cond3A_298 = arith.constant 0 : i32
      %cond3A_299 = arith.cmpi ne, %convert_element_type3A_297, %cond3A_298 : i32
      scf.if %cond3A_299 {
        %add3A_300 = arith.constant 2 : i32
        %add3A_301 = arith.addi %add3A_266, %add3A_300 : i32
        %mul3A_302 = arith.constant 32 : i32
        %mul3A_303 = arith.muli %add3A_301, %mul3A_302 : i32
        %add3A_304 = arith.addi %mul3A_303, %add3A : i32
        %mul3A_305 = arith.constant 128 : i32
        %mul3A_306 = arith.muli %add3A_304, %mul3A_305 : i32
        %dma_wait3A_307 = arith.constant 0 : i32
        %dma_wait3A_308 = tpu.memref_slice %arg3[%dma_wait3A_307, %mul3A_306] : memref<2x320000xi32, #tpu.memory_space<hbm>> -> memref<2x128xi32, #tpu.memory_space<hbm>>
        %dma_wait3A_309 = arith.constant 0 : i32
        %dma_wait3A_310 = tpu.memref_slice %arg3[%dma_wait3A_309, %mul3A_306] : memref<2x320000xi32, #tpu.memory_space<hbm>> -> memref<2x128xi32, #tpu.memory_space<hbm>>
        tpu.wait_dma2 semaphore(%arg17 : memref<!tpu.dma_semaphore, #tpu.memory_space<semaphore_mem>>) src(%dma_wait3A_310 : memref<2x128xi32, #tpu.memory_space<hbm>>) dst(%arg7 : memref<2x128xi32, #tpu.memory_space<vmem>>)
        %dma_start3A_311 = arith.constant 0 : i32
        %dma_start3A_312 = arith.constant 0 : i32
        %dma_start3A_313 = tpu.memref_slice %arg7[%dma_start3A_311, %dma_start3A_312] : memref<2x128xi32, #tpu.memory_space<vmem>> -> memref<1x128xi32, #tpu.memory_space<vmem>>
        %dma_start3A_314 = tpu.memref_squeeze %dma_start3A_313 : memref<1x128xi32, #tpu.memory_space<vmem>> -> memref<128xi32, #tpu.memory_space<vmem>>
        %dma_start3A_315 = arith.constant 0 : i32
        %dma_start3A_316 = arith.constant 0 : i32
        %dma_start3A_317 = tpu.memref_slice %arg2[%dma_start3A_315, %dma_start3A_316] : memref<10000x48xf32, #tpu.memory_space<hbm>> -> memref<10000x48xf32, #tpu.memory_space<hbm>>
        tpu.enqueue_indirect_dma source(%dma_start3A_317 : memref<10000x48xf32, #tpu.memory_space<hbm>>) target(%arg13 : memref<128x48xf32, #tpu.memory_space<vmem>>) offsets(%dma_start3A_314 : memref<128xi32, #tpu.memory_space<vmem>>) semaphore(%arg23 : memref<!tpu.dma_semaphore, #tpu.memory_space<semaphore_mem>>)
      } else {
      }
    }
    %scan3A_58 = arith.constant 13 : i32
    %dma_wait3A_59 = arith.constant 1 : i32
    %dma_wait3A_60 = arith.constant 0 : i32
    %dma_wait3A_61 = tpu.memref_slice %arg11[%dma_wait3A_59, %dma_wait3A_60] : memref<2x128xi32, #tpu.memory_space<vmem>> -> memref<1x128xi32, #tpu.memory_space<vmem>>
    %dma_wait3A_62 = tpu.memref_squeeze %dma_wait3A_61 : memref<1x128xi32, #tpu.memory_space<vmem>> -> memref<128xi32, #tpu.memory_space<vmem>>
    %dma_wait3A_63 = arith.constant 0 : i32
    %dma_wait3A_64 = arith.constant 0 : i32
    %dma_wait3A_65 = tpu.memref_slice %arg15[%dma_wait3A_63, %dma_wait3A_64] : memref<10000x48xf32, #tpu.memory_space<vmem_shared>> -> memref<10000x48xf32, #tpu.memory_space<vmem_shared>>
    tpu.wait_indirect_dma semaphore(%arg27 : memref<!tpu.dma_semaphore, #tpu.memory_space<semaphore_mem>>) src(%arg14 : memref<128x48xf32, #tpu.memory_space<vmem>>) dst(%dma_wait3A_65 : memref<10000x48xf32, #tpu.memory_space<vmem_shared>>)
    %lt3A = arith.constant 4 : i32
    %lt3A_66 = arith.cmpi slt, %add3A, %lt3A : i32
    %convert_element_type3A = arith.extui %lt3A_66 : i1 to i32
    %cond3A = arith.constant 0 : i32
    %cond3A_67 = arith.cmpi ne, %convert_element_type3A, %cond3A : i32
    scf.if %cond3A_67 {
      %add3A_74 = arith.constant 2496 : i32
      %add3A_75 = arith.addi %add3A_74, %add3A : i32
      %mul3A_76 = arith.constant 128 : i32
      %mul3A_77 = arith.muli %add3A_75, %mul3A_76 : i32
      %dma_start3A_78 = arith.constant 0 : i32
      %dma_start3A_79 = tpu.memref_slice %arg3[%dma_start3A_78, %mul3A_77] : memref<2x320000xi32, #tpu.memory_space<hbm>> -> memref<2x128xi32, #tpu.memory_space<hbm>>
      %dma_start3A_80 = arith.constant 0 : i32
      %dma_start3A_81 = tpu.memref_slice %arg3[%dma_start3A_80, %mul3A_77] : memref<2x320000xi32, #tpu.memory_space<hbm>> -> memref<2x128xi32, #tpu.memory_space<hbm>>
      tpu.enqueue_dma source(%dma_start3A_81 : memref<2x128xi32, #tpu.memory_space<hbm>>) target(%arg6 : memref<2x128xi32, #tpu.memory_space<vmem>>) target_semaphore(%arg16 : memref<!tpu.dma_semaphore, #tpu.memory_space<semaphore_mem>>)
      %add3A_82 = arith.constant 2496 : i32
      %add3A_83 = arith.addi %add3A_82, %add3A : i32
      %mul3A_84 = arith.constant 128 : i32
      %mul3A_85 = arith.muli %add3A_83, %mul3A_84 : i32
      %dma_wait3A_86 = arith.constant 0 : i32
      %dma_wait3A_87 = tpu.memref_slice %arg3[%dma_wait3A_86, %mul3A_85] : memref<2x320000xi32, #tpu.memory_space<hbm>> -> memref<2x128xi32, #tpu.memory_space<hbm>>
      %dma_wait3A_88 = arith.constant 0 : i32
      %dma_wait3A_89 = tpu.memref_slice %arg3[%dma_wait3A_88, %mul3A_85] : memref<2x320000xi32, #tpu.memory_space<hbm>> -> memref<2x128xi32, #tpu.memory_space<hbm>>
      tpu.wait_dma2 semaphore(%arg16 : memref<!tpu.dma_semaphore, #tpu.memory_space<semaphore_mem>>) src(%dma_wait3A_89 : memref<2x128xi32, #tpu.memory_space<hbm>>) dst(%arg6 : memref<2x128xi32, #tpu.memory_space<vmem>>)
      %dma_start3A_90 = arith.constant 0 : i32
      %dma_start3A_91 = arith.constant 0 : i32
      %dma_start3A_92 = tpu.memref_slice %arg6[%dma_start3A_90, %dma_start3A_91] : memref<2x128xi32, #tpu.memory_space<vmem>> -> memref<1x128xi32, #tpu.memory_space<vmem>>
      %dma_start3A_93 = tpu.memref_squeeze %dma_start3A_92 : memref<1x128xi32, #tpu.memory_space<vmem>> -> memref<128xi32, #tpu.memory_space<vmem>>
      %dma_start3A_94 = arith.constant 0 : i32
      %dma_start3A_95 = arith.constant 0 : i32
      %dma_start3A_96 = tpu.memref_slice %arg2[%dma_start3A_94, %dma_start3A_95] : memref<10000x48xf32, #tpu.memory_space<hbm>> -> memref<10000x48xf32, #tpu.memory_space<hbm>>
      tpu.enqueue_indirect_dma source(%dma_start3A_96 : memref<10000x48xf32, #tpu.memory_space<hbm>>) target(%arg12 : memref<128x48xf32, #tpu.memory_space<vmem>>) offsets(%dma_start3A_93 : memref<128xi32, #tpu.memory_space<vmem>>) semaphore(%arg22 : memref<!tpu.dma_semaphore, #tpu.memory_space<semaphore_mem>>)
      %dma_wait3A_97 = arith.constant 0 : i32
      %dma_wait3A_98 = arith.constant 0 : i32
      %dma_wait3A_99 = tpu.memref_slice %arg6[%dma_wait3A_97, %dma_wait3A_98] : memref<2x128xi32, #tpu.memory_space<vmem>> -> memref<1x128xi32, #tpu.memory_space<vmem>>
      %dma_wait3A_100 = tpu.memref_squeeze %dma_wait3A_99 : memref<1x128xi32, #tpu.memory_space<vmem>> -> memref<128xi32, #tpu.memory_space<vmem>>
      %dma_wait3A_101 = arith.constant 0 : i32
      %dma_wait3A_102 = arith.constant 0 : i32
      %dma_wait3A_103 = tpu.memref_slice %arg2[%dma_wait3A_101, %dma_wait3A_102] : memref<10000x48xf32, #tpu.memory_space<hbm>> -> memref<10000x48xf32, #tpu.memory_space<hbm>>
      tpu.wait_indirect_dma semaphore(%arg22 : memref<!tpu.dma_semaphore, #tpu.memory_space<semaphore_mem>>) src(%dma_wait3A_103 : memref<10000x48xf32, #tpu.memory_space<hbm>>) dst(%arg12 : memref<128x48xf32, #tpu.memory_space<vmem>>)
      %dma_start3A_104 = arith.constant 1 : i32
      %dma_start3A_105 = arith.constant 0 : i32
      %dma_start3A_106 = tpu.memref_slice %arg6[%dma_start3A_104, %dma_start3A_105] : memref<2x128xi32, #tpu.memory_space<vmem>> -> memref<1x128xi32, #tpu.memory_space<vmem>>
      %dma_start3A_107 = tpu.memref_squeeze %dma_start3A_106 : memref<1x128xi32, #tpu.memory_space<vmem>> -> memref<128xi32, #tpu.memory_space<vmem>>
      %dma_start3A_108 = arith.constant 0 : i32
      %dma_start3A_109 = arith.constant 0 : i32
      %dma_start3A_110 = tpu.memref_slice %arg15[%dma_start3A_108, %dma_start3A_109] : memref<10000x48xf32, #tpu.memory_space<vmem_shared>> -> memref<10000x48xf32, #tpu.memory_space<vmem_shared>>
      tpu.enqueue_indirect_dma source(%arg12 : memref<128x48xf32, #tpu.memory_space<vmem>>) target(%dma_start3A_110 : memref<10000x48xf32, #tpu.memory_space<vmem_shared>>) offsets(%dma_start3A_107 : memref<128xi32, #tpu.memory_space<vmem>>) semaphore(%arg25 : memref<!tpu.dma_semaphore, #tpu.memory_space<semaphore_mem>>) {add = true}
      %dma_wait3A_111 = arith.constant 1 : i32
      %dma_wait3A_112 = arith.constant 0 : i32
      %dma_wait3A_113 = tpu.memref_slice %arg6[%dma_wait3A_111, %dma_wait3A_112] : memref<2x128xi32, #tpu.memory_space<vmem>> -> memref<1x128xi32, #tpu.memory_space<vmem>>
      %dma_wait3A_114 = tpu.memref_squeeze %dma_wait3A_113 : memref<1x128xi32, #tpu.memory_space<vmem>> -> memref<128xi32, #tpu.memory_space<vmem>>
      %dma_wait3A_115 = arith.constant 0 : i32
      %dma_wait3A_116 = arith.constant 0 : i32
      %dma_wait3A_117 = tpu.memref_slice %arg15[%dma_wait3A_115, %dma_wait3A_116] : memref<10000x48xf32, #tpu.memory_space<vmem_shared>> -> memref<10000x48xf32, #tpu.memory_space<vmem_shared>>
      tpu.wait_indirect_dma semaphore(%arg25 : memref<!tpu.dma_semaphore, #tpu.memory_space<semaphore_mem>>) src(%arg12 : memref<128x48xf32, #tpu.memory_space<vmem>>) dst(%dma_wait3A_117 : memref<10000x48xf32, #tpu.memory_space<vmem_shared>>)
    } else {
    }
    %barrier3A_68 = arith.constant 0 : index
    tpu.barrier barrier_id(%barrier3A_68)
    %mul3A_69 = arith.constant 10000 : i32
    %mul3A_70 = arith.muli %arg0, %mul3A_69 : i32
    %mul3A_71 = arith.constant 625 : i32
    %mul3A_72 = arith.muli %arg1, %mul3A_71 : i32
    %add3A_73 = arith.addi %mul3A_70, %mul3A_72 : i32
    "tpu.region"() ({
      %run_scoped3A = tpu.sem_alloc : memref<!tpu.dma_semaphore, #tpu.memory_space<semaphore_mem>>
      %dma_start3A_74 = arith.constant 0 : i32
      %dma_start3A_75 = tpu.memref_slice %arg5[%add3A_73, %dma_start3A_74] : memref<20000x128xf32, #tpu.memory_space<hbm>> -> memref<625x128xf32, #tpu.memory_space<hbm>>
      %dma_start3A_76 = arith.constant 0 : i32
      %dma_start3A_77 = arith.constant 0 : i32
      %dma_start3A_78 = tpu.memref_slice %dma_start3A_75[%dma_start3A_76, %dma_start3A_77] : memref<625x128xf32, #tpu.memory_space<hbm>> -> memref<625x48xf32, #tpu.memory_space<hbm>>
      %dma_start3A_79 = arith.constant 0 : i32
      %dma_start3A_80 = tpu.memref_slice %arg15[%mul3A_2, %dma_start3A_79] : memref<10000x48xf32, #tpu.memory_space<vmem_shared>> -> memref<625x48xf32, #tpu.memory_space<vmem_shared>>
      tpu.enqueue_dma source(%dma_start3A_80 : memref<625x48xf32, #tpu.memory_space<vmem_shared>>) target(%dma_start3A_78 : memref<625x48xf32, #tpu.memory_space<hbm>>) target_semaphore(%run_scoped3A : memref<!tpu.dma_semaphore, #tpu.memory_space<semaphore_mem>>)
      %dma_wait3A_81 = arith.constant 0 : i32
      %dma_wait3A_82 = tpu.memref_slice %arg5[%add3A_73, %dma_wait3A_81] : memref<20000x128xf32, #tpu.memory_space<hbm>> -> memref<625x128xf32, #tpu.memory_space<hbm>>
      %dma_wait3A_83 = arith.constant 0 : i32
      %dma_wait3A_84 = arith.constant 0 : i32
      %dma_wait3A_85 = tpu.memref_slice %dma_wait3A_82[%dma_wait3A_83, %dma_wait3A_84] : memref<625x128xf32, #tpu.memory_space<hbm>> -> memref<625x48xf32, #tpu.memory_space<hbm>>
      %dma_wait3A_86 = arith.constant 0 : i32
      %dma_wait3A_87 = tpu.memref_slice %arg15[%mul3A_2, %dma_wait3A_86] : memref<10000x48xf32, #tpu.memory_space<vmem_shared>> -> memref<625x48xf32, #tpu.memory_space<vmem_shared>>
      tpu.wait_dma2 semaphore(%run_scoped3A : memref<!tpu.dma_semaphore, #tpu.memory_space<semaphore_mem>>) src(%dma_wait3A_87 : memref<625x48xf32, #tpu.memory_space<vmem_shared>>) dst(%dma_wait3A_85 : memref<625x48xf32, #tpu.memory_space<hbm>>)
      tpu.yield
    }) : () -> ()
    return
  }
}

#map = affine_map<(d0, d1) -> (0, 0)>
#map1 = affine_map<(d0, d1) -> (0)>
module attributes {stable_mosaic.version = 14 : i64} {
  func.func @k(%arg0: i32, %arg1: i32, %arg2: memref<20000x128xf32, #tpu.memory_space<hbm>>, %arg3: memref<20000x16xf32, #tpu.memory_space<hbm>>, %arg4: memref<10000x48xf32, #tpu.memory_space<hbm>>, %arg5: memref<10000x16xf32, #tpu.memory_space<hbm>>, %arg6: memref<1024xi32, #tpu.memory_space<hbm>>, %arg7: memref<1024x128xf32, #tpu.memory_space<hbm>>, %arg8: memref<1024x128xf32, #tpu.memory_space<hbm>>, %arg9: memref<1024x48xf32, #tpu.memory_space<hbm>>, %arg10: memref<1024x16xf32, #tpu.memory_space<hbm>>, %arg11: memref<1024x16xf32, #tpu.memory_space<hbm>>, %arg12: memref<1024x16xf32, #tpu.memory_space<hbm>>, %arg13: memref<32xi32, #tpu.memory_space<vmem>>, %arg14: memref<32xi32, #tpu.memory_space<vmem>>, %arg15: memref<32x128xf32, #tpu.memory_space<vmem>>, %arg16: memref<32x128xf32, #tpu.memory_space<vmem>>, %arg17: memref<32x48xf32, #tpu.memory_space<vmem>>, %arg18: memref<32x16xf32, #tpu.memory_space<vmem>>, %arg19: memref<32x16xf32, #tpu.memory_space<vmem>>, %arg20: memref<32x16xf32, #tpu.memory_space<vmem>>, %arg21: memref<!tpu.dma_semaphore, #tpu.memory_space<semaphore_mem>>) attributes {dimension_semantics = [#tpu.dimension_semantics<core_parallel>, #tpu.dimension_semantics<subcore_parallel>], iteration_bounds = array<i64: 2, 16>, scalar_prefetch = 0 : i64, scratch_operands = 9 : i64, tpu.core_type = #tpu.core_type<sc_vector_subcore>, window_params = [{transform_indices = #map}, {transform_indices = #map}, {transform_indices = #map}, {transform_indices = #map}, {transform_indices = #map1}, {transform_indices = #map}, {transform_indices = #map}, {transform_indices = #map}, {transform_indices = #map}, {transform_indices = #map}, {transform_indices = #map}]} {
    %mul3A = arith.constant 16 : i32
    %mul3A_0 = arith.muli %arg0, %mul3A : i32
    %add3A = arith.addi %mul3A_0, %arg1 : i32
    %mul3A_1 = arith.constant 32 : i32
    %mul3A_2 = arith.muli %add3A, %mul3A_1 : i32
    "tpu.region"() ({
      %run_scoped3A = tpu.sem_alloc : memref<!tpu.dma_semaphore, #tpu.memory_space<semaphore_mem>>
      %dma_start3A_41 = tpu.memref_slice %arg6[%mul3A_2] : memref<1024xi32, #tpu.memory_space<hbm>> -> memref<32xi32, #tpu.memory_space<hbm>>
      %dma_start3A_42 = tpu.memref_slice %arg6[%mul3A_2] : memref<1024xi32, #tpu.memory_space<hbm>> -> memref<32xi32, #tpu.memory_space<hbm>>
      tpu.enqueue_dma source(%dma_start3A_42 : memref<32xi32, #tpu.memory_space<hbm>>) target(%arg13 : memref<32xi32, #tpu.memory_space<vmem>>) target_semaphore(%run_scoped3A : memref<!tpu.dma_semaphore, #tpu.memory_space<semaphore_mem>>)
      %dma_wait3A_43 = tpu.memref_slice %arg6[%mul3A_2] : memref<1024xi32, #tpu.memory_space<hbm>> -> memref<32xi32, #tpu.memory_space<hbm>>
      %dma_wait3A_44 = tpu.memref_slice %arg6[%mul3A_2] : memref<1024xi32, #tpu.memory_space<hbm>> -> memref<32xi32, #tpu.memory_space<hbm>>
      tpu.wait_dma2 semaphore(%run_scoped3A : memref<!tpu.dma_semaphore, #tpu.memory_space<semaphore_mem>>) src(%dma_wait3A_44 : memref<32xi32, #tpu.memory_space<hbm>>) dst(%arg13 : memref<32xi32, #tpu.memory_space<vmem>>)
      tpu.yield
    }) : () -> ()
    %scan3A = arith.constant 0 : i32
    %scan3A_3 = arith.constant 2 : i32
    %scan3A_4 = arith.addi %scan3A, %scan3A_3 : i32
    %scan3A_5 = arith.constant 1 : i32
    scf.for %scan3A_41 = %scan3A to %scan3A_4 step %scan3A_5  : i32 {
      %mul3A_42 = arith.constant 16 : i32
      %mul3A_43 = arith.muli %scan3A_41, %mul3A_42 : i32
      %add3A_44 = arith.constant 0 : i32
      %add3A_45 = arith.addi %add3A_44, %mul3A_43 : i32
      %get3A = arith.index_cast %add3A_45 : i32 to index
      %get3A_46 = tpu.vector_load %arg13[%get3A] {strides = array<i32>} : memref<32xi32, #tpu.memory_space<vmem>>, vector<16xi32>,
      %get3A_47 = vector.shape_cast %get3A_46 : vector<16xi32> to vector<16xi32>
      %add3A_48 = arith.constant 10000 : i32
      %add3A_49 = vector.broadcast %add3A_48 : i32 to vector<16xi32>
      %add3A_50 = arith.addi %get3A_47, %add3A_49 : vector<16xi32>
      %swap3A = arith.index_cast %add3A_45 : i32 to index
      %swap3A_51 = tpu.vector_load %arg14[%swap3A] {strides = array<i32>} : memref<32xi32, #tpu.memory_space<vmem>>, vector<16xi32>,
      %swap3A_52 = vector.shape_cast %swap3A_51 : vector<16xi32> to vector<16xi32>
      %swap3A_53 = vector.shape_cast %add3A_50 : vector<16xi32> to vector<16xi32>
      tpu.vector_store %arg14[%swap3A], %swap3A_53 {strides = array<i32>} : memref<32xi32, #tpu.memory_space<vmem>>, vector<16xi32>,
    }
    %scan3A_6 = arith.constant 2 : i32
    %dma_start3A = arith.constant 0 : i32
    %dma_start3A_7 = arith.constant 0 : i32
    %dma_start3A_8 = tpu.memref_slice %arg2[%dma_start3A, %dma_start3A_7] : memref<20000x128xf32, #tpu.memory_space<hbm>> -> memref<20000x128xf32, #tpu.memory_space<hbm>>
    tpu.enqueue_indirect_dma source(%dma_start3A_8 : memref<20000x128xf32, #tpu.memory_space<hbm>>) target(%arg15 : memref<32x128xf32, #tpu.memory_space<vmem>>) offsets(%arg13 : memref<32xi32, #tpu.memory_space<vmem>>) semaphore(%arg21 : memref<!tpu.dma_semaphore, #tpu.memory_space<semaphore_mem>>)
    %dma_wait3A = arith.constant 0 : i32
    %dma_wait3A_9 = arith.constant 0 : i32
    %dma_wait3A_10 = tpu.memref_slice %arg2[%dma_wait3A, %dma_wait3A_9] : memref<20000x128xf32, #tpu.memory_space<hbm>> -> memref<20000x128xf32, #tpu.memory_space<hbm>>
    tpu.wait_indirect_dma semaphore(%arg21 : memref<!tpu.dma_semaphore, #tpu.memory_space<semaphore_mem>>) src(%dma_wait3A_10 : memref<20000x128xf32, #tpu.memory_space<hbm>>) dst(%arg15 : memref<32x128xf32, #tpu.memory_space<vmem>>)
    %dma_start3A_11 = arith.constant 0 : i32
    %dma_start3A_12 = arith.constant 0 : i32
    %dma_start3A_13 = tpu.memref_slice %arg2[%dma_start3A_11, %dma_start3A_12] : memref<20000x128xf32, #tpu.memory_space<hbm>> -> memref<20000x128xf32, #tpu.memory_space<hbm>>
    tpu.enqueue_indirect_dma source(%dma_start3A_13 : memref<20000x128xf32, #tpu.memory_space<hbm>>) target(%arg16 : memref<32x128xf32, #tpu.memory_space<vmem>>) offsets(%arg14 : memref<32xi32, #tpu.memory_space<vmem>>) semaphore(%arg21 : memref<!tpu.dma_semaphore, #tpu.memory_space<semaphore_mem>>)
    %dma_wait3A_14 = arith.constant 0 : i32
    %dma_wait3A_15 = arith.constant 0 : i32
    %dma_wait3A_16 = tpu.memref_slice %arg2[%dma_wait3A_14, %dma_wait3A_15] : memref<20000x128xf32, #tpu.memory_space<hbm>> -> memref<20000x128xf32, #tpu.memory_space<hbm>>
    tpu.wait_indirect_dma semaphore(%arg21 : memref<!tpu.dma_semaphore, #tpu.memory_space<semaphore_mem>>) src(%dma_wait3A_16 : memref<20000x128xf32, #tpu.memory_space<hbm>>) dst(%arg16 : memref<32x128xf32, #tpu.memory_space<vmem>>)
    %dma_start3A_17 = arith.constant 0 : i32
    %dma_start3A_18 = arith.constant 0 : i32
    %dma_start3A_19 = tpu.memref_slice %arg4[%dma_start3A_17, %dma_start3A_18] : memref<10000x48xf32, #tpu.memory_space<hbm>> -> memref<10000x48xf32, #tpu.memory_space<hbm>>
    tpu.enqueue_indirect_dma source(%dma_start3A_19 : memref<10000x48xf32, #tpu.memory_space<hbm>>) target(%arg17 : memref<32x48xf32, #tpu.memory_space<vmem>>) offsets(%arg13 : memref<32xi32, #tpu.memory_space<vmem>>) semaphore(%arg21 : memref<!tpu.dma_semaphore, #tpu.memory_space<semaphore_mem>>)
    %dma_wait3A_20 = arith.constant 0 : i32
    %dma_wait3A_21 = arith.constant 0 : i32
    %dma_wait3A_22 = tpu.memref_slice %arg4[%dma_wait3A_20, %dma_wait3A_21] : memref<10000x48xf32, #tpu.memory_space<hbm>> -> memref<10000x48xf32, #tpu.memory_space<hbm>>
    tpu.wait_indirect_dma semaphore(%arg21 : memref<!tpu.dma_semaphore, #tpu.memory_space<semaphore_mem>>) src(%dma_wait3A_22 : memref<10000x48xf32, #tpu.memory_space<hbm>>) dst(%arg17 : memref<32x48xf32, #tpu.memory_space<vmem>>)
    %dma_start3A_23 = arith.constant 0 : i32
    %dma_start3A_24 = arith.constant 0 : i32
    %dma_start3A_25 = tpu.memref_slice %arg3[%dma_start3A_23, %dma_start3A_24] : memref<20000x16xf32, #tpu.memory_space<hbm>> -> memref<20000x16xf32, #tpu.memory_space<hbm>>
    tpu.enqueue_indirect_dma source(%dma_start3A_25 : memref<20000x16xf32, #tpu.memory_space<hbm>>) target(%arg18 : memref<32x16xf32, #tpu.memory_space<vmem>>) offsets(%arg13 : memref<32xi32, #tpu.memory_space<vmem>>) semaphore(%arg21 : memref<!tpu.dma_semaphore, #tpu.memory_space<semaphore_mem>>)
    %dma_wait3A_26 = arith.constant 0 : i32
    %dma_wait3A_27 = arith.constant 0 : i32
    %dma_wait3A_28 = tpu.memref_slice %arg3[%dma_wait3A_26, %dma_wait3A_27] : memref<20000x16xf32, #tpu.memory_space<hbm>> -> memref<20000x16xf32, #tpu.memory_space<hbm>>
    tpu.wait_indirect_dma semaphore(%arg21 : memref<!tpu.dma_semaphore, #tpu.memory_space<semaphore_mem>>) src(%dma_wait3A_28 : memref<20000x16xf32, #tpu.memory_space<hbm>>) dst(%arg18 : memref<32x16xf32, #tpu.memory_space<vmem>>)
    %dma_start3A_29 = arith.constant 0 : i32
    %dma_start3A_30 = arith.constant 0 : i32
    %dma_start3A_31 = tpu.memref_slice %arg3[%dma_start3A_29, %dma_start3A_30] : memref<20000x16xf32, #tpu.memory_space<hbm>> -> memref<20000x16xf32, #tpu.memory_space<hbm>>
    tpu.enqueue_indirect_dma source(%dma_start3A_31 : memref<20000x16xf32, #tpu.memory_space<hbm>>) target(%arg19 : memref<32x16xf32, #tpu.memory_space<vmem>>) offsets(%arg14 : memref<32xi32, #tpu.memory_space<vmem>>) semaphore(%arg21 : memref<!tpu.dma_semaphore, #tpu.memory_space<semaphore_mem>>)
    %dma_wait3A_32 = arith.constant 0 : i32
    %dma_wait3A_33 = arith.constant 0 : i32
    %dma_wait3A_34 = tpu.memref_slice %arg3[%dma_wait3A_32, %dma_wait3A_33] : memref<20000x16xf32, #tpu.memory_space<hbm>> -> memref<20000x16xf32, #tpu.memory_space<hbm>>
    tpu.wait_indirect_dma semaphore(%arg21 : memref<!tpu.dma_semaphore, #tpu.memory_space<semaphore_mem>>) src(%dma_wait3A_34 : memref<20000x16xf32, #tpu.memory_space<hbm>>) dst(%arg19 : memref<32x16xf32, #tpu.memory_space<vmem>>)
    %dma_start3A_35 = arith.constant 0 : i32
    %dma_start3A_36 = arith.constant 0 : i32
    %dma_start3A_37 = tpu.memref_slice %arg5[%dma_start3A_35, %dma_start3A_36] : memref<10000x16xf32, #tpu.memory_space<hbm>> -> memref<10000x16xf32, #tpu.memory_space<hbm>>
    tpu.enqueue_indirect_dma source(%dma_start3A_37 : memref<10000x16xf32, #tpu.memory_space<hbm>>) target(%arg20 : memref<32x16xf32, #tpu.memory_space<vmem>>) offsets(%arg13 : memref<32xi32, #tpu.memory_space<vmem>>) semaphore(%arg21 : memref<!tpu.dma_semaphore, #tpu.memory_space<semaphore_mem>>)
    %dma_wait3A_38 = arith.constant 0 : i32
    %dma_wait3A_39 = arith.constant 0 : i32
    %dma_wait3A_40 = tpu.memref_slice %arg5[%dma_wait3A_38, %dma_wait3A_39] : memref<10000x16xf32, #tpu.memory_space<hbm>> -> memref<10000x16xf32, #tpu.memory_space<hbm>>
    tpu.wait_indirect_dma semaphore(%arg21 : memref<!tpu.dma_semaphore, #tpu.memory_space<semaphore_mem>>) src(%dma_wait3A_40 : memref<10000x16xf32, #tpu.memory_space<hbm>>) dst(%arg20 : memref<32x16xf32, #tpu.memory_space<vmem>>)
    "tpu.region"() ({
      %run_scoped3A = tpu.sem_alloc : memref<!tpu.dma_semaphore, #tpu.memory_space<semaphore_mem>>
      %dma_start3A_41 = arith.constant 0 : i32
      %dma_start3A_42 = tpu.memref_slice %arg7[%mul3A_2, %dma_start3A_41] : memref<1024x128xf32, #tpu.memory_space<hbm>> -> memref<32x128xf32, #tpu.memory_space<hbm>>
      %dma_start3A_43 = arith.constant 0 : i32
      %dma_start3A_44 = tpu.memref_slice %arg7[%mul3A_2, %dma_start3A_43] : memref<1024x128xf32, #tpu.memory_space<hbm>> -> memref<32x128xf32, #tpu.memory_space<hbm>>
      tpu.enqueue_dma source(%arg15 : memref<32x128xf32, #tpu.memory_space<vmem>>) target(%dma_start3A_44 : memref<32x128xf32, #tpu.memory_space<hbm>>) target_semaphore(%run_scoped3A : memref<!tpu.dma_semaphore, #tpu.memory_space<semaphore_mem>>)
      %dma_wait3A_45 = arith.constant 0 : i32
      %dma_wait3A_46 = tpu.memref_slice %arg7[%mul3A_2, %dma_wait3A_45] : memref<1024x128xf32, #tpu.memory_space<hbm>> -> memref<32x128xf32, #tpu.memory_space<hbm>>
      %dma_wait3A_47 = arith.constant 0 : i32
      %dma_wait3A_48 = tpu.memref_slice %arg7[%mul3A_2, %dma_wait3A_47] : memref<1024x128xf32, #tpu.memory_space<hbm>> -> memref<32x128xf32, #tpu.memory_space<hbm>>
      tpu.wait_dma2 semaphore(%run_scoped3A : memref<!tpu.dma_semaphore, #tpu.memory_space<semaphore_mem>>) src(%arg15 : memref<32x128xf32, #tpu.memory_space<vmem>>) dst(%dma_wait3A_48 : memref<32x128xf32, #tpu.memory_space<hbm>>)
      tpu.yield
    }) : () -> ()
    "tpu.region"() ({
      %run_scoped3A = tpu.sem_alloc : memref<!tpu.dma_semaphore, #tpu.memory_space<semaphore_mem>>
      %dma_start3A_41 = arith.constant 0 : i32
      %dma_start3A_42 = tpu.memref_slice %arg8[%mul3A_2, %dma_start3A_41] : memref<1024x128xf32, #tpu.memory_space<hbm>> -> memref<32x128xf32, #tpu.memory_space<hbm>>
      %dma_start3A_43 = arith.constant 0 : i32
      %dma_start3A_44 = tpu.memref_slice %arg8[%mul3A_2, %dma_start3A_43] : memref<1024x128xf32, #tpu.memory_space<hbm>> -> memref<32x128xf32, #tpu.memory_space<hbm>>
      tpu.enqueue_dma source(%arg16 : memref<32x128xf32, #tpu.memory_space<vmem>>) target(%dma_start3A_44 : memref<32x128xf32, #tpu.memory_space<hbm>>) target_semaphore(%run_scoped3A : memref<!tpu.dma_semaphore, #tpu.memory_space<semaphore_mem>>)
      %dma_wait3A_45 = arith.constant 0 : i32
      %dma_wait3A_46 = tpu.memref_slice %arg8[%mul3A_2, %dma_wait3A_45] : memref<1024x128xf32, #tpu.memory_space<hbm>> -> memref<32x128xf32, #tpu.memory_space<hbm>>
      %dma_wait3A_47 = arith.constant 0 : i32
      %dma_wait3A_48 = tpu.memref_slice %arg8[%mul3A_2, %dma_wait3A_47] : memref<1024x128xf32, #tpu.memory_space<hbm>> -> memref<32x128xf32, #tpu.memory_space<hbm>>
      tpu.wait_dma2 semaphore(%run_scoped3A : memref<!tpu.dma_semaphore, #tpu.memory_space<semaphore_mem>>) src(%arg16 : memref<32x128xf32, #tpu.memory_space<vmem>>) dst(%dma_wait3A_48 : memref<32x128xf32, #tpu.memory_space<hbm>>)
      tpu.yield
    }) : () -> ()
    "tpu.region"() ({
      %run_scoped3A = tpu.sem_alloc : memref<!tpu.dma_semaphore, #tpu.memory_space<semaphore_mem>>
      %dma_start3A_41 = arith.constant 0 : i32
      %dma_start3A_42 = tpu.memref_slice %arg9[%mul3A_2, %dma_start3A_41] : memref<1024x48xf32, #tpu.memory_space<hbm>> -> memref<32x48xf32, #tpu.memory_space<hbm>>
      %dma_start3A_43 = arith.constant 0 : i32
      %dma_start3A_44 = tpu.memref_slice %arg9[%mul3A_2, %dma_start3A_43] : memref<1024x48xf32, #tpu.memory_space<hbm>> -> memref<32x48xf32, #tpu.memory_space<hbm>>
      tpu.enqueue_dma source(%arg17 : memref<32x48xf32, #tpu.memory_space<vmem>>) target(%dma_start3A_44 : memref<32x48xf32, #tpu.memory_space<hbm>>) target_semaphore(%run_scoped3A : memref<!tpu.dma_semaphore, #tpu.memory_space<semaphore_mem>>)
      %dma_wait3A_45 = arith.constant 0 : i32
      %dma_wait3A_46 = tpu.memref_slice %arg9[%mul3A_2, %dma_wait3A_45] : memref<1024x48xf32, #tpu.memory_space<hbm>> -> memref<32x48xf32, #tpu.memory_space<hbm>>
      %dma_wait3A_47 = arith.constant 0 : i32
      %dma_wait3A_48 = tpu.memref_slice %arg9[%mul3A_2, %dma_wait3A_47] : memref<1024x48xf32, #tpu.memory_space<hbm>> -> memref<32x48xf32, #tpu.memory_space<hbm>>
      tpu.wait_dma2 semaphore(%run_scoped3A : memref<!tpu.dma_semaphore, #tpu.memory_space<semaphore_mem>>) src(%arg17 : memref<32x48xf32, #tpu.memory_space<vmem>>) dst(%dma_wait3A_48 : memref<32x48xf32, #tpu.memory_space<hbm>>)
      tpu.yield
    }) : () -> ()
    "tpu.region"() ({
      %run_scoped3A = tpu.sem_alloc : memref<!tpu.dma_semaphore, #tpu.memory_space<semaphore_mem>>
      %dma_start3A_41 = arith.constant 0 : i32
      %dma_start3A_42 = tpu.memref_slice %arg10[%mul3A_2, %dma_start3A_41] : memref<1024x16xf32, #tpu.memory_space<hbm>> -> memref<32x16xf32, #tpu.memory_space<hbm>>
      %dma_start3A_43 = arith.constant 0 : i32
      %dma_start3A_44 = tpu.memref_slice %arg10[%mul3A_2, %dma_start3A_43] : memref<1024x16xf32, #tpu.memory_space<hbm>> -> memref<32x16xf32, #tpu.memory_space<hbm>>
      tpu.enqueue_dma source(%arg18 : memref<32x16xf32, #tpu.memory_space<vmem>>) target(%dma_start3A_44 : memref<32x16xf32, #tpu.memory_space<hbm>>) target_semaphore(%run_scoped3A : memref<!tpu.dma_semaphore, #tpu.memory_space<semaphore_mem>>)
      %dma_wait3A_45 = arith.constant 0 : i32
      %dma_wait3A_46 = tpu.memref_slice %arg10[%mul3A_2, %dma_wait3A_45] : memref<1024x16xf32, #tpu.memory_space<hbm>> -> memref<32x16xf32, #tpu.memory_space<hbm>>
      %dma_wait3A_47 = arith.constant 0 : i32
      %dma_wait3A_48 = tpu.memref_slice %arg10[%mul3A_2, %dma_wait3A_47] : memref<1024x16xf32, #tpu.memory_space<hbm>> -> memref<32x16xf32, #tpu.memory_space<hbm>>
      tpu.wait_dma2 semaphore(%run_scoped3A : memref<!tpu.dma_semaphore, #tpu.memory_space<semaphore_mem>>) src(%arg18 : memref<32x16xf32, #tpu.memory_space<vmem>>) dst(%dma_wait3A_48 : memref<32x16xf32, #tpu.memory_space<hbm>>)
      tpu.yield
    }) : () -> ()
    "tpu.region"() ({
      %run_scoped3A = tpu.sem_alloc : memref<!tpu.dma_semaphore, #tpu.memory_space<semaphore_mem>>
      %dma_start3A_41 = arith.constant 0 : i32
      %dma_start3A_42 = tpu.memref_slice %arg11[%mul3A_2, %dma_start3A_41] : memref<1024x16xf32, #tpu.memory_space<hbm>> -> memref<32x16xf32, #tpu.memory_space<hbm>>
      %dma_start3A_43 = arith.constant 0 : i32
      %dma_start3A_44 = tpu.memref_slice %arg11[%mul3A_2, %dma_start3A_43] : memref<1024x16xf32, #tpu.memory_space<hbm>> -> memref<32x16xf32, #tpu.memory_space<hbm>>
      tpu.enqueue_dma source(%arg19 : memref<32x16xf32, #tpu.memory_space<vmem>>) target(%dma_start3A_44 : memref<32x16xf32, #tpu.memory_space<hbm>>) target_semaphore(%run_scoped3A : memref<!tpu.dma_semaphore, #tpu.memory_space<semaphore_mem>>)
      %dma_wait3A_45 = arith.constant 0 : i32
      %dma_wait3A_46 = tpu.memref_slice %arg11[%mul3A_2, %dma_wait3A_45] : memref<1024x16xf32, #tpu.memory_space<hbm>> -> memref<32x16xf32, #tpu.memory_space<hbm>>
      %dma_wait3A_47 = arith.constant 0 : i32
      %dma_wait3A_48 = tpu.memref_slice %arg11[%mul3A_2, %dma_wait3A_47] : memref<1024x16xf32, #tpu.memory_space<hbm>> -> memref<32x16xf32, #tpu.memory_space<hbm>>
      tpu.wait_dma2 semaphore(%run_scoped3A : memref<!tpu.dma_semaphore, #tpu.memory_space<semaphore_mem>>) src(%arg19 : memref<32x16xf32, #tpu.memory_space<vmem>>) dst(%dma_wait3A_48 : memref<32x16xf32, #tpu.memory_space<hbm>>)
      tpu.yield
    }) : () -> ()
    "tpu.region"() ({
      %run_scoped3A = tpu.sem_alloc : memref<!tpu.dma_semaphore, #tpu.memory_space<semaphore_mem>>
      %dma_start3A_41 = arith.constant 0 : i32
      %dma_start3A_42 = tpu.memref_slice %arg12[%mul3A_2, %dma_start3A_41] : memref<1024x16xf32, #tpu.memory_space<hbm>> -> memref<32x16xf32, #tpu.memory_space<hbm>>
      %dma_start3A_43 = arith.constant 0 : i32
      %dma_start3A_44 = tpu.memref_slice %arg12[%mul3A_2, %dma_start3A_43] : memref<1024x16xf32, #tpu.memory_space<hbm>> -> memref<32x16xf32, #tpu.memory_space<hbm>>
      tpu.enqueue_dma source(%arg20 : memref<32x16xf32, #tpu.memory_space<vmem>>) target(%dma_start3A_44 : memref<32x16xf32, #tpu.memory_space<hbm>>) target_semaphore(%run_scoped3A : memref<!tpu.dma_semaphore, #tpu.memory_space<semaphore_mem>>)
      %dma_wait3A_45 = arith.constant 0 : i32
      %dma_wait3A_46 = tpu.memref_slice %arg12[%mul3A_2, %dma_wait3A_45] : memref<1024x16xf32, #tpu.memory_space<hbm>> -> memref<32x16xf32, #tpu.memory_space<hbm>>
      %dma_wait3A_47 = arith.constant 0 : i32
      %dma_wait3A_48 = tpu.memref_slice %arg12[%mul3A_2, %dma_wait3A_47] : memref<1024x16xf32, #tpu.memory_space<hbm>> -> memref<32x16xf32, #tpu.memory_space<hbm>>
      tpu.wait_dma2 semaphore(%run_scoped3A : memref<!tpu.dma_semaphore, #tpu.memory_space<semaphore_mem>>) src(%arg20 : memref<32x16xf32, #tpu.memory_space<vmem>>) dst(%dma_wait3A_48 : memref<32x16xf32, #tpu.memory_space<hbm>>)
      tpu.yield
    }) : () -> ()
    return
  }
}

module attributes {stable_mosaic.version = 14 : i64} {
  func.func @body(%arg0: i32, %arg1: memref<2000x128xf32, #tpu.memory_space<vmem>>, %arg2: memref<2000x128xf32, #tpu.memory_space<vmem>>, %arg3: memref<2000x16xf32, #tpu.memory_space<vmem>>, %arg4: memref<2000x16xf32, #tpu.memory_space<vmem>>, %arg5: memref<2000x128xf32, #tpu.memory_space<vmem>>, %arg6: memref<1x128xf32, #tpu.memory_space<vmem>>, %arg7: memref<128x128xf32, #tpu.memory_space<vmem>>, %arg8: memref<128x48xf32, #tpu.memory_space<vmem>>, %arg9: memref<2000x48xf32, #tpu.memory_space<vmem>>, %arg10: memref<2000x48xf32, #tpu.memory_space<vmem>>) attributes {dimension_semantics = [#tpu.dimension_semantics<arbitrary>], iteration_bounds = array<i64: 5>, scalar_prefetch = 0 : i64, scratch_operands = 0 : i64, tpu.core_type = #tpu.core_type<tc>, window_params = [{transform_indices = @transform_0, window_bounds = array<i64: 2000, 128>}, {transform_indices = @transform_1, window_bounds = array<i64: 2000, 128>}, {transform_indices = @transform_2, window_bounds = array<i64: 2000, 16>}, {transform_indices = @transform_3, window_bounds = array<i64: 2000, 16>}, {transform_indices = @transform_4, window_bounds = array<i64: 2000, 128>}, {pipeline_mode = #tpu.pipeline_mode<synchronous>, transform_indices = @transform_5, window_bounds = array<i64: 1, 128>}, {pipeline_mode = #tpu.pipeline_mode<synchronous>, transform_indices = @transform_6, window_bounds = array<i64: 128, 128>}, {pipeline_mode = #tpu.pipeline_mode<synchronous>, transform_indices = @transform_7, window_bounds = array<i64: 128, 48>}, {transform_indices = @transform_8, window_bounds = array<i64: 2000, 48>}, {transform_indices = @transform_9, window_bounds = array<i64: 2000, 48>}]} {
    %get3A = arith.constant 0 : index
    %get3A_0 = arith.constant 0 : index
    %get3A_1 = vector.load %arg3[%get3A, %get3A_0] : memref<2000x16xf32, #tpu.memory_space<vmem>>, vector<2000x16xf32>
    %slice3A = vector.extract_strided_slice %get3A_1 {offsets = [0, 0], sizes = [2000, 1], strides = [1, 1]} : vector<2000x16xf32> to vector<2000x1xf32>
    %get3A_2 = arith.constant 0 : index
    %get3A_3 = arith.constant 0 : index
    %get3A_4 = vector.load %arg4[%get3A_2, %get3A_3] : memref<2000x16xf32, #tpu.memory_space<vmem>>, vector<2000x16xf32>
    %slice3A_5 = vector.extract_strided_slice %get3A_4 {offsets = [0, 0], sizes = [2000, 1], strides = [1, 1]} : vector<2000x16xf32> to vector<2000x1xf32>
    %add3A = arith.addf %slice3A, %slice3A_5 : vector<2000x1xf32>
    %add3A_6 = arith.constant 1.000000e+00 : f32
    %add3A_7 = vector.broadcast %add3A_6 : f32 to vector<2000x1xf32>
    %add3A_8 = arith.addf %add3A, %add3A_7 : vector<2000x1xf32>
    %div3A = arith.constant 1.000000e+00 : f32
    %div3A_9 = vector.broadcast %div3A : f32 to vector<2000x1xf32>
    %div3A_10 = arith.divf %div3A_9, %add3A_8 : vector<2000x1xf32>
    %get3A_11 = arith.constant 0 : index
    %get3A_12 = arith.constant 0 : index
    %get3A_13 = vector.load %arg1[%get3A_11, %get3A_12] : memref<2000x128xf32, #tpu.memory_space<vmem>>, vector<2000x128xf32>
    %get3A_14 = arith.constant 0 : index
    %get3A_15 = arith.constant 0 : index
    %get3A_16 = vector.load %arg2[%get3A_14, %get3A_15] : memref<2000x128xf32, #tpu.memory_space<vmem>>, vector<2000x128xf32>
    %add3A_17 = arith.addf %get3A_13, %get3A_16 : vector<2000x128xf32>
    %get3A_18 = arith.constant 0 : index
    %get3A_19 = arith.constant 0 : index
    %get3A_20 = vector.load %arg5[%get3A_18, %get3A_19] : memref<2000x128xf32, #tpu.memory_space<vmem>>, vector<2000x128xf32>
    %add3A_21 = arith.addf %add3A_17, %get3A_20 : vector<2000x128xf32>
    %mul3A = vector.broadcast %div3A_10 : vector<2000x1xf32> to vector<2000x128xf32>
    %mul3A_22 = arith.mulf %add3A_21, %mul3A : vector<2000x128xf32>
    %get3A_23 = arith.constant 0 : index
    %get3A_24 = arith.constant 0 : index
    %get3A_25 = vector.load %arg7[%get3A_23, %get3A_24] : memref<128x128xf32, #tpu.memory_space<vmem>>, vector<128x128xf32>
    %dot_general3A = arith.constant dense<0.000000e+00> : vector<2000x128xf32>
    %dot_general3A_26 = tpu.matmul %mul3A_22, %get3A_25, %dot_general3A {dimension_numbers = #tpu.dot_dimension_numbers<[1], [0], [0], [1], [0, 0, 1, 1], [], []>, transpose_lhs_hint = false} : vector<2000x128xf32>, vector<128x128xf32>, vector<2000x128xf32> -> vector<2000x128xf32>
    %get3A_27 = arith.constant 0 : index
    %get3A_28 = arith.constant 0 : index
    %get3A_29 = vector.load %arg6[%get3A_27, %get3A_28] : memref<1x128xf32, #tpu.memory_space<vmem>>, vector<1x128xf32>
    %add3A_30 = vector.broadcast %get3A_29 : vector<1x128xf32> to vector<2000x128xf32>
    %add3A_31 = arith.addf %dot_general3A_26, %add3A_30 : vector<2000x128xf32>
    %max3A = arith.constant 0.000000e+00 : f32
    %max3A_32 = vector.broadcast %max3A : f32 to vector<2000x128xf32>
    %max3A_33 = arith.maximumf %add3A_31, %max3A_32 : vector<2000x128xf32>
    %get3A_34 = arith.constant 0 : index
    %get3A_35 = arith.constant 0 : index
    %get3A_36 = vector.load %arg8[%get3A_34, %get3A_35] : memref<128x48xf32, #tpu.memory_space<vmem>>, vector<128x48xf32>
    %dot_general3A_37 = arith.constant dense<0.000000e+00> : vector<2000x48xf32>
    %dot_general3A_38 = tpu.matmul %max3A_33, %get3A_36, %dot_general3A_37 {dimension_numbers = #tpu.dot_dimension_numbers<[1], [0], [0], [1], [0, 0, 1, 1], [], []>, transpose_lhs_hint = false} : vector<2000x128xf32>, vector<128x48xf32>, vector<2000x48xf32> -> vector<2000x48xf32>
    %swap3A = arith.constant 0 : index
    %swap3A_39 = arith.constant 0 : index
    %swap3A_40 = vector.load %arg9[%swap3A, %swap3A_39] : memref<2000x48xf32, #tpu.memory_space<vmem>>, vector<2000x48xf32>
    tpu.vector_store %arg9[%swap3A, %swap3A_39], %dot_general3A_38 {strides = array<i32>} : memref<2000x48xf32, #tpu.memory_space<vmem>>, vector<2000x48xf32>,
    %broadcast_in_dim3A = vector.shape_cast %div3A_10 : vector<2000x1xf32> to vector<2000x1xf32>
    %broadcast_in_dim3A_41 = vector.broadcast %broadcast_in_dim3A : vector<2000x1xf32> to vector<2000x48xf32>
    %swap3A_42 = arith.constant 0 : index
    %swap3A_43 = arith.constant 0 : index
    %swap3A_44 = vector.load %arg10[%swap3A_42, %swap3A_43] : memref<2000x48xf32, #tpu.memory_space<vmem>>, vector<2000x48xf32>
    tpu.vector_store %arg10[%swap3A_42, %swap3A_43], %broadcast_in_dim3A_41 {strides = array<i32>} : memref<2000x48xf32, #tpu.memory_space<vmem>>, vector<2000x48xf32>,
    return
  }
  func.func @transform_0(%arg0: i32) -> (i32, i32) {
    %c0_i32 = arith.constant 0 : i32
    %c0_i32_0 = arith.constant 0 : i32
    return %arg0, %c0_i32 : i32, i32
  }
  func.func @transform_1(%arg0: i32) -> (i32, i32) {
    %add3A = arith.constant 5 : i32
    %add3A_0 = arith.addi %arg0, %add3A : i32
    %c0_i32 = arith.constant 0 : i32
    %c0_i32_1 = arith.constant 0 : i32
    return %add3A_0, %c0_i32 : i32, i32
  }
  func.func @transform_2(%arg0: i32) -> (i32, i32) {
    %c0_i32 = arith.constant 0 : i32
    %c0_i32_0 = arith.constant 0 : i32
    return %arg0, %c0_i32 : i32, i32
  }
  func.func @transform_3(%arg0: i32) -> (i32, i32) {
    %add3A = arith.constant 5 : i32
    %add3A_0 = arith.addi %arg0, %add3A : i32
    %c0_i32 = arith.constant 0 : i32
    %c0_i32_1 = arith.constant 0 : i32
    return %add3A_0, %c0_i32 : i32, i32
  }
  func.func @transform_4(%arg0: i32) -> (i32, i32) {
    %c0_i32 = arith.constant 0 : i32
    %c0_i32_0 = arith.constant 0 : i32
    return %arg0, %c0_i32 : i32, i32
  }
  func.func @transform_5(%arg0: i32) -> (i32, i32) {
    %c0_i32 = arith.constant 0 : i32
    %c0_i32_0 = arith.constant 0 : i32
    %c0_i32_1 = arith.constant 0 : i32
    return %c0_i32, %c0_i32_0 : i32, i32
  }
  func.func @transform_6(%arg0: i32) -> (i32, i32) {
    %c0_i32 = arith.constant 0 : i32
    %c0_i32_0 = arith.constant 0 : i32
    %c0_i32_1 = arith.constant 0 : i32
    return %c0_i32, %c0_i32_0 : i32, i32
  }
  func.func @transform_7(%arg0: i32) -> (i32, i32) {
    %c0_i32 = arith.constant 0 : i32
    %c0_i32_0 = arith.constant 0 : i32
    %c0_i32_1 = arith.constant 0 : i32
    return %c0_i32, %c0_i32_0 : i32, i32
  }
  func.func @transform_8(%arg0: i32) -> (i32, i32) {
    %c0_i32 = arith.constant 0 : i32
    %c0_i32_0 = arith.constant 0 : i32
    return %arg0, %c0_i32 : i32, i32
  }
  func.func @transform_9(%arg0: i32) -> (i32, i32) {
    %c0_i32 = arith.constant 0 : i32
    %c0_i32_0 = arith.constant 0 : i32
    return %arg0, %c0_i32 : i32, i32
  }
}

module attributes {stable_mosaic.version = 14 : i64} {
  func.func @body(%arg0: i32, %arg1: memref<2000x128xf32, #tpu.memory_space<vmem>>, %arg2: memref<2000x128xf32, #tpu.memory_space<vmem>>, %arg3: memref<2000x48xf32, #tpu.memory_space<vmem>>, %arg4: memref<2000x48xf32, #tpu.memory_space<vmem>>, %arg5: memref<1x48xf32, #tpu.memory_space<vmem>>, %arg6: memref<2000x47xf32, #tpu.memory_space<vmem>>) attributes {dimension_semantics = [#tpu.dimension_semantics<arbitrary>], iteration_bounds = array<i64: 5>, scalar_prefetch = 0 : i64, scratch_operands = 0 : i64, tpu.core_type = #tpu.core_type<tc>, window_params = [{transform_indices = @transform_0, window_bounds = array<i64: 2000, 128>}, {transform_indices = @transform_1, window_bounds = array<i64: 2000, 128>}, {transform_indices = @transform_2, window_bounds = array<i64: 2000, 48>}, {transform_indices = @transform_3, window_bounds = array<i64: 2000, 48>}, {pipeline_mode = #tpu.pipeline_mode<synchronous>, transform_indices = @transform_4, window_bounds = array<i64: 1, 48>}, {transform_indices = @transform_5, window_bounds = array<i64: 2000, 47>}]} {
    %get3A = arith.constant 0 : index
    %get3A_0 = arith.constant 0 : index
    %get3A_1 = vector.load %arg1[%get3A, %get3A_0] : memref<2000x128xf32, #tpu.memory_space<vmem>>, vector<2000x128xf32>
    %slice3A = vector.extract_strided_slice %get3A_1 {offsets = [0, 0], sizes = [2000, 48], strides = [1, 1]} : vector<2000x128xf32> to vector<2000x48xf32>
    %get3A_2 = arith.constant 0 : index
    %get3A_3 = arith.constant 0 : index
    %get3A_4 = vector.load %arg2[%get3A_2, %get3A_3] : memref<2000x128xf32, #tpu.memory_space<vmem>>, vector<2000x128xf32>
    %slice3A_5 = vector.extract_strided_slice %get3A_4 {offsets = [0, 0], sizes = [2000, 48], strides = [1, 1]} : vector<2000x128xf32> to vector<2000x48xf32>
    %add3A = arith.addf %slice3A, %slice3A_5 : vector<2000x48xf32>
    %get3A_6 = arith.constant 0 : index
    %get3A_7 = arith.constant 0 : index
    %get3A_8 = vector.load %arg3[%get3A_6, %get3A_7] : memref<2000x48xf32, #tpu.memory_space<vmem>>, vector<2000x48xf32>
    %add3A_9 = arith.addf %add3A, %get3A_8 : vector<2000x48xf32>
    %get3A_10 = arith.constant 0 : index
    %get3A_11 = arith.constant 0 : index
    %get3A_12 = vector.load %arg4[%get3A_10, %get3A_11] : memref<2000x48xf32, #tpu.memory_space<vmem>>, vector<2000x48xf32>
    %mul3A = arith.mulf %add3A_9, %get3A_12 : vector<2000x48xf32>
    %get3A_13 = arith.constant 0 : index
    %get3A_14 = arith.constant 0 : index
    %get3A_15 = vector.load %arg5[%get3A_13, %get3A_14] : memref<1x48xf32, #tpu.memory_space<vmem>>, vector<1x48xf32>
    %add3A_16 = vector.broadcast %get3A_15 : vector<1x48xf32> to vector<2000x48xf32>
    %add3A_17 = arith.addf %mul3A, %add3A_16 : vector<2000x48xf32>
    %iota3A = tpu.iota {dimensions = array<i32: 1>} : vector<2000x48xi32>
    %lt3A = arith.constant 47 : i32
    %lt3A_18 = vector.broadcast %lt3A : i32 to vector<2000x48xi32>
    %lt3A_19 = arith.cmpi slt, %iota3A, %lt3A_18 : vector<2000x48xi32>
    %jit3A = arith.constant -1.000000e+30 : f32
    %broadcast_in_dim3A = vector.broadcast %jit3A : f32 to vector<2000x48xf32>
    %select_n3A = arith.select %lt3A_19, %add3A_17, %broadcast_in_dim3A : vector<2000x48xi1>, vector<2000x48xf32>
    %reduce_max3A = arith.constant dense<0xFF800000> : vector<2000xf32>
    %reduce_max3A_20 = vector.multi_reduction <maximumf>, %select_n3A, %reduce_max3A [1] : vector<2000x48xf32> to vector<2000xf32>
    %broadcast_in_dim3A_21 = vector.shape_cast %reduce_max3A_20 : vector<2000xf32> to vector<2000x1xf32>
    %sub3A = vector.broadcast %broadcast_in_dim3A_21 : vector<2000x1xf32> to vector<2000x48xf32>
    %sub3A_22 = arith.subf %select_n3A, %sub3A : vector<2000x48xf32>
    %sub3A_23 = vector.broadcast %broadcast_in_dim3A_21 : vector<2000x1xf32> to vector<2000x48xf32>
    %sub3A_24 = arith.subf %select_n3A, %sub3A_23 : vector<2000x48xf32>
    %exp3A = math.exp %sub3A_24 : vector<2000x48xf32>
    %reduce_sum3A = arith.constant dense<0.000000e+00> : vector<2000xf32>
    %reduce_sum3A_25 = vector.multi_reduction <add>, %exp3A, %reduce_sum3A [1] : vector<2000x48xf32> to vector<2000xf32>
    %broadcast_in_dim3A_26 = vector.shape_cast %reduce_sum3A_25 : vector<2000xf32> to vector<2000x1xf32>
    %log3A = math.log %broadcast_in_dim3A_26 : vector<2000x1xf32>
    %sub3A_27 = vector.broadcast %log3A : vector<2000x1xf32> to vector<2000x48xf32>
    %sub3A_28 = arith.subf %sub3A_22, %sub3A_27 : vector<2000x48xf32>
    %slice3A_29 = vector.extract_strided_slice %sub3A_28 {offsets = [0, 0], sizes = [2000, 47], strides = [1, 1]} : vector<2000x48xf32> to vector<2000x47xf32>
    %swap3A = arith.constant 0 : index
    %swap3A_30 = arith.constant 0 : index
    %swap3A_31 = vector.load %arg6[%swap3A, %swap3A_30] : memref<2000x47xf32, #tpu.memory_space<vmem>>, vector<2000x47xf32>
    tpu.vector_store %arg6[%swap3A, %swap3A_30], %slice3A_29 {strides = array<i32>} : memref<2000x47xf32, #tpu.memory_space<vmem>>, vector<2000x47xf32>,
    return
  }
  func.func @transform_0(%arg0: i32) -> (i32, i32) {
    %c0_i32 = arith.constant 0 : i32
    %c0_i32_0 = arith.constant 0 : i32
    return %arg0, %c0_i32 : i32, i32
  }
  func.func @transform_1(%arg0: i32) -> (i32, i32) {
    %add3A = arith.constant 5 : i32
    %add3A_0 = arith.addi %arg0, %add3A : i32
    %c0_i32 = arith.constant 0 : i32
    %c0_i32_1 = arith.constant 0 : i32
    return %add3A_0, %c0_i32 : i32, i32
  }
  func.func @transform_2(%arg0: i32) -> (i32, i32) {
    %c0_i32 = arith.constant 0 : i32
    %c0_i32_0 = arith.constant 0 : i32
    return %arg0, %c0_i32 : i32, i32
  }
  func.func @transform_3(%arg0: i32) -> (i32, i32) {
    %c0_i32 = arith.constant 0 : i32
    %c0_i32_0 = arith.constant 0 : i32
    return %arg0, %c0_i32 : i32, i32
  }
  func.func @transform_4(%arg0: i32) -> (i32, i32) {
    %c0_i32 = arith.constant 0 : i32
    %c0_i32_0 = arith.constant 0 : i32
    %c0_i32_1 = arith.constant 0 : i32
    return %c0_i32, %c0_i32_0 : i32, i32
  }
  func.func @transform_5(%arg0: i32) -> (i32, i32) {
    %c0_i32 = arith.constant 0 : i32
    %c0_i32_0 = arith.constant 0 : i32
    return %arg0, %c0_i32 : i32, i32
  }
}

module attributes {stable_mosaic.version = 14 : i64} {
  func.func @body(%arg0: memref<1024x128xf32, #tpu.memory_space<vmem>>, %arg1: memref<1024x128xf32, #tpu.memory_space<vmem>>, %arg2: memref<1024x48xf32, #tpu.memory_space<vmem>>, %arg3: memref<1024x16xf32, #tpu.memory_space<vmem>>, %arg4: memref<1024x16xf32, #tpu.memory_space<vmem>>, %arg5: memref<1024x16xf32, #tpu.memory_space<vmem>>, %arg6: memref<1x48xf32, #tpu.memory_space<vmem>>, %arg7: memref<1x1xf32, #tpu.memory_space<vmem>>) attributes {dimension_semantics = [], scalar_prefetch = 0 : i64, scratch_operands = 0 : i64, tpu.core_type = #tpu.core_type<tc>} {
    %get3A = arith.constant 0 : index
    %get3A_0 = arith.constant 0 : index
    %get3A_1 = vector.load %arg3[%get3A, %get3A_0] : memref<1024x16xf32, #tpu.memory_space<vmem>>, vector<1024x16xf32>
    %slice3A = vector.extract_strided_slice %get3A_1 {offsets = [0, 0], sizes = [1024, 1], strides = [1, 1]} : vector<1024x16xf32> to vector<1024x1xf32>
    %get3A_2 = arith.constant 0 : index
    %get3A_3 = arith.constant 0 : index
    %get3A_4 = vector.load %arg4[%get3A_2, %get3A_3] : memref<1024x16xf32, #tpu.memory_space<vmem>>, vector<1024x16xf32>
    %slice3A_5 = vector.extract_strided_slice %get3A_4 {offsets = [0, 0], sizes = [1024, 1], strides = [1, 1]} : vector<1024x16xf32> to vector<1024x1xf32>
    %add3A = arith.addf %slice3A, %slice3A_5 : vector<1024x1xf32>
    %get3A_6 = arith.constant 0 : index
    %get3A_7 = arith.constant 0 : index
    %get3A_8 = vector.load %arg0[%get3A_6, %get3A_7] : memref<1024x128xf32, #tpu.memory_space<vmem>>, vector<1024x128xf32>
    %slice3A_9 = vector.extract_strided_slice %get3A_8 {offsets = [0, 0], sizes = [1024, 48], strides = [1, 1]} : vector<1024x128xf32> to vector<1024x48xf32>
    %get3A_10 = arith.constant 0 : index
    %get3A_11 = arith.constant 0 : index
    %get3A_12 = vector.load %arg1[%get3A_10, %get3A_11] : memref<1024x128xf32, #tpu.memory_space<vmem>>, vector<1024x128xf32>
    %slice3A_13 = vector.extract_strided_slice %get3A_12 {offsets = [0, 0], sizes = [1024, 48], strides = [1, 1]} : vector<1024x128xf32> to vector<1024x48xf32>
    %add3A_14 = arith.addf %slice3A_9, %slice3A_13 : vector<1024x48xf32>
    %get3A_15 = arith.constant 0 : index
    %get3A_16 = arith.constant 0 : index
    %get3A_17 = vector.load %arg2[%get3A_15, %get3A_16] : memref<1024x48xf32, #tpu.memory_space<vmem>>, vector<1024x48xf32>
    %add3A_18 = arith.addf %add3A_14, %get3A_17 : vector<1024x48xf32>
    %add3A_19 = arith.constant 1.000000e+00 : f32
    %add3A_20 = vector.broadcast %add3A_19 : f32 to vector<1024x1xf32>
    %add3A_21 = arith.addf %add3A, %add3A_20 : vector<1024x1xf32>
    %div3A = vector.broadcast %add3A_21 : vector<1024x1xf32> to vector<1024x48xf32>
    %div3A_22 = arith.divf %add3A_18, %div3A : vector<1024x48xf32>
    %get3A_23 = arith.constant 0 : index
    %get3A_24 = arith.constant 0 : index
    %get3A_25 = vector.load %arg6[%get3A_23, %get3A_24] : memref<1x48xf32, #tpu.memory_space<vmem>>, vector<1x48xf32>
    %add3A_26 = vector.broadcast %get3A_25 : vector<1x48xf32> to vector<1024x48xf32>
    %add3A_27 = arith.addf %div3A_22, %add3A_26 : vector<1024x48xf32>
    %iota3A = tpu.iota {dimensions = array<i32: 1>} : vector<1024x48xi32>
    %lt3A = arith.constant 47 : i32
    %lt3A_28 = vector.broadcast %lt3A : i32 to vector<1024x48xi32>
    %lt3A_29 = arith.cmpi slt, %iota3A, %lt3A_28 : vector<1024x48xi32>
    %jit3A = arith.constant -1.000000e+30 : f32
    %broadcast_in_dim3A = vector.broadcast %jit3A : f32 to vector<1024x48xf32>
    %select_n3A = arith.select %lt3A_29, %add3A_27, %broadcast_in_dim3A : vector<1024x48xi1>, vector<1024x48xf32>
    %reduce_max3A = arith.constant dense<0xFF800000> : vector<1024xf32>
    %reduce_max3A_30 = vector.multi_reduction <maximumf>, %select_n3A, %reduce_max3A [1] : vector<1024x48xf32> to vector<1024xf32>
    %broadcast_in_dim3A_31 = vector.shape_cast %reduce_max3A_30 : vector<1024xf32> to vector<1024x1xf32>
    %sub3A = vector.broadcast %broadcast_in_dim3A_31 : vector<1024x1xf32> to vector<1024x48xf32>
    %sub3A_32 = arith.subf %select_n3A, %sub3A : vector<1024x48xf32>
    %sub3A_33 = vector.broadcast %broadcast_in_dim3A_31 : vector<1024x1xf32> to vector<1024x48xf32>
    %sub3A_34 = arith.subf %select_n3A, %sub3A_33 : vector<1024x48xf32>
    %exp3A = math.exp %sub3A_34 : vector<1024x48xf32>
    %reduce_sum3A = arith.constant dense<0.000000e+00> : vector<1024xf32>
    %reduce_sum3A_35 = vector.multi_reduction <add>, %exp3A, %reduce_sum3A [1] : vector<1024x48xf32> to vector<1024xf32>
    %broadcast_in_dim3A_36 = vector.shape_cast %reduce_sum3A_35 : vector<1024xf32> to vector<1024x1xf32>
    %log3A = math.log %broadcast_in_dim3A_36 : vector<1024x1xf32>
    %sub3A_37 = vector.broadcast %log3A : vector<1024x1xf32> to vector<1024x48xf32>
    %sub3A_38 = arith.subf %sub3A_32, %sub3A_37 : vector<1024x48xf32>
    %get3A_39 = arith.constant 0 : index
    %get3A_40 = arith.constant 0 : index
    %get3A_41 = vector.load %arg5[%get3A_39, %get3A_40] : memref<1024x16xf32, #tpu.memory_space<vmem>>, vector<1024x16xf32>
    %slice3A_42 = vector.extract_strided_slice %get3A_41 {offsets = [0, 0], sizes = [1024, 1], strides = [1, 1]} : vector<1024x16xf32> to vector<1024x1xf32>
    %convert_element_type3A = arith.fptosi %slice3A_42 : vector<1024x1xf32> to vector<1024x1xi32>
    %eq3A = vector.broadcast %convert_element_type3A : vector<1024x1xi32> to vector<1024x48xi32>
    %eq3A_43 = arith.cmpi eq, %iota3A, %eq3A : vector<1024x48xi32>
    %jit3A_44 = arith.constant 0.000000e+00 : f32
    %broadcast_in_dim3A_45 = vector.broadcast %jit3A_44 : f32 to vector<1024x48xf32>
    %select_n3A_46 = arith.select %eq3A_43, %sub3A_38, %broadcast_in_dim3A_45 : vector<1024x48xi1>, vector<1024x48xf32>
    %reduce_sum3A_47 = arith.constant dense<0.000000e+00> : vector<1024xf32>
    %reduce_sum3A_48 = vector.multi_reduction <add>, %select_n3A_46, %reduce_sum3A_47 [1] : vector<1024x48xf32> to vector<1024xf32>
    %broadcast_in_dim3A_49 = vector.shape_cast %reduce_sum3A_48 : vector<1024xf32> to vector<1024x1xf32>
    %iota3A_50 = tpu.iota {dimensions = array<i32: 0>} : vector<1024x1xi32>
    %lt3A_51 = arith.constant 1000 : i32
    %lt3A_52 = vector.broadcast %lt3A_51 : i32 to vector<1024x1xi32>
    %lt3A_53 = arith.cmpi slt, %iota3A_50, %lt3A_52 : vector<1024x1xi32>
    %jit3A_54 = arith.constant 0.000000e+00 : f32
    %broadcast_in_dim3A_55 = vector.broadcast %jit3A_54 : f32 to vector<1024x1xf32>
    %select_n3A_56 = arith.select %lt3A_53, %broadcast_in_dim3A_49, %broadcast_in_dim3A_55 : vector<1024x1xi1>, vector<1024x1xf32>
    %reduce_sum3A_57 = arith.constant dense<0.000000e+00> : vector<1xf32>
    %reduce_sum3A_58 = vector.multi_reduction <add>, %select_n3A_56, %reduce_sum3A_57 [0] : vector<1024x1xf32> to vector<1xf32>
    %broadcast_in_dim3A_59 = vector.shape_cast %reduce_sum3A_58 : vector<1xf32> to vector<1x1xf32>
    %neg3A = arith.constant 0.000000e+00 : f32
    %neg3A_60 = vector.broadcast %neg3A : f32 to vector<1x1xf32>
    %neg3A_61 = arith.subf %neg3A_60, %broadcast_in_dim3A_59 : vector<1x1xf32>
    %div3A_62 = arith.constant 1.000000e+03 : f32
    %div3A_63 = vector.broadcast %div3A_62 : f32 to vector<1x1xf32>
    %div3A_64 = arith.divf %neg3A_61, %div3A_63 : vector<1x1xf32>
    %swap3A = arith.constant 0 : index
    %swap3A_65 = arith.constant 0 : index
    %swap3A_66 = vector.load %arg7[%swap3A, %swap3A_65] : memref<1x1xf32, #tpu.memory_space<vmem>>, vector<1x1xf32>
    tpu.vector_store %arg7[%swap3A, %swap3A_65], %div3A_64 {strides = array<i32>} : memref<1x1xf32, #tpu.memory_space<vmem>>, vector<1x1xf32>,
    return
  }
}

</mosaic_0001>

<sc_bundles>
// kernel: kernel.11.cloned.1.call-start
scs
__scs_entry_jumppad:
0x0: {  	(pc) =	sbr.rel $0x88, $3  }
0x1: {  	(tag) =	ssettag $0x0;
	lr =	simm.s32 $0x1  }
0x2: {  	[smem:$0x3F99] =	sst lr;
	_ =	strace $0xD0000000  }
0x3: {  	_ = 	snop  }
0x4: {  	_ = 	snop  }
0x5: {  	_ = 	snop  }
0x6: {  	_ = 	snop  }
0x7: {  	_ = 	snop  }
__scs_overlays_trampoline_lowered:
0x8: {  	[smem:$0x3FA8] =	sst s0  }
0x9: {  	[smem:$0x3FA9] =	sst s1  }
0xa: {  	[smem:$0x3FAA] =	sst s2  }
0xb: {  	[smem:$0x3FAB] =	sst s3  }
0xc: {  	[smem:$0x3FAC] =	sst s4  }
0xd: {  	[smem:$0x3FAD] =	sst s5  }
0xe: {  	[smem:$0x3FAE] =	sst s6  }
0xf: {  	[smem:$0x3FAF] =	sst s7  }
0x10: {  	[smem:$0x3FB0] =	sst s8  }
0x11: {  	[smem:$0x3FB1] =	sst s9;
	s0 =	simm.s32 @!p0 $0x0  }
0x12: {  	s1 =	sld [smem:$0x3F97];
	s0 =	simm.s32 @p0 $0x1  }
0x13: {  	[smem:$0x3FB2] =	sst s0;
	s0 =	simm.s32 @!p1 $0x0  }
0x14: {  	s2 =	sld [smem:$0x3F96];
	s0 =	simm.s32 @p1 $0x1  }
0x15: {  	[smem:$0x3FB3] =	sst s0;
	s0 =	simm.s32 @!p2 $0x0  }
0x16: {  	s3 =	sld [smem:$0x3FDB];
	s0 =	simm.s32 @p2 $0x1  }
0x17: {  	s4 =	simm.s32 $0x1BF5;
	[smem:$0x3FB5] =	sst s0  }
0x18: {  	s0 =	sld [smem:$0x3F98];
	_ =	swait.ge [sflag:s4], $0x0  }
0x19: {  	s7 =	sld [smem:$0x3F99]  }
0x1a: {  	s8 =	sadd.s32 $0xFFFFE003, lr  }
0x1b: {  	s9 =	sadd.s32 $0xFFFFFEF7, lr;
	s5 =	simm.s32 $0xFFFFFFFF;
	p2 =	slt.u32 s8, $0xFFFFF086  }
0x1c: {  	p1 =	slt.u32 s9, $0xF7A;
	s5 =	simm.s32 @!p2 $0x0  }
0x1d: {  	s5 =	simm.s32 @p1 $0x1;
	p0 =	seq.s32 s7, s2  }
0x1e: {  	s7 =	smul.u32 @!p0 $0xF7A, s2;
	p2 =	seq.s32 @!p0 s5, $0x0  }
0x1f: {  	s9 =	smul.u32 $0xF7A, s1;
	s8 =	simm.s32 @!p0 $0x1BF5;
	p2 =	por !p2, p0  }
0x20: {  	[sflag:s8] =	ssyncset.s32 @!p0 $0xFFFFF086;
	s6 =	sadd.s32 @!p0 s3, s7;
	s7 =	simm.s32 @!p0 $0x108  }
0x21: {  	s3 =	sadd.s32 s3, s9;
	s6 =	sadd.s32 @!p0 $0x88, s6;
	s7 =	simm.s32 @p2 $0x1082  }
0x22: {  	[simem:s7], [sflag:s8] =	dma.local @!p0 [hbm:s6], $0xF7A  }
0x23: {  	s9 =	sor.u32 $0xD0000000, s2;
	s6 =	simm.s32 $0x108;
	_ =	swait.ge @!p0 [sflag:s8], $0x0  }
0x24: {  	s3 =	sadd.s32 $0x88, s3;
	s6 =	simm.s32 @!p1 $0x1082;
	[sflag:s4] =	ssyncset.s32 $0xFFFFF086  }
0x25: {  	[simem:s6], [sflag:s4] =	dma.local [hbm:s3], $0xF7A  }
0x26: {  	[smem:$0x3F99] =	sst s1;
	(tag) =	ssettag s2;
	_ =	strace s9  }
0x27: {  	s1 =	sld [smem:$0x3FA9]  }
0x28: {  	s2 =	sld [smem:$0x3FAA]  }
0x29: {  	s4 =	sld [smem:$0x3FAC]  }
0x2a: {  	p0 =	seq.s32 s5, $0x0;
	s5 =	sld [smem:$0x3FAD]  }
0x2b: {  	s6 =	sld [smem:$0x3FAE]  }
0x2c: {  	s7 =	sld [smem:$0x3FAF]  }
0x2d: {  	s3 =	simm.s32 $0x108;
	s8 =	sld [smem:$0x3FB0]  }
0x2e: {  	s3 =	simm.s32 @!p0 $0x1082;
	s9 =	sld [smem:$0x3FB1]  }
0x2f: {  	lr =	sadd.s32 s0, s3;
	s0 =	sld [smem:$0x3FA8]  }
0x30: {  	s3 =	sld [smem:$0x3FAB]  }
0x31: {  	[smem:$0x3FB4] =	sst s10  }
0x32: {  	s10 =	sld [smem:$0x3FB2];
	_ =	sdelay $0x3  }
0x33: {  	p0 =	seq.s32 s10, $0x1;
	s10 =	sld [smem:$0x3FB4];
	_ =	sdelay $0x3  }
0x34: {  	[smem:$0x3FB4] =	sst s10  }
0x35: {  	s10 =	sld [smem:$0x3FB3];
	_ =	sdelay $0x3  }
0x36: {  	p1 =	seq.s32 s10, $0x1;
	s10 =	sld [smem:$0x3FB4];
	_ =	sdelay $0x3  }
0x37: {  	[smem:$0x3FB4] =	sst s10  }
0x38: {  	s10 =	sld [smem:$0x3FB5]  }
0x39: {  	_ = 	snop;
	(pc) =	sbr.ind lr, $3  }
0x3a: {  	_ = 	snop  }
0x3b: {  	_ = 	snop  }
0x3c: {  	p2 =	seq.s32 s10, $0x1;
	s10 =	sld [smem:$0x3FB4]  }
0x3d: {  	_ =	shalt  }
0x3e: {  	_ =	shalt  }
0x3f: {  	_ =	shalt  }
0x40: {  	_ =	shalt  }
0x41: {  	_ =	shalt  }
0x42: {  	_ =	shalt  }
0x43: {  	_ =	shalt  }
0x44: {  	_ =	shalt  }
0x45: {  	_ =	shalt  }
0x46: {  	_ =	shalt  }
0x47: {  	_ =	shalt  }
0x48: {  	_ =	shalt  }
0x49: {  	_ =	shalt  }
0x4a: {  	_ =	shalt  }
0x4b: {  	_ =	shalt  }
0x4c: {  	_ =	shalt  }
0x4d: {  	_ =	shalt  }
0x4e: {  	_ =	shalt  }
0x4f: {  	_ =	shalt  }
0x50: {  	_ =	shalt  }
0x51: {  	_ =	shalt  }
0x52: {  	_ =	shalt  }
0x53: {  	_ =	shalt  }
0x54: {  	_ =	shalt  }
0x55: {  	_ =	shalt  }
0x56: {  	_ =	shalt  }
0x57: {  	_ =	shalt  }
0x58: {  	_ =	shalt  }
0x59: {  	_ =	shalt  }
0x5a: {  	_ =	shalt  }
0x5b: {  	_ =	shalt  }
0x5c: {  	_ =	shalt  }
0x5d: {  	_ =	shalt  }
0x5e: {  	_ =	shalt  }
0x5f: {  	_ =	shalt  }
0x60: {  	_ =	shalt  }
0x61: {  	_ =	shalt  }
0x62: {  	_ =	shalt  }
0x63: {  	_ =	shalt  }
0x64: {  	_ =	shalt  }
0x65: {  	_ =	shalt  }
0x66: {  	_ =	shalt  }
0x67: {  	_ =	shalt  }
0x68: {  	_ =	shalt  }
0x69: {  	_ =	shalt  }
0x6a: {  	_ =	shalt  }
0x6b: {  	_ =	shalt  }
0x6c: {  	_ =	shalt  }
0x6d: {  	_ =	shalt  }
0x6e: {  	_ =	shalt  }
0x6f: {  	_ =	shalt  }
0x70: {  	_ =	shalt  }
0x71: {  	_ =	shalt  }
0x72: {  	_ =	shalt  }
0x73: {  	_ =	shalt  }
0x74: {  	_ =	shalt  }
0x75: {  	_ =	shalt  }
0x76: {  	_ =	shalt  }
0x77: {  	_ =	shalt  }
0x78: {  	_ =	shalt  }
0x79: {  	_ =	shalt  }
0x7a: {  	_ =	shalt  }
0x7b: {  	_ =	shalt  }
0x7c: {  	_ =	shalt  }
0x7d: {  	_ =	shalt  }
0x7e: {  	_ =	shalt  }
0x7f: {  	_ =	shalt  }
0x80: {  	_ =	shalt  }
0x81: {  	_ =	shalt  }
0x82: {  	_ =	shalt  }
0x83: {  	_ =	shalt  }
0x84: {  	_ =	shalt  }
0x85: {  	_ =	shalt  }
0x86: {  	_ =	shalt  }
0x87: {  	_ =	shalt  }
.Lfunc_end0:
.L_simem_size_0:
called_computation.1_lowered:
.L_overlay_start_0:
0x88: {  	s2 =	sld [smem:$0x3FD9]  }
0x89: {  	s3 =	sld [smem:$0x3FFE];
	_ =	sdelay $0x1  }
0x8a: {  	s1 =	srdreg.scid  }
0x8b: {  	s0 =	sand.u32 $0x1, s1  }
0x8c: {  	s14 =	sshll.u32 s0, $0xA;
	s2 =	sadd.s32 s3, s2  }
0x8d: {  	s2 =	sadd.s32 s2, s14  }
0x8e: {  	[smem:$0x3FC0] =	sst s2  }
0x8f: {  	_ = 	snop  }
0x90: {  	s2 =	sld [smem:$0x3FD0];
	_ =	sdelay $0x2  }
0x91: {  	s15 =	simm.s32 $0xA;
	s4 =	simm.s32 $0x10  }
0x92: {  	[smem:s4], [sflag:s15] =	dma.local [hbm:s2], $0x1  }
0x93: {  	_ =	swait.eq [sflag:s15], $0x1  }
0x94: {  	[sflag:s15] =	ssyncset.done $0x0  }
0x95: {  	[sflag:s15] =	ssyncadd.s32 $0xFFFFFFFF  }
0x96: {  	s16 =	sld [smem:$0x10];
	(tm) =	ssettm $0x1  }
0x97: {  	s17 =	sld [smem:$0x3FFB];
	_ =	sdelay $0x3  }
0x98: {  	_ =	strace s17  }
0x99: {  	s3 =	sld [smem:$0x3FFC];
	_ =	sdelay $0x3  }
0x9a: {  	_ =	strace s3  }
0x9b: {  	s3 =	sld [smem:$0x3FFD];
	_ =	sdelay $0x3  }
0x9c: {  	_ =	strace s3  }
0x9d: {  	_ =	strace $0x8FFFFFFF  }
0x9e: {  	s18 =	sld [smem:$0x3FDB];
	_ =	sdelay $0x1  }
0x9f: {  	s19 =	simm.s32 $_scs_section_size  }
0xa0: {  	s5 =	simm.s32 $_size__tile_overlayer_lowered;
	s6 =	simm.s32 $_tile_overlayer_lowered  }
0xa1: {  	s22 =	simm.s32 $0x1BFF;
	s21 =	sshll.u32 s6, $0x1;
	s3 =	sadd.s32 s19, s18  }
0xa2: {  	s7 =	simm.s32 $0x0;
	s20 =	sshll.u32 s5, $0x1;
	s5 =	sadd.s32 s21, s3  }
0xa3: {  	[timem:s7], [sflag:s22] =	dma.local [hbm:s5], s20  }
0xa4: {  	_ =	swait.ge [sflag:s22], s20  }
0xa5: {  	s4 =	ssub.s32 $0x0, s20;
	[sflag:s22] =	ssyncset.done $0x0  }
0xa6: {  	[sflag:s22] =	ssyncadd.s32 s4;
	_ =	sdelay $0x1  }
0xa7: {  	s23 =	simm.s32 $0x1B8B  }
0xa8: {  	_ =	swait.ge [sflag:s23], $0x1  }
0xa9: {  	[sflag:s23] =	ssyncset.done $0x0  }
0xaa: {  	s25 =	simm.s32 $0x1B8E;
	s24 =	sld [smem:$0x3FFE];
	[sflag:s23] =	ssyncadd.s32 $0xFFFFFFFF  }
0xab: {  	s26 =	simm.s32 $execute0_lowered;
	[smem:$0x3FD2] =	sst s25  }
0xac: {  	s5 =	sshll.u32 s26, $0x1;
	_ =	strace $0x80000049;
	[dreg:$0x1] =	wrdreg $0xFFFFFFFF  }
0xad: {  	s28 =	simm.s32 $_size_execute0_lowered;
	s3 =	sadd.s32 s3, s5;
	[dreg:$0x0] =	wrdreg $0x0  }
0xae: {  	s5 =	sshll.u32 s28, $0x1;
	[dreg:$0x2] =	wrdreg s3  }
0xaf: {  	[dreg:$0x3] =	wrdreg s5  }
0xb0: {  	[dreg:$0x4] =	wrdreg $0xC0  }
0xb1: {  	_ =	task [dreg:s7], $0x5FFFF  }
0xb2: {  	[dreg:$0x1] =	wrdreg $0xFFFFFFFF  }
0xb3: {  	[dreg:$0x0] =	wrdreg $0x60  }
0xb4: {  	[dreg:$0x2] =	wrdreg s24  }
0xb5: {  	[dreg:$0x3] =	wrdreg s16  }
0xb6: {  	[dreg:$0x4] =	wrdreg $0x4E000  }
0xb7: {  	[dreg:$0x5] =	wrdreg $0x9  }
0xb8: {  	_ =	task.clear_ibuf [dreg:s7], $0x6FFFF;
	_ =	strace $0x90000049  }
0xb9: {  	s29 =	simm.s32 $0x9;
	_ =	strace $0x8000004B  }
0xba: {  	_ =	swait.ge [sflag:s29], $0x1  }
0xbb: {  	[sflag:s29] =	ssyncadd.s32 $0xFFFFFFFF  }
0xbc: {  	_ =	strace $0x9000004B  }
0xbd: {  	_ =	sfence  }
0xbe: {  	s30 =	sld [smem:$0x0];
	_ =	sdelay $0x2  }
0xbf: {  	s31 =	sshll.u32 s1, $0xD;
	s1 =	sshrl.u32 s1, $0x2  }
0xc0: {  	s3 =	sand.u32 $0x4000, s31;
	s1 =	sadd.s32 s1, s30  }
0xc1: {  	s0 =	sor.u32 s3, s0;
	s1 =	sshll.u32 s1, $0x11  }
0xc2: {  	s0 =	sor.u32 s1, s0  }
0xc3: {  	s0 =	sadd.s32 $0x8F2B, s0  }
0xc4: {  	[sflag:s0] =	ssyncadd.remote.s32 $0x1  }
0xc5: {  	_ =	sfence.sel $0xFFFF  }
0xc6: {  	[dreg:$0x0] =	wrdreg $0xFFFFFFFF;
	(pc) =	sbr.abs _section_cstart, $3  }
0xc7: {  	[dreg:$0x1] =	wrdreg $0xFFFFFFFF  }
0xc8: {  	_ =	task.clear_ibuf [dreg:s7], $0x2FFFF;
	_ =	strace $0x9FFFFFFF  }
0xc9: {  	(tm) =	ssettm $0x7FFFFFFF  }
tec
execute0_lowered:
.L_overlay_start_1:
0x0: {  	(tag) =	ssettag $0x1  }
0x1: {  	s0 =	rddreg [dreg:$0x0]  }
0x2: {  	s3 =	rddreg [dreg:$0x2];
	s1 =	srdreg.scid  }
0x3: {  	s6 =	stileid.u32;
	s4 =	simm.s32 $0x0;
	s28 =	simm.s32 $0x1E00  }
0x4: {  	s29 =	simm.s32 $0x7;
	s30 =	simm.s32 $0x300;
	s31 =	simm.s32 $0x3  }
0x5: {  	s1 =	sand.u32 $0x1, s1;
	s2 =	smul.u32 $0x2710, s6;
	[smem:$0x7FF] =	sst s4  }
0x6: {  	s5 =	sadd.s32 $0x16800, s0;
	s11 =	sadd.s32 $0x2E00, s0;
	s9 =	smul.u32 $0x1D4C0, s6  }
0x7: {  	s15 =	sshll.u32 s6, $0x6;
	s17 =	sshll.u32 s6, $0x4;
	s10 =	sshll.u32 s6, $0x7  }
0x8: {  	s24 =	smul.u32 $0x27100, s1;
	_ =	strace $0x8000004A;
	s25 =	ssub.s32 $0x2, s1  }
0x9: {  	s8 =	sshll.u32 s1, $0x4;
	s13 =	sor.u32 $0x1C0D, s15;
	s18 =	sshll.u32 s1, $0xB  }
0xa: {  	[dreg:$0x4] =	wrdreg s11;
	s15 =	simm.s32 $0x0;
	s7 =	sshrl.u32 s25, $0x1  }
0xb: {  	s4 =	sor.u32 s6, s8;
	s14 =	sshrl.u32 s9, $0x2;
	s8 =	sadd.s32 s17, s11  }
0xc: {  	s9 =	sor.u32 s10, s18;
	[dreg:$0x5] =	wrdreg s13;
	s2 =	sadd.s32 s2, s24  }
0xd: {  	s26 =	ssub.s32 s25, s7;
	s16 =	sshll.u32 s4, $0x4;
	s7 =	sadd.s32 s14, s3  }
0xe: {  	s21 =	sadd.s32 $0x9C00, s8;
	s10 =	sor.u32 $0x8000, s9;
	s23 =	sor.u32 $0x7000, s9  }
0xf: {  	s25 =	sor.u32 $0x6000, s9;
	s14 =	simm.s32 $0xD;
	p0 =	sgt.u32 s4, $0x3  }
0x10: {  	s9 =	simm.s32 $0xA;
	s4 =	simm.s32 $0x6;
	s0 =	sadd.s32 s2, s0  }
0x11: {  	s12 =	sadd.s32 s11, s16;
	[dreg:$0x9] =	wrdreg s21;
	s22 =	sshrl.u32 s10, $0x3  }
0x12: {  	s2 =	smax.u32 s26, $0x1;
	s24 =	sshrl.u32 s23, $0x3;
	[dreg:$0xe] =	wrdreg s25  }
0x13: {  	s26 =	sshll.u32 s1, $0x8;
	s6 =	sshrl.u32 s7, $0x3;
	s21 =	simm.s32 $0x4E200  }
0x14: {  	s23 =	simm.s32 $0x200;
	s25 =	simm.s32 $0x600;
	s1 =	simm.s32 $0x8  }
0x15: {  	s10 =	simm.s32 $0x400;
	s16 =	simm.s32 $0x500;
	[dreg:$0x6] =	wrdreg s12  }
0x16: {  	s7 =	simm.s32 $0x5;
	s19 =	sadd.s32 $0x200, s12;
	[dreg:$0xb] =	wrdreg s2  }
0x17: {  	s20 =	sadd.s32 $0x400, s12;
	s0 =	sadd.s32 $0x6F000, s0;
	[dreg:$0xf] =	wrdreg s6  }
0x18: {  	s17 =	sadd.s32 s26, s8;
	s26 =	simm.s32 $0x2;
	[dreg:$0x7] =	wrdreg s19  }
.Ltmp0:
0x19: {  	s12 =	simm.s32 $0x9;
	[dreg:$0x8] =	wrdreg s20;
	(pc) =	sbr.rel .LBB2_1-.Ltmp0, $4  }
0x1a: {  	s8 =	simm.s32 $0xB;
	[dreg:$0xa] =	wrdreg s0;
	s0 =	sadd.s32 s22, s11  }
0x1b: {  	s20 =	simm.s32 $0x80;
	s22 =	simm.s32 $0x100;
	s19 =	simm.s32 $0xC  }
0x1c: {  	[dreg:$0xc] =	wrdreg s0;
	s0 =	sadd.s32 s24, s11;
	s24 =	simm.s32 $0x1  }
0x1d: {  	s11 =	simm.s32 $0x4;
	[dreg:$0xd] =	wrdreg s0;
	s0 =	simm.s32 $0x3600  }
.LBB2_4:
0x1e: {  	_ =	swait.ge [sflag:s12], $0x1800  }
0x1f: {  	[sflag:s12] =	ssyncset.done $0x0  }
0x20: {  	s2 =	simm.s32 $0x580;
	[sflag:s12] =	ssyncadd.s32 $0xFFFFE800  }
0x21: {  	[spmem:s3] =	stream.indirect.scatter.add.f32 [tilespmem:s0], [sflag:$0xC], $0x30, s2, s20, $0xb8;
	[tilespmem:$0xC330] =	vst v63  }
0x22: {  	_ =	swait.ge [sflag:s8], $0x1800  }
0x23: {  	[sflag:s8] =	ssyncset.done $0x0  }
0x24: {  	[sflag:s8] =	ssyncadd.s32 $0xFFFFE800  }
0x25: {  	_ =	swait.ge [sflag:s19], $0x1800  }
0x26: {  	s6 =	simm.s32 @!p0 $0x4E200;
	s13 =	simm.s32 @!p0 $0x0;
	[sflag:s19] =	ssyncset.done $0x0  }
0x27: {  	s2 =	simm.s32 @!p0 $0x80;
	s14 =	rddreg [dreg:$0x9];
	[sflag:s19] =	ssyncadd.s32 $0xFFFFE800  }
0x28: {  	[tilespmem:s13], [sflag:$0x1] =	stream.strided.gather @!p0 [hbm4b:s14+s2], $0x100, s6, s2, $0x38;
	[tilespmem:$0xC330] =	vst v63  }
0x29: {  	s6 =	simm.s32 @!p0 $0x1  }
0x2a: {  	_ =	swait.ge @!p0 [sflag:s6], $0x100  }
0x2b: {  	[sflag:s6] =	ssyncset.done @!p0 $0x0  }
0x2c: {  	[sflag:s6] =	ssyncadd.s32 @!p0 $0xFFFFFF00;
	s6 =	simm.s32 @!p0 $0x600  }
0x2d: {  	[tilespmem:s6], [sflag:$0x7] =	stream.indirect.gather @!p0 [hbm4b:s5+s2], $0x30, s13, s2, $0xb8;
	[tilespmem:$0xC330] =	vst v63  }
0x2e: {  	s13 =	simm.s32 @!p0 $0x7  }
0x2f: {  	_ =	swait.ge @!p0 [sflag:s13], $0x1800  }
0x30: {  	[sflag:s13] =	ssyncset.done @!p0 $0x0  }
0x31: {  	[sflag:s13] =	ssyncadd.s32 @!p0 $0xFFFFE800  }
0x32: {  	[spmem:s3] =	stream.indirect.scatter.add.f32 @!p0 [tilespmem:s6], [sflag:$0xA], $0x30, s2, s2, $0xb8;
	[tilespmem:$0xC330] =	vst v63  }
0x33: {  	s2 =	simm.s32 @!p0 $0xA  }
0x34: {  	_ =	swait.ge @!p0 [sflag:s2], $0x1800  }
0x35: {  	[sflag:s2] =	ssyncset.done @!p0 $0x0  }
0x36: {  	[sflag:s2] =	ssyncadd.s32 @!p0 $0xFFFFE800  }
0x37: {  	[bflag:$0x0] =	sbarrier.arrive $0xFFFF  }
0x38: {  	s13 =	rddreg [dreg:$0x5]  }
0x39: {  	s14 =	rddreg [dreg:$0xa]  }
0x3a: {  	s15 =	simm.s32 $0x10;
	s6 =	rddreg [dreg:$0xf]  }
0x3b: {  	[hbm:s14@s15], [sflag:s13] =	dma.strided [spmem:s6@s4], $0xEA6, s24, $0x6   }
0x3c: {  	s14 =	simm.s32 $0xD  }
0x3d: {  	_ =	swait.ge [sflag:s14], $0xEA6  }
0x3e: {  	s15 =	rddreg [dreg:$0x10]  }
0x3f: {  	s18 =	rddreg [dreg:$0xb];
	s15 =	sadd.s32 $0x1, s15  }
0x40: {  	p1 =	sne.s32 s15, s18  }
.Ltmp1:
0x41: {  	_ = 	snop;
	(pc) =	sbr.rel @!p1 .LBB2_5-.Ltmp1, $3  }
0x42: {  	_ =	sdelay $0x1  }
0x43: {  	[sflag:s14] =	ssyncset.done $0x0  }
0x44: {  	[sflag:s14] =	ssyncadd.s32 $0xFFFFF15A  }
.LBB2_1:
0x45: {  	[dreg:$0x10] =	wrdreg s15  }
0x46: {  	s2 =	rddreg [dreg:$0x1]  }
0x47: {  	[spmem:s6], [sflag:s13] =	dma.local [hbm:s2], $0xEA6  }
0x48: {  	_ =	swait.ge [sflag:s14], $0xEA6  }
0x49: {  	[sflag:s14] =	ssyncset.done $0x0  }
0x4a: {  	[sflag:s14] =	ssyncadd.s32 $0xFFFFF15A  }
0x4b: {  	[bflag:$0x0] =	sbarrier.arrive $0xFFFF  }
0x4c: {  	s13 =	simm.s32 $0x0;
	s14 =	rddreg [dreg:$0x6]  }
0x4d: {  	[tilespmem:s13], [sflag:$0x1] =	stream.strided.gather [hbm4b:s14+s20], $0x100, s21, s20, $0x38;
	[tilespmem:$0xC330] =	vst v63  }
0x4e: {  	s15 =	rddreg [dreg:$0x7]  }
0x4f: {  	[tilespmem:s22], [sflag:$0x2] =	stream.strided.gather [hbm4b:s15+s20], $0x100, s21, s20, $0x38;
	[tilespmem:$0xC330] =	vst v63  }
0x50: {  	s18 =	rddreg [dreg:$0x8]  }
0x51: {  	[tilespmem:s23], [sflag:$0x3] =	stream.strided.gather [hbm4b:s18+s20], $0x100, s21, s20, $0x38;
	[tilespmem:$0xC330] =	vst v63  }
0x52: {  	_ =	swait.ge [sflag:s24], $0x100  }
0x53: {  	[sflag:s24] =	ssyncset.done $0x0  }
0x54: {  	[sflag:s24] =	ssyncadd.s32 $0xFFFFFF00  }
0x55: {  	[tilespmem:s25], [sflag:$0x7] =	stream.indirect.gather [hbm4b:s5+s20], $0x30, s13, s20, $0xb8;
	[tilespmem:$0xC330] =	vst v63  }
0x56: {  	_ =	swait.ge [sflag:s26], $0x100  }
0x57: {  	[sflag:s26] =	ssyncset.done $0x0  }
0x58: {  	s2 =	simm.s32 $0x0;
	s18 =	rddreg [dreg:$0xe];
	[sflag:s26] =	ssyncadd.s32 $0xFFFFFF00  }
0x59: {  	[tilespmem:s28], [sflag:$0x8] =	stream.indirect.gather [hbm4b:s5+s20], $0x30, s22, s20, $0xb8;
	[tilespmem:$0xC330] =	vst v63  }
.LBB2_2:
0x5a: {  	_ =	swait.ge [sflag:s29], $0x1800  }
0x5b: {  	p1 =	seq.s32 s2, $0x0;
	[sflag:s29] =	ssyncset.done $0x0  }
0x5c: {  	s13 =	simm.s32 @!p1 $0xC;
	[sflag:s29] =	ssyncadd.s32 $0xFFFFE800  }
0x5d: {  	[spmem:s3] =	stream.indirect.scatter.add.f32 [tilespmem:s25], [sflag:$0xA], $0x30, s20, s20, $0xb8;
	[tilespmem:$0xC330] =	vst v63  }
0x5e: {  	_ =	swait.ge @!p1 [sflag:s13], $0x1800  }
0x5f: {  	s6 =	sadd.s32 s2, s17;
	[sflag:s13] =	ssyncset.done @!p1 $0x0  }
0x60: {  	s14 =	sadd.s32 $0x600, s6;
	[sflag:s13] =	ssyncadd.s32 @!p1 $0xFFFFE800  }
0x61: {  	[tilespmem:s30], [sflag:$0x4] =	stream.strided.gather [hbm4b:s14+s20], $0x100, s21, s20, $0x38;
	[tilespmem:$0xC330] =	vst v63  }
0x62: {  	_ =	swait.ge [sflag:s31], $0x100  }
0x63: {  	[sflag:s31] =	ssyncset.done $0x0  }
0x64: {  	[sflag:s31] =	ssyncadd.s32 $0xFFFFFF00  }
0x65: {  	[tilespmem:s0], [sflag:$0x9] =	stream.indirect.gather [hbm4b:s5+s20], $0x30, s23, s20, $0xb8;
	[tilespmem:$0xC330] =	vst v63  }
0x66: {  	_ =	swait.ge [sflag:s1], $0x1800  }
0x67: {  	[sflag:s1] =	ssyncset.done $0x0  }
0x68: {  	s15 =	simm.s32 $0x180;
	[sflag:s1] =	ssyncadd.s32 $0xFFFFE800  }
0x69: {  	[spmem:s3] =	stream.indirect.scatter.add.f32 [tilespmem:s28], [sflag:$0xB], $0x30, s15, s20, $0xb8;
	[tilespmem:$0xC330] =	vst v63  }
0x6a: {  	_ =	swait.ge [sflag:s9], $0x1800  }
0x6b: {  	[sflag:s9] =	ssyncset.done $0x0  }
0x6c: {  	s14 =	sadd.s32 $0x800, s6;
	[sflag:s9] =	ssyncadd.s32 $0xFFFFE800  }
0x6d: {  	[tilespmem:s10], [sflag:$0x5] =	stream.strided.gather [hbm4b:s14+s20], $0x100, s21, s20, $0x38;
	[tilespmem:$0xC330] =	vst v63  }
0x6e: {  	_ =	swait.ge [sflag:s11], $0x100  }
0x6f: {  	[sflag:s11] =	ssyncset.done $0x0  }
0x70: {  	[sflag:s11] =	ssyncadd.s32 $0xFFFFFF00  }
0x71: {  	[tilespmem:s25], [sflag:$0x7] =	stream.indirect.gather [hbm4b:s5+s20], $0x30, s30, s20, $0xb8;
	[tilespmem:$0xC330] =	vst v63  }
0x72: {  	_ =	swait.ge [sflag:s12], $0x1800  }
0x73: {  	[sflag:s12] =	ssyncset.done $0x0  }
0x74: {  	s15 =	simm.s32 $0x280;
	[sflag:s12] =	ssyncadd.s32 $0xFFFFE800  }
0x75: {  	[spmem:s3] =	stream.indirect.scatter.add.f32 [tilespmem:s0], [sflag:$0xC], $0x30, s15, s20, $0xb8;
	[tilespmem:$0xC330] =	vst v63  }
0x76: {  	_ =	swait.ge [sflag:s8], $0x1800  }
0x77: {  	[sflag:s8] =	ssyncset.done $0x0  }
0x78: {  	s6 =	sadd.s32 $0xA00, s6;
	[sflag:s8] =	ssyncadd.s32 $0xFFFFE800  }
0x79: {  	[tilespmem:s16], [sflag:$0x6] =	stream.strided.gather [hbm4b:s6+s20], $0x100, s21, s20, $0x38;
	[tilespmem:$0xC330] =	vst v63  }
0x7a: {  	_ =	swait.ge [sflag:s7], $0x100  }
0x7b: {  	[sflag:s7] =	ssyncset.done $0x0  }
0x7c: {  	[sflag:s7] =	ssyncadd.s32 $0xFFFFFF00  }
0x7d: {  	[tilespmem:s28], [sflag:$0x8] =	stream.indirect.gather [hbm4b:s5+s20], $0x30, s10, s20, $0xb8;
	[tilespmem:$0xC330] =	vst v63  }
0x7e: {  	_ =	swait.ge [sflag:s29], $0x1800  }
0x7f: {  	[sflag:s29] =	ssyncset.done $0x0  }
0x80: {  	p1 =	seq.s32 s2, $0x9000;
	s14 =	simm.s32 $0x380;
	[sflag:s29] =	ssyncadd.s32 $0xFFFFE800  }
0x81: {  	[spmem:s3] =	stream.indirect.scatter.add.f32 [tilespmem:s25], [sflag:$0xA], $0x30, s14, s20, $0xb8;
	[tilespmem:$0xC330] =	vst v63  }
0x82: {  	s15 =	simm.s32 @!p1 $0x0;
	s6 =	sshrl.u32 @!p1 s18, $0x3;
	_ =	swait.ge [sflag:s19], $0x1800  }
0x83: {  	s14 =	simm.s32 @!p1 $0x4E200;
	[sflag:s19] =	ssyncset.done $0x0;
	s13 =	rddreg [dreg:$0x4]  }
0x84: {  	[sflag:s19] =	ssyncadd.s32 $0xFFFFE800;
	s6 =	sadd.s32 @!p1 s13, s6;
	s13 =	simm.s32 @!p1 $0x80  }
0x85: {  	[tilespmem:s15], [sflag:$0x1] =	stream.strided.gather @!p1 [hbm4b:s6+s13], $0x100, s14, s13, $0x38;
	[tilespmem:$0xC330] =	vst v63  }
0x86: {  	_ =	swait.ge [sflag:s4], $0x100  }
0x87: {  	[sflag:s4] =	ssyncset.done $0x0  }
0x88: {  	[sflag:s4] =	ssyncadd.s32 $0xFFFFFF00  }
0x89: {  	[tilespmem:s0], [sflag:$0x9] =	stream.indirect.gather [hbm4b:s5+s20], $0x30, s16, s20, $0xb8;
	[tilespmem:$0xC330] =	vst v63  }
0x8a: {  	_ =	swait.ge [sflag:s1], $0x1800  }
0x8b: {  	[sflag:s1] =	ssyncset.done $0x0  }
.Ltmp2:
0x8c: {  	s15 =	simm.s32 $0x480;
	[sflag:s1] =	ssyncadd.s32 $0xFFFFE800;
	(pc) =	sbr.rel @p1 .LBB2_4-.Ltmp2, $4  }
0x8d: {  	[spmem:s3] =	stream.indirect.scatter.add.f32 [tilespmem:s28], [sflag:$0xB], $0x30, s15, s20, $0xb8;
	[tilespmem:$0xC330] =	vst v63  }
0x8e: {  	_ =	swait.ge [sflag:s9], $0x1800  }
0x8f: {  	[sflag:s9] =	ssyncset.done $0x0  }
0x90: {  	[sflag:s9] =	ssyncadd.s32 $0xFFFFE800  }
0x91: {  	s6 =	rddreg [dreg:$0xd]  }
0x92: {  	s6 =	sadd.s32 s2, s6  }
0x93: {  	[tilespmem:s22], [sflag:$0x2] =	stream.strided.gather [hbm4b:s6+s20], $0x100, s21, s20, $0x38;
	[tilespmem:$0xC330] =	vst v63  }
0x94: {  	_ =	swait.ge [sflag:s24], $0x100  }
0x95: {  	[sflag:s24] =	ssyncset.done $0x0  }
0x96: {  	s13 =	simm.s32 $0x0;
	[sflag:s24] =	ssyncadd.s32 $0xFFFFFF00  }
0x97: {  	[tilespmem:s25], [sflag:$0x7] =	stream.indirect.gather [hbm4b:s5+s20], $0x30, s13, s20, $0xb8;
	[tilespmem:$0xC330] =	vst v63  }
0x98: {  	_ =	swait.ge [sflag:s12], $0x1800  }
0x99: {  	[sflag:s12] =	ssyncset.done $0x0  }
0x9a: {  	s14 =	simm.s32 $0x580;
	[sflag:s12] =	ssyncadd.s32 $0xFFFFE800  }
0x9b: {  	[spmem:s3] =	stream.indirect.scatter.add.f32 [tilespmem:s0], [sflag:$0xC], $0x30, s14, s20, $0xb8;
	[tilespmem:$0xC330] =	vst v63  }
0x9c: {  	_ =	swait.ge [sflag:s8], $0x1800  }
0x9d: {  	[sflag:s8] =	ssyncset.done $0x0;
	s15 =	rddreg [dreg:$0xc]  }
0x9e: {  	[sflag:s8] =	ssyncadd.s32 $0xFFFFE800;
	s6 =	sadd.s32 s2, s15  }
0x9f: {  	[tilespmem:s23], [sflag:$0x3] =	stream.strided.gather [hbm4b:s6+s20], $0x100, s21, s20, $0x38;
	[tilespmem:$0xC330] =	vst v63  }
.Ltmp3:
0xa0: {  	_ = 	snop;
	(pc) =	sbr.rel .LBB2_2-.Ltmp3, $4  }
0xa1: {  	_ =	swait.ge [sflag:s26], $0x100  }
0xa2: {  	[sflag:s26] =	ssyncset.done $0x0  }
0xa3: {  	s18 =	sadd.s32 $0x6000, s18;
	s2 =	sadd.s32 $0xC00, s2;
	[sflag:s26] =	ssyncadd.s32 $0xFFFFFF00  }
0xa4: {  	[tilespmem:s28], [sflag:$0x8] =	stream.indirect.gather [hbm4b:s5+s20], $0x30, s22, s20, $0xb8;
	[tilespmem:$0xC330] =	vst v63  }
.LBB2_5:
0xa5: {  	_ =	sfence.sel $0x180000  }
0xa6: {  	[bflag:$0x0] =	sbarrier.arrive $0xFFFF  }
0xa7: {  	_ =	strace $0x9000004A  }
0xa8: {  	s0 =	stileid.u32;
	[bflag:$0x2] =	sbarrier.arrive $0xFFFF  }
0xa9: {  	p0 =	sne.s32 s0, $0x0;
	s0 =	rddreg [dreg:$0x3]  }
0xaa: {  	s0 =	sadd.s32 @!p0 $0x100000, s0  }
0xab: {  	[sflag:s0] =	ssyncadd.tile.s32 @!p0 $0x1;
	_ =	shalt  }
.Lfunc_end2:
_tile_overlayer_lowered:
.L_overlay_start_2:
0xac: {  	(tag) =	ssettag $0x2  }
0xad: {  	s0 =	rddreg [dreg:$0x0];
	s2 =	stileid.u32  }
0xae: {  	s1 =	rddreg [dreg:$0x1];
	p0 =	sne.s32 s2, $0x0  }
0xaf: {  	s3 =	rddreg [dreg:$0x2];
	[bflag:$0x3] =	sbarrier.arrive $0xFFFF;
	s2 =	simm.s32 @!p0 $0x1C0D  }
0xb0: {  	[timem:s3], [sflag:s2] =	dma.local @!p0 [hbm:s0], s1  }
0xb1: {  	s0 =	simm.s32 @!p0 $0xD  }
0xb2: {  	_ =	swait.ge @!p0 [sflag:s0], s1  }
0xb3: {  	s1 =	ssub.s32 @!p0 $0x0, s1;
	[sflag:s0] =	ssyncset.done @!p0 $0x0  }
0xb4: {  	[sflag:s0] =	ssyncadd.s32 @!p0 s1  }
0xb5: {  	[bflag:$0x3] =	sbarrier.arrive $0xFFFF  }
0xb6: {  	_ =	shalt  }

// kernel: kernel.14.cloned.1.call-start
scs
__scs_entry_jumppad:
0x0: {  	(pc) =	sbr.rel $0x88, $3  }
0x1: {  	(tag) =	ssettag $0x0;
	lr =	simm.s32 $0x1  }
0x2: {  	[smem:$0x3F99] =	sst lr;
	_ =	strace $0xD0000000  }
0x3: {  	_ = 	snop  }
0x4: {  	_ = 	snop  }
0x5: {  	_ = 	snop  }
0x6: {  	_ = 	snop  }
0x7: {  	_ = 	snop  }
__scs_overlays_trampoline_lowered:
0x8: {  	[smem:$0x3FA8] =	sst s0  }
0x9: {  	[smem:$0x3FA9] =	sst s1  }
0xa: {  	[smem:$0x3FAA] =	sst s2  }
0xb: {  	[smem:$0x3FAB] =	sst s3  }
0xc: {  	[smem:$0x3FAC] =	sst s4  }
0xd: {  	[smem:$0x3FAD] =	sst s5  }
0xe: {  	[smem:$0x3FAE] =	sst s6  }
0xf: {  	[smem:$0x3FAF] =	sst s7  }
0x10: {  	[smem:$0x3FB0] =	sst s8  }
0x11: {  	[smem:$0x3FB1] =	sst s9;
	s0 =	simm.s32 @!p0 $0x0  }
0x12: {  	s1 =	sld [smem:$0x3F97];
	s0 =	simm.s32 @p0 $0x1  }
0x13: {  	[smem:$0x3FB2] =	sst s0;
	s0 =	simm.s32 @!p1 $0x0  }
0x14: {  	s2 =	sld [smem:$0x3F96];
	s0 =	simm.s32 @p1 $0x1  }
0x15: {  	[smem:$0x3FB3] =	sst s0;
	s0 =	simm.s32 @!p2 $0x0  }
0x16: {  	s3 =	sld [smem:$0x3FDB];
	s0 =	simm.s32 @p2 $0x1  }
0x17: {  	s4 =	simm.s32 $0x1BF5;
	[smem:$0x3FB5] =	sst s0  }
0x18: {  	s0 =	sld [smem:$0x3F98];
	_ =	swait.ge [sflag:s4], $0x0  }
0x19: {  	s7 =	sld [smem:$0x3F99]  }
0x1a: {  	s8 =	sadd.s32 $0xFFFFE003, lr  }
0x1b: {  	s9 =	sadd.s32 $0xFFFFFEF7, lr;
	s5 =	simm.s32 $0xFFFFFFFF;
	p2 =	slt.u32 s8, $0xFFFFF086  }
0x1c: {  	p1 =	slt.u32 s9, $0xF7A;
	s5 =	simm.s32 @!p2 $0x0  }
0x1d: {  	s5 =	simm.s32 @p1 $0x1;
	p0 =	seq.s32 s7, s2  }
0x1e: {  	s7 =	smul.u32 @!p0 $0xF7A, s2;
	p2 =	seq.s32 @!p0 s5, $0x0  }
0x1f: {  	s9 =	smul.u32 $0xF7A, s1;
	s8 =	simm.s32 @!p0 $0x1BF5;
	p2 =	por !p2, p0  }
0x20: {  	[sflag:s8] =	ssyncset.s32 @!p0 $0xFFFFF086;
	s6 =	sadd.s32 @!p0 s3, s7;
	s7 =	simm.s32 @!p0 $0x108  }
0x21: {  	s3 =	sadd.s32 s3, s9;
	s6 =	sadd.s32 @!p0 $0x88, s6;
	s7 =	simm.s32 @p2 $0x1082  }
0x22: {  	[simem:s7], [sflag:s8] =	dma.local @!p0 [hbm:s6], $0xF7A  }
0x23: {  	s9 =	sor.u32 $0xD0000000, s2;
	s6 =	simm.s32 $0x108;
	_ =	swait.ge @!p0 [sflag:s8], $0x0  }
0x24: {  	s3 =	sadd.s32 $0x88, s3;
	s6 =	simm.s32 @!p1 $0x1082;
	[sflag:s4] =	ssyncset.s32 $0xFFFFF086  }
0x25: {  	[simem:s6], [sflag:s4] =	dma.local [hbm:s3], $0xF7A  }
0x26: {  	[smem:$0x3F99] =	sst s1;
	(tag) =	ssettag s2;
	_ =	strace s9  }
0x27: {  	s1 =	sld [smem:$0x3FA9]  }
0x28: {  	s2 =	sld [smem:$0x3FAA]  }
0x29: {  	s4 =	sld [smem:$0x3FAC]  }
0x2a: {  	p0 =	seq.s32 s5, $0x0;
	s5 =	sld [smem:$0x3FAD]  }
0x2b: {  	s6 =	sld [smem:$0x3FAE]  }
0x2c: {  	s7 =	sld [smem:$0x3FAF]  }
0x2d: {  	s3 =	simm.s32 $0x108;
	s8 =	sld [smem:$0x3FB0]  }
0x2e: {  	s3 =	simm.s32 @!p0 $0x1082;
	s9 =	sld [smem:$0x3FB1]  }
0x2f: {  	lr =	sadd.s32 s0, s3;
	s0 =	sld [smem:$0x3FA8]  }
0x30: {  	s3 =	sld [smem:$0x3FAB]  }
0x31: {  	[smem:$0x3FB4] =	sst s10  }
0x32: {  	s10 =	sld [smem:$0x3FB2];
	_ =	sdelay $0x3  }
0x33: {  	p0 =	seq.s32 s10, $0x1;
	s10 =	sld [smem:$0x3FB4];
	_ =	sdelay $0x3  }
0x34: {  	[smem:$0x3FB4] =	sst s10  }
0x35: {  	s10 =	sld [smem:$0x3FB3];
	_ =	sdelay $0x3  }
0x36: {  	p1 =	seq.s32 s10, $0x1;
	s10 =	sld [smem:$0x3FB4];
	_ =	sdelay $0x3  }
0x37: {  	[smem:$0x3FB4] =	sst s10  }
0x38: {  	s10 =	sld [smem:$0x3FB5]  }
0x39: {  	_ = 	snop;
	(pc) =	sbr.ind lr, $3  }
0x3a: {  	_ = 	snop  }
0x3b: {  	_ = 	snop  }
0x3c: {  	p2 =	seq.s32 s10, $0x1;
	s10 =	sld [smem:$0x3FB4]  }
0x3d: {  	_ =	shalt  }
0x3e: {  	_ =	shalt  }
0x3f: {  	_ =	shalt  }
0x40: {  	_ =	shalt  }
0x41: {  	_ =	shalt  }
0x42: {  	_ =	shalt  }
0x43: {  	_ =	shalt  }
0x44: {  	_ =	shalt  }
0x45: {  	_ =	shalt  }
0x46: {  	_ =	shalt  }
0x47: {  	_ =	shalt  }
0x48: {  	_ =	shalt  }
0x49: {  	_ =	shalt  }
0x4a: {  	_ =	shalt  }
0x4b: {  	_ =	shalt  }
0x4c: {  	_ =	shalt  }
0x4d: {  	_ =	shalt  }
0x4e: {  	_ =	shalt  }
0x4f: {  	_ =	shalt  }
0x50: {  	_ =	shalt  }
0x51: {  	_ =	shalt  }
0x52: {  	_ =	shalt  }
0x53: {  	_ =	shalt  }
0x54: {  	_ =	shalt  }
0x55: {  	_ =	shalt  }
0x56: {  	_ =	shalt  }
0x57: {  	_ =	shalt  }
0x58: {  	_ =	shalt  }
0x59: {  	_ =	shalt  }
0x5a: {  	_ =	shalt  }
0x5b: {  	_ =	shalt  }
0x5c: {  	_ =	shalt  }
0x5d: {  	_ =	shalt  }
0x5e: {  	_ =	shalt  }
0x5f: {  	_ =	shalt  }
0x60: {  	_ =	shalt  }
0x61: {  	_ =	shalt  }
0x62: {  	_ =	shalt  }
0x63: {  	_ =	shalt  }
0x64: {  	_ =	shalt  }
0x65: {  	_ =	shalt  }
0x66: {  	_ =	shalt  }
0x67: {  	_ =	shalt  }
0x68: {  	_ =	shalt  }
0x69: {  	_ =	shalt  }
0x6a: {  	_ =	shalt  }
0x6b: {  	_ =	shalt  }
0x6c: {  	_ =	shalt  }
0x6d: {  	_ =	shalt  }
0x6e: {  	_ =	shalt  }
0x6f: {  	_ =	shalt  }
0x70: {  	_ =	shalt  }
0x71: {  	_ =	shalt  }
0x72: {  	_ =	shalt  }
0x73: {  	_ =	shalt  }
0x74: {  	_ =	shalt  }
0x75: {  	_ =	shalt  }
0x76: {  	_ =	shalt  }
0x77: {  	_ =	shalt  }
0x78: {  	_ =	shalt  }
0x79: {  	_ =	shalt  }
0x7a: {  	_ =	shalt  }
0x7b: {  	_ =	shalt  }
0x7c: {  	_ =	shalt  }
0x7d: {  	_ =	shalt  }
0x7e: {  	_ =	shalt  }
0x7f: {  	_ =	shalt  }
0x80: {  	_ =	shalt  }
0x81: {  	_ =	shalt  }
0x82: {  	_ =	shalt  }
0x83: {  	_ =	shalt  }
0x84: {  	_ =	shalt  }
0x85: {  	_ =	shalt  }
0x86: {  	_ =	shalt  }
0x87: {  	_ =	shalt  }
.Lfunc_end0:
.L_simem_size_0:
called_computation.2_lowered:
.L_overlay_start_0:
0x88: {  	s2 =	sld [smem:$0x3FD9]  }
0x89: {  	s3 =	sld [smem:$0x3FFE];
	_ =	sdelay $0x1  }
0x8a: {  	s1 =	srdreg.scid  }
0x8b: {  	s0 =	sand.u32 $0x1, s1  }
0x8c: {  	s16 =	sshll.u32 s0, $0xA;
	s2 =	sadd.s32 s3, s2  }
0x8d: {  	s2 =	sadd.s32 s2, s16  }
0x8e: {  	[smem:$0x3FC0] =	sst s2  }
0x8f: {  	_ = 	snop  }
0x90: {  	(tm) =	ssettm $0x1  }
0x91: {  	s17 =	sld [smem:$0x3FFB];
	_ =	sdelay $0x3  }
0x92: {  	_ =	strace s17  }
0x93: {  	s2 =	sld [smem:$0x3FFC];
	_ =	sdelay $0x3  }
0x94: {  	_ =	strace s2  }
0x95: {  	s2 =	sld [smem:$0x3FFD];
	_ =	sdelay $0x3  }
0x96: {  	_ =	strace s2  }
0x97: {  	_ =	strace $0x8FFFFFFF  }
0x98: {  	s18 =	sld [smem:$0x3FDB];
	_ =	sdelay $0x1  }
0x99: {  	s19 =	simm.s32 $_scs_section_size  }
0x9a: {  	s4 =	simm.s32 $_size__tile_overlayer_lowered;
	s5 =	simm.s32 $_tile_overlayer_lowered  }
0x9b: {  	s22 =	simm.s32 $0x1BFF;
	s21 =	sshll.u32 s5, $0x1;
	s2 =	sadd.s32 s19, s18  }
0x9c: {  	s6 =	simm.s32 $0x0;
	s20 =	sshll.u32 s4, $0x1;
	s4 =	sadd.s32 s21, s2  }
0x9d: {  	[timem:s6], [sflag:s22] =	dma.local [hbm:s4], s20  }
0x9e: {  	_ =	swait.ge [sflag:s22], s20  }
0x9f: {  	s3 =	ssub.s32 $0x0, s20;
	[sflag:s22] =	ssyncset.done $0x0  }
0xa0: {  	[sflag:s22] =	ssyncadd.s32 s3;
	_ =	sdelay $0x1  }
0xa1: {  	s23 =	simm.s32 $0x1B8B  }
0xa2: {  	_ =	swait.ge [sflag:s23], $0x1  }
0xa3: {  	[sflag:s23] =	ssyncset.done $0x0  }
0xa4: {  	s25 =	simm.s32 $0x1B8E;
	s24 =	sld [smem:$0x3FFE];
	[sflag:s23] =	ssyncadd.s32 $0xFFFFFFFF  }
0xa5: {  	s26 =	simm.s32 $execute0_lowered;
	[smem:$0x3FD2] =	sst s25  }
0xa6: {  	s4 =	sshll.u32 s26, $0x1;
	_ =	strace $0x8000004C;
	[dreg:$0x1] =	wrdreg $0xFFFFFFFF  }
0xa7: {  	s28 =	simm.s32 $_size_execute0_lowered;
	s2 =	sadd.s32 s2, s4;
	[dreg:$0x0] =	wrdreg $0x0  }
0xa8: {  	s4 =	sshll.u32 s28, $0x1;
	[dreg:$0x2] =	wrdreg s2  }
0xa9: {  	[dreg:$0x3] =	wrdreg s4  }
0xaa: {  	[dreg:$0x4] =	wrdreg $0xC0  }
0xab: {  	_ =	task [dreg:s6], $0x5FFFF  }
0xac: {  	[dreg:$0x1] =	wrdreg $0xFFFFFFFF  }
0xad: {  	[dreg:$0x0] =	wrdreg $0x60  }
0xae: {  	[dreg:$0x2] =	wrdreg s24  }
0xaf: {  	[dreg:$0x3] =	wrdreg $0x9  }
0xb0: {  	_ =	task.clear_ibuf [dreg:s6], $0x4FFFF;
	_ =	strace $0x9000004C  }
0xb1: {  	s29 =	simm.s32 $0x9;
	_ =	strace $0x8000004E  }
0xb2: {  	_ =	swait.ge [sflag:s29], $0x1  }
0xb3: {  	[sflag:s29] =	ssyncadd.s32 $0xFFFFFFFF  }
0xb4: {  	_ =	strace $0x9000004E  }
0xb5: {  	_ =	sfence  }
0xb6: {  	s30 =	sld [smem:$0x0];
	_ =	sdelay $0x2  }
0xb7: {  	s31 =	sshll.u32 s1, $0xD;
	s1 =	sshrl.u32 s1, $0x2  }
0xb8: {  	s3 =	sand.u32 $0x4000, s31;
	s1 =	sadd.s32 s1, s30  }
0xb9: {  	s0 =	sor.u32 s3, s0;
	s1 =	sshll.u32 s1, $0x11  }
0xba: {  	s0 =	sor.u32 s1, s0  }
0xbb: {  	s0 =	sadd.s32 $0x8F2B, s0  }
0xbc: {  	[sflag:s0] =	ssyncadd.remote.s32 $0x1  }
0xbd: {  	_ =	sfence.sel $0xFFFF  }
0xbe: {  	[dreg:$0x0] =	wrdreg $0xFFFFFFFF;
	(pc) =	sbr.abs _section_cstart, $3  }
0xbf: {  	[dreg:$0x1] =	wrdreg $0xFFFFFFFF  }
0xc0: {  	_ =	task.clear_ibuf [dreg:s6], $0x2FFFF;
	_ =	strace $0x9FFFFFFF  }
0xc1: {  	(tm) =	ssettm $0x7FFFFFFF  }
tec
execute0_lowered:
.L_overlay_start_1:
0x0: {  	(tag) =	ssettag $0x1  }
0x1: {  	s1 =	srdreg.scid  }
0x2: {  	s0 =	stileid.u32;
	s21 =	sand.u32 $0x1, s1  }
0x3: {  	s2 =	sshll.u32 s0, $0x5;
	s1 =	sshll.u32 s21, $0x9  }
0x4: {  	s20 =	rddreg [dreg:$0x0];
	s22 =	sor.u32 s2, s1  }
0x5: {  	s1 =	rddreg [dreg:$0x1];
	s2 =	simm.s32 $0x0;
	s3 =	sshrl.u32 s22, $0x3  }
0x6: {  	[smem:$0x7FF] =	sst s2;
	s3 =	sadd.s32 s3, s20  }
0x7: {  	_ =	strace $0x8000004D;
	s4 =	sadd.s32 $0x2A400, s3;
	s3 =	simm.s32 $0x2  }
0x8: {  	[tilespmem:s2], [sflag:$0x2] =	stream.linear.gather [hbm4b:s4+s2], $0x20, $0x38;
	[tilespmem:$0x2C40] =	vst v63  }
0x9: {  	_ =	swait.ge [sflag:s3], $0x20  }
0xa: {  	[sflag:s3] =	ssyncset.done $0x0  }
0xb: {  	[sflag:s3] =	ssyncadd.s32 $0xFFFFFFE0  }
0xc: {  	v0 =	vld [tilespmem:$0x0]  }
0xd: {  	v1 =	vld [tilespmem:$0x10];
	_ =	sdelay $0x3  }
0xe: {  	v0 =	vadd.s32 $0x2710, v0  }
0xf: {  	s6 =	simm.s32 $0x20;
	v63 =	vadd.s32 $0x2710, v1;
	[tilespmem:$0x20] =	vst v0  }
0x10: {  	s7 =	simm.s32 $0x40;
	s8 =	simm.s32 $0x1;
	s5 =	sadd.s32 $0x6F000, s20;
	[tilespmem:$0x30] =	vst v63  }
0x11: {  	[tilespmem:s7], [sflag:$0x1] =	stream.indirect.gather [hbm4b:s5+s6], $0x80, s2, s6, $0xb8;
	[tilespmem:$0x2C40] =	vst v63  }
0x12: {  	_ =	swait.ge [sflag:s8], $0x1000  }
0x13: {  	[sflag:s8] =	ssyncset.done $0x0  }
0x14: {  	s9 =	simm.s32 $0x1040;
	[sflag:s8] =	ssyncadd.s32 $0xFFFFF000  }
0x15: {  	[tilespmem:s9], [sflag:$0x1] =	stream.indirect.gather [hbm4b:s5+s6], $0x80, s6, s6, $0xb8;
	[tilespmem:$0x2C40] =	vst v63  }
0x16: {  	_ =	swait.ge [sflag:s8], $0x1000  }
0x17: {  	[sflag:s8] =	ssyncset.done $0x0  }
0x18: {  	s11 =	simm.s32 $0x2040;
	s10 =	sadd.s32 $0x16800, s20;
	[sflag:s8] =	ssyncadd.s32 $0xFFFFF000  }
0x19: {  	[tilespmem:s11], [sflag:$0x1] =	stream.indirect.gather [hbm4b:s10+s6], $0x30, s2, s6, $0xb8;
	[tilespmem:$0x2C40] =	vst v63  }
0x1a: {  	_ =	swait.ge [sflag:s8], $0x600  }
0x1b: {  	[sflag:s8] =	ssyncset.done $0x0  }
0x1c: {  	s13 =	simm.s32 $0x2640;
	s12 =	sadd.s32 $0x65200, s20;
	[sflag:s8] =	ssyncadd.s32 $0xFFFFFA00  }
0x1d: {  	[tilespmem:s13], [sflag:$0x1] =	stream.indirect.gather [hbm4b:s12+s6], $0x10, s2, s6, $0xb8;
	[tilespmem:$0x2C40] =	vst v63  }
0x1e: {  	_ =	swait.ge [sflag:s8], $0x200  }
0x1f: {  	[sflag:s8] =	ssyncset.done $0x0  }
0x20: {  	s14 =	simm.s32 $0x2840;
	[sflag:s8] =	ssyncadd.s32 $0xFFFFFE00  }
0x21: {  	[tilespmem:s14], [sflag:$0x1] =	stream.indirect.gather [hbm4b:s12+s6], $0x10, s6, s6, $0xb8;
	[tilespmem:$0x2C40] =	vst v63  }
0x22: {  	_ =	swait.ge [sflag:s8], $0x200  }
0x23: {  	[sflag:s8] =	ssyncset.done $0x0  }
0x24: {  	s16 =	simm.s32 $0x2A40;
	s15 =	sadd.s32 $0x25400, s20;
	[sflag:s8] =	ssyncadd.s32 $0xFFFFFE00  }
0x25: {  	[tilespmem:s16], [sflag:$0x1] =	stream.indirect.gather [hbm4b:s15+s6], $0x10, s2, s6, $0xb8;
	[tilespmem:$0x2C40] =	vst v63  }
0x26: {  	s17 =	sshll.u32 s22, $0x4;
	_ =	swait.ge [sflag:s8], $0x200  }
0x27: {  	s18 =	sadd.s32 s17, s20;
	[sflag:s8] =	ssyncset.done $0x0  }
0x28: {  	s17 =	sadd.s32 $0x5E00, s18;
	[sflag:s8] =	ssyncadd.s32 $0xFFFFFE00  }
0x29: {  	[hbm4b:s17+s2] =	stream.linear.scatter [tilespmem:s7], [sflag:$0x2], $0x1000, $0x38;
	[tilespmem:$0x2C40] =	vst v63  }
0x2a: {  	_ =	swait.ge [sflag:s3], $0x1000  }
0x2b: {  	[sflag:s3] =	ssyncset.done $0x0  }
0x2c: {  	s19 =	smul.u32 $0x6, s22;
	s18 =	sadd.s32 $0x9E00, s18;
	[sflag:s3] =	ssyncadd.s32 $0xFFFFF000  }
0x2d: {  	[hbm4b:s18+s2] =	stream.linear.scatter [tilespmem:s9], [sflag:$0x2], $0x1000, $0x38;
	[tilespmem:$0x2C40] =	vst v63  }
0x2e: {  	_ =	swait.ge [sflag:s3], $0x1000  }
0x2f: {  	s19 =	sadd.s32 s19, s20;
	[sflag:s3] =	ssyncset.done $0x0  }
0x30: {  	s19 =	sadd.s32 $0x4600, s19;
	[sflag:s3] =	ssyncadd.s32 $0xFFFFF000  }
0x31: {  	[hbm4b:s19+s2] =	stream.linear.scatter [tilespmem:s11], [sflag:$0x2], $0x600, $0x38;
	[tilespmem:$0x2C40] =	vst v63  }
0x32: {  	s22 =	sshll.u32 s22, $0x1;
	_ =	swait.ge [sflag:s3], $0x600  }
0x33: {  	s23 =	ssub.s32 $0x2, s21;
	s22 =	sadd.s32 s22, s20;
	[sflag:s3] =	ssyncset.done $0x0  }
0x34: {  	s24 =	sshrl.u32 s23, $0x1;
	s20 =	sadd.s32 $0x3E00, s22;
	[sflag:s3] =	ssyncadd.s32 $0xFFFFFA00  }
0x35: {  	[hbm4b:s20+s2] =	stream.linear.scatter [tilespmem:s13], [sflag:$0x2], $0x200, $0x38;
	[tilespmem:$0x2C40] =	vst v63  }
0x36: {  	s23 =	ssub.s32 s23, s24;
	_ =	swait.ge [sflag:s3], $0x200  }
0x37: {  	s23 =	smax.u32 s23, $0x1;
	[sflag:s3] =	ssyncset.done $0x0  }
0x38: {  	s21 =	sadd.s32 $0x3600, s22;
	p0 =	sne.s32 s23, $0x1;
	[sflag:s3] =	ssyncadd.s32 $0xFFFFFE00  }
0x39: {  	[hbm4b:s21+s2] =	stream.linear.scatter [tilespmem:s14], [sflag:$0x2], $0x200, $0x38;
	[tilespmem:$0x2C40] =	vst v63  }
.Ltmp0:
0x3a: {  	_ =	swait.ge [sflag:s3], $0x200;
	(pc) =	sbr.rel @!p0 .LBB2_2-.Ltmp0, $4  }
0x3b: {  	[sflag:s3] =	ssyncset.done $0x0  }
0x3c: {  	s22 =	sadd.s32 $0x2E00, s22;
	[sflag:s3] =	ssyncadd.s32 $0xFFFFFE00  }
0x3d: {  	[hbm4b:s22+s2] =	stream.linear.scatter [tilespmem:s16], [sflag:$0x2], $0x200, $0x38;
	[tilespmem:$0x2C40] =	vst v63  }
0x3e: {  	s23 =	sadd.s32 $0xFFFFFFFF, s23;
	_ =	swait.ge [sflag:s3], $0x200  }
.LBB2_1:
0x3f: {  	p0 =	sne.s32 s23, $0x1;
	s23 =	sadd.s32 $0xFFFFFFFF, s23;
	[sflag:s3] =	ssyncset.done $0x0  }
0x40: {  	[sflag:s3] =	ssyncadd.s32 $0xFFFFFE00  }
0x41: {  	[tilespmem:s2], [sflag:$0x2] =	stream.linear.gather [hbm4b:s4+s2], $0x20, $0x38;
	[tilespmem:$0x2C40] =	vst v63  }
0x42: {  	_ =	swait.ge [sflag:s3], $0x20  }
0x43: {  	[sflag:s3] =	ssyncset.done $0x0  }
0x44: {  	[sflag:s3] =	ssyncadd.s32 $0xFFFFFFE0  }
0x45: {  	v0 =	vld [tilespmem:$0x0]  }
0x46: {  	v1 =	vld [tilespmem:$0x10];
	_ =	sdelay $0x3  }
0x47: {  	v0 =	vadd.s32 $0x2710, v0  }
0x48: {  	[tilespmem:$0x20] =	vst v0;
	v0 =	vadd.s32 $0x2710, v1  }
0x49: {  	[tilespmem:$0x30] =	vst v0  }
0x4a: {  	[tilespmem:s7], [sflag:$0x1] =	stream.indirect.gather [hbm4b:s5+s6], $0x80, s2, s6, $0xb8;
	[tilespmem:$0x2C40] =	vst v63  }
0x4b: {  	_ =	swait.ge [sflag:s8], $0x1000  }
0x4c: {  	[sflag:s8] =	ssyncset.done $0x0  }
0x4d: {  	[sflag:s8] =	ssyncadd.s32 $0xFFFFF000  }
0x4e: {  	[tilespmem:s9], [sflag:$0x1] =	stream.indirect.gather [hbm4b:s5+s6], $0x80, s6, s6, $0xb8;
	[tilespmem:$0x2C40] =	vst v63  }
0x4f: {  	_ =	swait.ge [sflag:s8], $0x1000  }
0x50: {  	[sflag:s8] =	ssyncset.done $0x0  }
0x51: {  	[sflag:s8] =	ssyncadd.s32 $0xFFFFF000  }
0x52: {  	[tilespmem:s11], [sflag:$0x1] =	stream.indirect.gather [hbm4b:s10+s6], $0x30, s2, s6, $0xb8;
	[tilespmem:$0x2C40] =	vst v63  }
0x53: {  	_ =	swait.ge [sflag:s8], $0x600  }
0x54: {  	[sflag:s8] =	ssyncset.done $0x0  }
0x55: {  	[sflag:s8] =	ssyncadd.s32 $0xFFFFFA00  }
0x56: {  	[tilespmem:s13], [sflag:$0x1] =	stream.indirect.gather [hbm4b:s12+s6], $0x10, s2, s6, $0xb8;
	[tilespmem:$0x2C40] =	vst v63  }
0x57: {  	_ =	swait.ge [sflag:s8], $0x200  }
0x58: {  	[sflag:s8] =	ssyncset.done $0x0  }
0x59: {  	[sflag:s8] =	ssyncadd.s32 $0xFFFFFE00  }
0x5a: {  	[tilespmem:s14], [sflag:$0x1] =	stream.indirect.gather [hbm4b:s12+s6], $0x10, s6, s6, $0xb8;
	[tilespmem:$0x2C40] =	vst v63  }
0x5b: {  	_ =	swait.ge [sflag:s8], $0x200  }
0x5c: {  	[sflag:s8] =	ssyncset.done $0x0  }
0x5d: {  	[sflag:s8] =	ssyncadd.s32 $0xFFFFFE00  }
0x5e: {  	[tilespmem:s16], [sflag:$0x1] =	stream.indirect.gather [hbm4b:s15+s6], $0x10, s2, s6, $0xb8;
	[tilespmem:$0x2C40] =	vst v63  }
0x5f: {  	_ =	swait.ge [sflag:s8], $0x200  }
0x60: {  	[sflag:s8] =	ssyncset.done $0x0  }
0x61: {  	[sflag:s8] =	ssyncadd.s32 $0xFFFFFE00  }
0x62: {  	[hbm4b:s17+s2] =	stream.linear.scatter [tilespmem:s7], [sflag:$0x2], $0x1000, $0x38;
	[tilespmem:$0x2C40] =	vst v63  }
0x63: {  	_ =	swait.ge [sflag:s3], $0x1000  }
0x64: {  	[sflag:s3] =	ssyncset.done $0x0  }
0x65: {  	[sflag:s3] =	ssyncadd.s32 $0xFFFFF000  }
0x66: {  	[hbm4b:s18+s2] =	stream.linear.scatter [tilespmem:s9], [sflag:$0x2], $0x1000, $0x38;
	[tilespmem:$0x2C40] =	vst v63  }
0x67: {  	_ =	swait.ge [sflag:s3], $0x1000  }
0x68: {  	[sflag:s3] =	ssyncset.done $0x0  }
0x69: {  	[sflag:s3] =	ssyncadd.s32 $0xFFFFF000  }
0x6a: {  	[hbm4b:s19+s2] =	stream.linear.scatter [tilespmem:s11], [sflag:$0x2], $0x600, $0x38;
	[tilespmem:$0x2C40] =	vst v63  }
0x6b: {  	_ =	swait.ge [sflag:s3], $0x600  }
0x6c: {  	[sflag:s3] =	ssyncset.done $0x0  }
0x6d: {  	[sflag:s3] =	ssyncadd.s32 $0xFFFFFA00  }
0x6e: {  	[hbm4b:s20+s2] =	stream.linear.scatter [tilespmem:s13], [sflag:$0x2], $0x200, $0x38;
	[tilespmem:$0x2C40] =	vst v63  }
0x6f: {  	_ =	swait.ge [sflag:s3], $0x200  }
0x70: {  	[sflag:s3] =	ssyncset.done $0x0  }
0x71: {  	[sflag:s3] =	ssyncadd.s32 $0xFFFFFE00  }
0x72: {  	[hbm4b:s21+s2] =	stream.linear.scatter [tilespmem:s14], [sflag:$0x2], $0x200, $0x38;
	[tilespmem:$0x2C40] =	vst v63  }
.Ltmp1:
0x73: {  	_ =	swait.ge [sflag:s3], $0x200;
	(pc) =	sbr.rel @p0 .LBB2_1-.Ltmp1, $4  }
0x74: {  	[sflag:s3] =	ssyncset.done $0x0  }
0x75: {  	[sflag:s3] =	ssyncadd.s32 $0xFFFFFE00  }
0x76: {  	[hbm4b:s22+s2] =	stream.linear.scatter [tilespmem:s16], [sflag:$0x2], $0x200, $0x38;
	[tilespmem:$0x2C40] =	vst v63  }
0x77: {  	_ =	swait.ge [sflag:s3], $0x200  }
.LBB2_2:
0x78: {  	[sflag:s3] =	ssyncset.done $0x0  }
0x79: {  	[sflag:s3] =	ssyncadd.s32 $0xFFFFFE00  }
0x7a: {  	_ =	sfence.sel $0x180000  }
0x7b: {  	[bflag:$0x0] =	sbarrier.arrive $0xFFFF  }
0x7c: {  	p0 =	sne.s32 s0, $0x0;
	_ =	strace $0x9000004D  }
0x7d: {  	s0 =	sadd.s32 @!p0 $0x100000, s1;
	[bflag:$0x2] =	sbarrier.arrive $0xFFFF  }
0x7e: {  	[sflag:s0] =	ssyncadd.tile.s32 @!p0 $0x1;
	_ =	shalt  }
.Lfunc_end2:
_tile_overlayer_lowered:
.L_overlay_start_2:
0x7f: {  	(tag) =	ssettag $0x2  }
0x80: {  	s0 =	rddreg [dreg:$0x0];
	s2 =	stileid.u32  }
0x81: {  	s1 =	rddreg [dreg:$0x1];
	p0 =	sne.s32 s2, $0x0  }
0x82: {  	s3 =	rddreg [dreg:$0x2];
	[bflag:$0x3] =	sbarrier.arrive $0xFFFF;
	s2 =	simm.s32 @!p0 $0x1C02  }
0x83: {  	[timem:s3], [sflag:s2] =	dma.local @!p0 [hbm:s0], s1  }
0x84: {  	s0 =	simm.s32 @!p0 $0x2  }
0x85: {  	_ =	swait.ge @!p0 [sflag:s0], s1  }
0x86: {  	s1 =	ssub.s32 @!p0 $0x0, s1;
	[sflag:s0] =	ssyncset.done @!p0 $0x0  }
0x87: {  	[sflag:s0] =	ssyncadd.s32 @!p0 s1  }
0x88: {  	[bflag:$0x3] =	sbarrier.arrive $0xFFFF  }
0x89: {  	_ =	shalt  }

// kernel: kernel.8.cloned.1.call-start
scs
__scs_entry_jumppad:
0x0: {  	(pc) =	sbr.rel $0x88, $3  }
0x1: {  	(tag) =	ssettag $0x0;
	lr =	simm.s32 $0x1  }
0x2: {  	[smem:$0x3F99] =	sst lr;
	_ =	strace $0xD0000000  }
0x3: {  	_ = 	snop  }
0x4: {  	_ = 	snop  }
0x5: {  	_ = 	snop  }
0x6: {  	_ = 	snop  }
0x7: {  	_ = 	snop  }
__scs_overlays_trampoline_lowered:
0x8: {  	[smem:$0x3FA8] =	sst s0  }
0x9: {  	[smem:$0x3FA9] =	sst s1  }
0xa: {  	[smem:$0x3FAA] =	sst s2  }
0xb: {  	[smem:$0x3FAB] =	sst s3  }
0xc: {  	[smem:$0x3FAC] =	sst s4  }
0xd: {  	[smem:$0x3FAD] =	sst s5  }
0xe: {  	[smem:$0x3FAE] =	sst s6  }
0xf: {  	[smem:$0x3FAF] =	sst s7  }
0x10: {  	[smem:$0x3FB0] =	sst s8  }
0x11: {  	[smem:$0x3FB1] =	sst s9;
	s0 =	simm.s32 @!p0 $0x0  }
0x12: {  	s1 =	sld [smem:$0x3F97];
	s0 =	simm.s32 @p0 $0x1  }
0x13: {  	[smem:$0x3FB2] =	sst s0;
	s0 =	simm.s32 @!p1 $0x0  }
0x14: {  	s2 =	sld [smem:$0x3F96];
	s0 =	simm.s32 @p1 $0x1  }
0x15: {  	[smem:$0x3FB3] =	sst s0;
	s0 =	simm.s32 @!p2 $0x0  }
0x16: {  	s3 =	sld [smem:$0x3FDB];
	s0 =	simm.s32 @p2 $0x1  }
0x17: {  	s4 =	simm.s32 $0x1BF5;
	[smem:$0x3FB5] =	sst s0  }
0x18: {  	s0 =	sld [smem:$0x3F98];
	_ =	swait.ge [sflag:s4], $0x0  }
0x19: {  	s7 =	sld [smem:$0x3F99]  }
0x1a: {  	s8 =	sadd.s32 $0xFFFFE003, lr  }
0x1b: {  	s9 =	sadd.s32 $0xFFFFFEF7, lr;
	s5 =	simm.s32 $0xFFFFFFFF;
	p2 =	slt.u32 s8, $0xFFFFF086  }
0x1c: {  	p1 =	slt.u32 s9, $0xF7A;
	s5 =	simm.s32 @!p2 $0x0  }
0x1d: {  	s5 =	simm.s32 @p1 $0x1;
	p0 =	seq.s32 s7, s2  }
0x1e: {  	s7 =	smul.u32 @!p0 $0xF7A, s2;
	p2 =	seq.s32 @!p0 s5, $0x0  }
0x1f: {  	s9 =	smul.u32 $0xF7A, s1;
	s8 =	simm.s32 @!p0 $0x1BF5;
	p2 =	por !p2, p0  }
0x20: {  	[sflag:s8] =	ssyncset.s32 @!p0 $0xFFFFF086;
	s6 =	sadd.s32 @!p0 s3, s7;
	s7 =	simm.s32 @!p0 $0x108  }
0x21: {  	s3 =	sadd.s32 s3, s9;
	s6 =	sadd.s32 @!p0 $0x88, s6;
	s7 =	simm.s32 @p2 $0x1082  }
0x22: {  	[simem:s7], [sflag:s8] =	dma.local @!p0 [hbm:s6], $0xF7A  }
0x23: {  	s9 =	sor.u32 $0xD0000000, s2;
	s6 =	simm.s32 $0x108;
	_ =	swait.ge @!p0 [sflag:s8], $0x0  }
0x24: {  	s3 =	sadd.s32 $0x88, s3;
	s6 =	simm.s32 @!p1 $0x1082;
	[sflag:s4] =	ssyncset.s32 $0xFFFFF086  }
0x25: {  	[simem:s6], [sflag:s4] =	dma.local [hbm:s3], $0xF7A  }
0x26: {  	[smem:$0x3F99] =	sst s1;
	(tag) =	ssettag s2;
	_ =	strace s9  }
0x27: {  	s1 =	sld [smem:$0x3FA9]  }
0x28: {  	s2 =	sld [smem:$0x3FAA]  }
0x29: {  	s4 =	sld [smem:$0x3FAC]  }
0x2a: {  	p0 =	seq.s32 s5, $0x0;
	s5 =	sld [smem:$0x3FAD]  }
0x2b: {  	s6 =	sld [smem:$0x3FAE]  }
0x2c: {  	s7 =	sld [smem:$0x3FAF]  }
0x2d: {  	s3 =	simm.s32 $0x108;
	s8 =	sld [smem:$0x3FB0]  }
0x2e: {  	s3 =	simm.s32 @!p0 $0x1082;
	s9 =	sld [smem:$0x3FB1]  }
0x2f: {  	lr =	sadd.s32 s0, s3;
	s0 =	sld [smem:$0x3FA8]  }
0x30: {  	s3 =	sld [smem:$0x3FAB]  }
0x31: {  	[smem:$0x3FB4] =	sst s10  }
0x32: {  	s10 =	sld [smem:$0x3FB2];
	_ =	sdelay $0x3  }
0x33: {  	p0 =	seq.s32 s10, $0x1;
	s10 =	sld [smem:$0x3FB4];
	_ =	sdelay $0x3  }
0x34: {  	[smem:$0x3FB4] =	sst s10  }
0x35: {  	s10 =	sld [smem:$0x3FB3];
	_ =	sdelay $0x3  }
0x36: {  	p1 =	seq.s32 s10, $0x1;
	s10 =	sld [smem:$0x3FB4];
	_ =	sdelay $0x3  }
0x37: {  	[smem:$0x3FB4] =	sst s10  }
0x38: {  	s10 =	sld [smem:$0x3FB5]  }
0x39: {  	_ = 	snop;
	(pc) =	sbr.ind lr, $3  }
0x3a: {  	_ = 	snop  }
0x3b: {  	_ = 	snop  }
0x3c: {  	p2 =	seq.s32 s10, $0x1;
	s10 =	sld [smem:$0x3FB4]  }
0x3d: {  	_ =	shalt  }
0x3e: {  	_ =	shalt  }
0x3f: {  	_ =	shalt  }
0x40: {  	_ =	shalt  }
0x41: {  	_ =	shalt  }
0x42: {  	_ =	shalt  }
0x43: {  	_ =	shalt  }
0x44: {  	_ =	shalt  }
0x45: {  	_ =	shalt  }
0x46: {  	_ =	shalt  }
0x47: {  	_ =	shalt  }
0x48: {  	_ =	shalt  }
0x49: {  	_ =	shalt  }
0x4a: {  	_ =	shalt  }
0x4b: {  	_ =	shalt  }
0x4c: {  	_ =	shalt  }
0x4d: {  	_ =	shalt  }
0x4e: {  	_ =	shalt  }
0x4f: {  	_ =	shalt  }
0x50: {  	_ =	shalt  }
0x51: {  	_ =	shalt  }
0x52: {  	_ =	shalt  }
0x53: {  	_ =	shalt  }
0x54: {  	_ =	shalt  }
0x55: {  	_ =	shalt  }
0x56: {  	_ =	shalt  }
0x57: {  	_ =	shalt  }
0x58: {  	_ =	shalt  }
0x59: {  	_ =	shalt  }
0x5a: {  	_ =	shalt  }
0x5b: {  	_ =	shalt  }
0x5c: {  	_ =	shalt  }
0x5d: {  	_ =	shalt  }
0x5e: {  	_ =	shalt  }
0x5f: {  	_ =	shalt  }
0x60: {  	_ =	shalt  }
0x61: {  	_ =	shalt  }
0x62: {  	_ =	shalt  }
0x63: {  	_ =	shalt  }
0x64: {  	_ =	shalt  }
0x65: {  	_ =	shalt  }
0x66: {  	_ =	shalt  }
0x67: {  	_ =	shalt  }
0x68: {  	_ =	shalt  }
0x69: {  	_ =	shalt  }
0x6a: {  	_ =	shalt  }
0x6b: {  	_ =	shalt  }
0x6c: {  	_ =	shalt  }
0x6d: {  	_ =	shalt  }
0x6e: {  	_ =	shalt  }
0x6f: {  	_ =	shalt  }
0x70: {  	_ =	shalt  }
0x71: {  	_ =	shalt  }
0x72: {  	_ =	shalt  }
0x73: {  	_ =	shalt  }
0x74: {  	_ =	shalt  }
0x75: {  	_ =	shalt  }
0x76: {  	_ =	shalt  }
0x77: {  	_ =	shalt  }
0x78: {  	_ =	shalt  }
0x79: {  	_ =	shalt  }
0x7a: {  	_ =	shalt  }
0x7b: {  	_ =	shalt  }
0x7c: {  	_ =	shalt  }
0x7d: {  	_ =	shalt  }
0x7e: {  	_ =	shalt  }
0x7f: {  	_ =	shalt  }
0x80: {  	_ =	shalt  }
0x81: {  	_ =	shalt  }
0x82: {  	_ =	shalt  }
0x83: {  	_ =	shalt  }
0x84: {  	_ =	shalt  }
0x85: {  	_ =	shalt  }
0x86: {  	_ =	shalt  }
0x87: {  	_ =	shalt  }
.Lfunc_end0:
.L_simem_size_0:
called_computation_lowered:
.L_overlay_start_0:
0x88: {  	s2 =	sld [smem:$0x3FD9]  }
0x89: {  	s3 =	sld [smem:$0x3FFE];
	_ =	sdelay $0x1  }
0x8a: {  	s1 =	srdreg.scid  }
0x8b: {  	s0 =	sand.u32 $0x1, s1  }
0x8c: {  	s14 =	sshll.u32 s0, $0xA;
	s2 =	sadd.s32 s3, s2  }
0x8d: {  	s2 =	sadd.s32 s2, s14  }
0x8e: {  	[smem:$0x3FC0] =	sst s2  }
0x8f: {  	_ = 	snop  }
0x90: {  	s2 =	sld [smem:$0x3FD0];
	_ =	sdelay $0x2  }
0x91: {  	s4 =	simm.s32 $0xA;
	s5 =	simm.s32 $0x10;
	s15 =	sld [smem:$0x3FC9]  }
0x92: {  	[smem:s5], [sflag:s4] =	dma.local [hbm:s2], $0x1  }
0x93: {  	_ =	swait.eq [sflag:s4], $0x1  }
0x94: {  	[sflag:s4] =	ssyncset.done $0x0  }
0x95: {  	[sflag:s4] =	ssyncadd.s32 $0xFFFFFFFF  }
0x96: {  	s16 =	sld [smem:$0x10];
	(tm) =	ssettm $0x1  }
0x97: {  	s17 =	sld [smem:$0x3FFB];
	_ =	sdelay $0x3  }
0x98: {  	_ =	strace s17  }
0x99: {  	s4 =	sld [smem:$0x3FFC];
	_ =	sdelay $0x3  }
0x9a: {  	_ =	strace s4  }
0x9b: {  	s4 =	sld [smem:$0x3FFD];
	_ =	sdelay $0x3  }
0x9c: {  	_ =	strace s4  }
0x9d: {  	_ =	strace $0x8FFFFFFF  }
0x9e: {  	s18 =	sld [smem:$0x3FDB];
	_ =	sdelay $0x1  }
0x9f: {  	s19 =	simm.s32 $_scs_section_size  }
0xa0: {  	s6 =	simm.s32 $_size__tile_overlayer_lowered;
	s7 =	simm.s32 $_tile_overlayer_lowered  }
0xa1: {  	s22 =	simm.s32 $0x1BFF;
	s21 =	sshll.u32 s7, $0x1;
	s4 =	sadd.s32 s19, s18  }
0xa2: {  	s8 =	simm.s32 $0x0;
	s20 =	sshll.u32 s6, $0x1;
	s6 =	sadd.s32 s21, s4  }
0xa3: {  	[timem:s8], [sflag:s22] =	dma.local [hbm:s6], s20  }
0xa4: {  	_ =	swait.ge [sflag:s22], s20  }
0xa5: {  	s5 =	ssub.s32 $0x0, s20;
	[sflag:s22] =	ssyncset.done $0x0  }
0xa6: {  	[sflag:s22] =	ssyncadd.s32 s5;
	_ =	sdelay $0x1  }
0xa7: {  	s23 =	simm.s32 $0x1B8B  }
0xa8: {  	_ =	swait.ge [sflag:s23], $0x1  }
0xa9: {  	[sflag:s23] =	ssyncset.done $0x0  }
0xaa: {  	s25 =	simm.s32 $0x1B8E;
	s24 =	sld [smem:$0x3FFE];
	[sflag:s23] =	ssyncadd.s32 $0xFFFFFFFF  }
0xab: {  	s26 =	simm.s32 $execute0_lowered;
	[smem:$0x3FD2] =	sst s25  }
0xac: {  	s6 =	sshll.u32 s26, $0x1;
	_ =	strace $0x80000046;
	[dreg:$0x1] =	wrdreg $0xFFFFFFFF  }
0xad: {  	s28 =	simm.s32 $_size_execute0_lowered;
	s4 =	sadd.s32 s4, s6;
	[dreg:$0x0] =	wrdreg $0x0  }
0xae: {  	s6 =	sshll.u32 s28, $0x1;
	[dreg:$0x2] =	wrdreg s4  }
0xaf: {  	[dreg:$0x3] =	wrdreg s6  }
0xb0: {  	[dreg:$0x4] =	wrdreg $0xC0  }
0xb1: {  	_ =	task [dreg:s8], $0x5FFFF  }
0xb2: {  	[dreg:$0x1] =	wrdreg $0xFFFFFFFF  }
0xb3: {  	[dreg:$0x0] =	wrdreg $0x60  }
0xb4: {  	[dreg:$0x2] =	wrdreg s15  }
0xb5: {  	[dreg:$0x3] =	wrdreg s24  }
0xb6: {  	[dreg:$0x4] =	wrdreg s16  }
0xb7: {  	[dreg:$0x5] =	wrdreg $0x86000  }
0xb8: {  	[dreg:$0x6] =	wrdreg $0x1C6800  }
0xb9: {  	[dreg:$0x7] =	wrdreg $0x9  }
0xba: {  	_ =	task.clear_ibuf [dreg:s8], $0x8FFFF;
	_ =	strace $0x90000046  }
0xbb: {  	s29 =	simm.s32 $0x9;
	_ =	strace $0x80000048  }
0xbc: {  	_ =	swait.ge [sflag:s29], $0x1  }
0xbd: {  	[sflag:s29] =	ssyncadd.s32 $0xFFFFFFFF  }
0xbe: {  	_ =	strace $0x90000048  }
0xbf: {  	_ =	sfence  }
0xc0: {  	s30 =	sld [smem:$0x0];
	_ =	sdelay $0x2  }
0xc1: {  	s31 =	sshll.u32 s1, $0xD;
	s1 =	sshrl.u32 s1, $0x2  }
0xc2: {  	s3 =	sand.u32 $0x4000, s31;
	s1 =	sadd.s32 s1, s30  }
0xc3: {  	s0 =	sor.u32 s3, s0;
	s1 =	sshll.u32 s1, $0x11  }
0xc4: {  	s0 =	sor.u32 s1, s0  }
0xc5: {  	s0 =	sadd.s32 $0x8F2B, s0  }
0xc6: {  	[sflag:s0] =	ssyncadd.remote.s32 $0x1  }
0xc7: {  	_ =	sfence.sel $0xFFFF  }
0xc8: {  	[dreg:$0x0] =	wrdreg $0xFFFFFFFF;
	(pc) =	sbr.abs _section_cstart, $3  }
0xc9: {  	[dreg:$0x1] =	wrdreg $0xFFFFFFFF  }
0xca: {  	_ =	task.clear_ibuf [dreg:s8], $0x2FFFF;
	_ =	strace $0x9FFFFFFF  }
0xcb: {  	(tm) =	ssettm $0x7FFFFFFF  }
tec
execute0_lowered:
.L_overlay_start_1:
0x0: {  	(tag) =	ssettag $0x1  }
0x1: {  	s0 =	rddreg [dreg:$0x0]  }
0x2: {  	s1 =	rddreg [dreg:$0x1]  }
0x3: {  	s4 =	rddreg [dreg:$0x3]  }
0x4: {  	s2 =	srdreg.scid;
	s11 =	stileid.u32  }
0x5: {  	s5 =	rddreg [dreg:$0x4];
	s7 =	simm.s32 $0x0;
	s28 =	simm.s32 $0x80  }
0x6: {  	s29 =	simm.s32 $0x4E200;
	s30 =	simm.s32 $0x480;
	s2 =	sand.u32 $0x1, s2  }
0x7: {  	s3 =	smul.u32 $0x271, s11;
	[smem:$0x7FF] =	sst s7;
	s12 =	sadd.s32 $0x2E00, s1  }
0x8: {  	s20 =	sadd.s32 $0x16800, s1;
	s21 =	sadd.s32 $0x16E00, s1;
	s8 =	smul.u32 $0x4E200, s11  }
0x9: {  	s10 =	smul.u32 $0x9C40, s11;
	s25 =	sshll.u32 s11, $0x6;
	s16 =	sshll.u32 s11, $0x4  }
0xa: {  	s18 =	sshll.u32 s11, $0x7;
	_ =	strace $0x80000047;
	[dreg:$0x7] =	wrdreg s20  }
0xb: {  	s6 =	smul.u32 $0x2710, s2;
	[dreg:$0x8] =	wrdreg s21;
	s23 =	ssub.s32 $0x2, s2  }
0xc: {  	s9 =	sshll.u32 s2, $0x4;
	s13 =	sor.u32 $0x1C0E, s25;
	s17 =	sshll.u32 s2, $0xB  }
0xd: {  	s2 =	sshll.u32 s2, $0x8;
	[dreg:$0x6] =	wrdreg s12;
	s24 =	sshrl.u32 s23, $0x1  }
0xe: {  	s8 =	sshrl.u32 s8, $0x2;
	s7 =	sor.u32 s11, s9;
	s26 =	sshrl.u32 s10, $0x2  }
0xf: {  	s20 =	sor.u32 s18, s17;
	s18 =	simm.s32 $0x200;
	s10 =	simm.s32 $0x9  }
0x10: {  	s17 =	simm.s32 $0xA;
	s11 =	simm.s32 $0xB;
	[dreg:$0xa] =	wrdreg s13  }
0x11: {  	s3 =	sadd.s32 s3, s6;
	s8 =	sadd.s32 s8, s4;
	s31 =	sshll.u32 s7, $0x4  }
0x12: {  	s9 =	sadd.s32 s26, s5;
	p0 =	sgt.u32 s7, $0x3;
	s7 =	simm.s32 $0xC  }
0x13: {  	s22 =	sshll.u32 s3, $0x4;
	s3 =	sshll.u32 s3, $0x1;
	[dreg:$0x9] =	wrdreg s8  }
0x14: {  	[dreg:$0xb] =	wrdreg s9;
	s14 =	sadd.s32 s12, s31;
	s31 =	sor.u32 $0x6000, s20  }
0x15: {  	s9 =	simm.s32 $0x7;
	s6 =	sadd.s32 s22, s1;
	s1 =	sadd.s32 s3, s1  }
0x16: {  	s3 =	ssub.s32 s23, s24;
	s15 =	sadd.s32 $0x200, s14;
	[dreg:$0xc] =	wrdreg s14  }
0x17: {  	s8 =	sadd.s32 $0x400, s14;
	s22 =	sor.u32 $0x8000, s20;
	[dreg:$0x16] =	wrdreg s31  }
0x18: {  	s23 =	sor.u32 $0x7000, s20;
	s24 =	sor.u32 $0x3000, s20;
	[dreg:$0xd] =	wrdreg s15  }
0x19: {  	s14 =	simm.s32 $0x3;
	s20 =	simm.s32 $0xD;
	[dreg:$0xe] =	wrdreg s8  }
0x1a: {  	s8 =	sadd.s32 s16, s12;
	s6 =	sadd.s32 $0x17000, s6;
	s1 =	sadd.s32 $0x65200, s1  }
0x1b: {  	s21 =	smax.u32 s3, $0x1;
	s3 =	sshrl.u32 s23, $0x3;
	s26 =	sshrl.u32 s24, $0x3  }
0x1c: {  	s16 =	simm.s32 $0xE;
	s15 =	simm.s32 $0x8;
	[dreg:$0x10] =	wrdreg s6  }
0x1d: {  	s23 =	simm.s32 $0x200;
	s19 =	sadd.s32 $0x9C00, s8;
	[dreg:$0x11] =	wrdreg s1  }
0x1e: {  	[dreg:$0x12] =	wrdreg s21;
	s1 =	sshrl.u32 s22, $0x3;
	s2 =	sadd.s32 s2, s8  }
0x1f: {  	s25 =	sadd.s32 s3, s12;
	s8 =	simm.s32 $0x4600;
	s6 =	simm.s32 $0x5  }
.Ltmp0:
0x20: {  	s21 =	simm.s32 $0x580;
	[dreg:$0xf] =	wrdreg s19;
	(pc) =	sbr.rel .LBB2_1-.Ltmp0, $4  }
0x21: {  	s3 =	simm.s32 $0x0;
	[dreg:$0x13] =	wrdreg s2;
	s1 =	sadd.s32 s1, s12  }
0x22: {  	[dreg:$0x15] =	wrdreg s25;
	s2 =	simm.s32 $0x2;
	s19 =	simm.s32 $0x4  }
0x23: {  	s25 =	simm.s32 $0x6;
	[dreg:$0x14] =	wrdreg s1;
	s1 =	sadd.s32 s26, s12  }
0x24: {  	s26 =	simm.s32 $0x1BE80;
	[dreg:$0x17] =	wrdreg s1;
	s1 =	simm.s32 $0x600  }
.LBB2_4:
0x25: {  	_ =	swait.ge [sflag:s11], $0x800  }
0x26: {  	[sflag:s11] =	ssyncset.done $0x0  }
0x27: {  	[sflag:s11] =	ssyncadd.s32 $0xFFFFF800  }
0x28: {  	_ =	swait.ge [sflag:s7], $0x800  }
0x29: {  	[sflag:s7] =	ssyncset.done $0x0  }
0x2a: {  	[sflag:s7] =	ssyncadd.s32 $0xFFFFF800  }
0x2b: {  	_ =	swait.ge [sflag:s20], $0x800  }
0x2c: {  	s12 =	simm.s32 @!p0 $0x80;
	s13 =	simm.s32 @!p0 $0x4E200;
	[sflag:s20] =	ssyncset.done $0x0  }
0x2d: {  	s16 =	simm.s32 @!p0 $0x0;
	s18 =	rddreg [dreg:$0xf];
	[sflag:s20] =	ssyncadd.s32 $0xFFFFF800  }
0x2e: {  	[tilespmem:s16], [sflag:$0x1] =	stream.strided.gather @!p0 [hbm4b:s18+s12], $0x100, s13, s12, $0x38;
	[tilespmem:$0x1ED90] =	vst v63  }
0x2f: {  	s13 =	simm.s32 @!p0 $0x1  }
0x30: {  	_ =	swait.ge @!p0 [sflag:s13], $0x100  }
0x31: {  	[sflag:s13] =	ssyncset.done @!p0 $0x0  }
0x32: {  	[sflag:s13] =	ssyncadd.s32 @!p0 $0xFFFFFF00;
	s13 =	simm.s32 @!p0 $0x600  }
0x33: {  	[tilespmem:s13], [sflag:$0x7] =	stream.indirect.gather @!p0 [hbm4b:s0+s12], $0x80, s16, s12, $0xb8;
	[tilespmem:$0x1ED90] =	vst v63  }
0x34: {  	s16 =	simm.s32 @!p0 $0x7  }
0x35: {  	_ =	swait.ge @!p0 [sflag:s16], $0x4000  }
0x36: {  	[sflag:s16] =	ssyncset.done @!p0 $0x0  }
0x37: {  	[sflag:s16] =	ssyncadd.s32 @!p0 $0xFFFFC000  }
0x38: {  	[spmem:s4] =	stream.indirect.scatter.add.f32 @!p0 [tilespmem:s13], [sflag:$0x9], $0x80, s12, s12, $0xb8;
	[tilespmem:$0x1ED90] =	vst v63  }
0x39: {  	s13 =	simm.s32 @!p0 $0x9  }
0x3a: {  	_ =	swait.ge @!p0 [sflag:s13], $0x4000  }
0x3b: {  	[sflag:s13] =	ssyncset.done @!p0 $0x0  }
0x3c: {  	[sflag:s13] =	ssyncadd.s32 @!p0 $0xFFFFC000;
	s13 =	simm.s32 @!p0 $0x1BE80  }
0x3d: {  	[spmem:s5] =	stream.indirect.scatter.add.f32 @!p0 [tilespmem:s13], [sflag:$0xB], $0x10, s12, s12, $0xb8;
	[tilespmem:$0x1ED90] =	vst v63  }
0x3e: {  	s12 =	simm.s32 @!p0 $0xB  }
0x3f: {  	_ =	swait.ge @!p0 [sflag:s12], $0x800  }
0x40: {  	[sflag:s12] =	ssyncset.done @!p0 $0x0  }
0x41: {  	[sflag:s12] =	ssyncadd.s32 @!p0 $0xFFFFF800  }
0x42: {  	[bflag:$0x0] =	sbarrier.arrive $0xFFFF  }
0x43: {  	s13 =	rddreg [dreg:$0xa]  }
0x44: {  	s16 =	rddreg [dreg:$0x10]  }
0x45: {  	s3 =	rddreg [dreg:$0x19]  }
0x46: {  	[hbm:s16], [sflag:s13] =	dma.local [spmem:s3], $0x2710  }
0x47: {  	s16 =	simm.s32 $0xE  }
0x48: {  	_ =	swait.ge [sflag:s16], $0x2710  }
0x49: {  	[sflag:s16] =	ssyncset.done $0x0;
	s18 =	rddreg [dreg:$0x11]  }
0x4a: {  	s22 =	rddreg [dreg:$0x1a];
	[sflag:s16] =	ssyncadd.s32 $0xFFFFD8F0  }
0x4b: {  	[hbm:s18], [sflag:s13] =	dma.local [spmem:s22], $0x4E2  }
0x4c: {  	_ =	swait.ge [sflag:s16], $0x4E2  }
0x4d: {  	s24 =	rddreg [dreg:$0x18]  }
0x4e: {  	s31 =	rddreg [dreg:$0x12];
	s3 =	sadd.s32 $0x1, s24  }
0x4f: {  	p1 =	sne.s32 s3, s31  }
.Ltmp1:
0x50: {  	_ = 	snop;
	(pc) =	sbr.rel @!p1 .LBB2_5-.Ltmp1, $3  }
0x51: {  	_ =	sdelay $0x1  }
0x52: {  	[sflag:s16] =	ssyncset.done $0x0  }
0x53: {  	s18 =	simm.s32 $0x200;
	[sflag:s16] =	ssyncadd.s32 $0xFFFFFB1E  }
.LBB2_1:
0x54: {  	[dreg:$0x18] =	wrdreg s3  }
0x55: {  	s12 =	rddreg [dreg:$0x9]  }
0x56: {  	s31 =	rddreg [dreg:$0x2];
	s24 =	sshrl.u32 s12, $0x3  }
0x57: {  	[dreg:$0x19] =	wrdreg s24  }
0x58: {  	[spmem:s24], [sflag:s13] =	dma.local [hbm:s31], $0x2710  }
0x59: {  	_ =	swait.ge [sflag:s16], $0x2710  }
0x5a: {  	s3 =	rddreg [dreg:$0xb]  }
0x5b: {  	[sflag:s16] =	ssyncset.done $0x0;
	s24 =	rddreg [dreg:$0x7];
	s22 =	sshrl.u32 s3, $0x3  }
0x5c: {  	[sflag:s16] =	ssyncadd.s32 $0xFFFFD8F0;
	[dreg:$0x1a] =	wrdreg s22  }
0x5d: {  	[spmem:s22], [sflag:s13] =	dma.local [hbm:s24], $0x4E2  }
0x5e: {  	_ =	swait.ge [sflag:s16], $0x4E2  }
0x5f: {  	[sflag:s16] =	ssyncset.done $0x0  }
0x60: {  	s12 =	simm.s32 $0x0;
	s31 =	rddreg [dreg:$0x8];
	[sflag:s16] =	ssyncadd.s32 $0xFFFFFB1E  }
0x61: {  	[tilespmem:s26], [sflag:$0xE] =	stream.linear.gather [hbm4b:s31+s12], $0x800, $0x38;
	[tilespmem:$0x1ED90] =	vst v63  }
0x62: {  	_ =	swait.ge [sflag:s16], $0x800  }
0x63: {  	[sflag:s16] =	ssyncset.done $0x0  }
0x64: {  	[sflag:s16] =	ssyncadd.s32 $0xFFFFF800  }
0x65: {  	[bflag:$0x0] =	sbarrier.arrive $0xFFFF  }
0x66: {  	s3 =	rddreg [dreg:$0xc]  }
0x67: {  	[tilespmem:s12], [sflag:$0x1] =	stream.strided.gather [hbm4b:s3+s28], $0x100, s29, s28, $0x38;
	[tilespmem:$0x1ED90] =	vst v63  }
0x68: {  	s22 =	simm.s32 $0x100;
	s16 =	rddreg [dreg:$0xd]  }
0x69: {  	[tilespmem:s22], [sflag:$0x2] =	stream.strided.gather [hbm4b:s16+s28], $0x100, s29, s28, $0x38;
	[tilespmem:$0x1ED90] =	vst v63  }
0x6a: {  	s31 =	simm.s32 $0x1;
	s24 =	rddreg [dreg:$0xe]  }
0x6b: {  	[tilespmem:s18], [sflag:$0x3] =	stream.strided.gather [hbm4b:s24+s28], $0x100, s29, s28, $0x38;
	[tilespmem:$0x1ED90] =	vst v63  }
0x6c: {  	_ =	swait.ge [sflag:s31], $0x100  }
0x6d: {  	[sflag:s31] =	ssyncset.done $0x0  }
0x6e: {  	[sflag:s31] =	ssyncadd.s32 $0xFFFFFF00  }
0x6f: {  	[tilespmem:s1], [sflag:$0x7] =	stream.indirect.gather [hbm4b:s0+s28], $0x80, s12, s28, $0xb8;
	[tilespmem:$0x1ED90] =	vst v63  }
0x70: {  	_ =	swait.ge [sflag:s2], $0x100  }
0x71: {  	[sflag:s2] =	ssyncset.done $0x0  }
0x72: {  	[sflag:s2] =	ssyncadd.s32 $0xFFFFFF00  }
0x73: {  	[tilespmem:s8], [sflag:$0x8] =	stream.indirect.gather [hbm4b:s0+s28], $0x80, s22, s28, $0xb8;
	[tilespmem:$0x1ED90] =	vst v63  }
0x74: {  	s24 =	simm.s32 $0x0;
	s22 =	rddreg [dreg:$0x16]  }
.LBB2_2:
0x75: {  	_ =	swait.ge [sflag:s9], $0x4000  }
0x76: {  	p1 =	seq.s32 s24, $0x0;
	[sflag:s9] =	ssyncset.done $0x0  }
0x77: {  	s31 =	simm.s32 @!p1 $0xB;
	[sflag:s9] =	ssyncadd.s32 $0xFFFFC000  }
0x78: {  	[spmem:s4] =	stream.indirect.scatter.add.f32 [tilespmem:s1], [sflag:$0x9], $0x80, s28, s28, $0xb8;
	[tilespmem:$0x1ED90] =	vst v63  }
0x79: {  	_ =	swait.ge @!p1 [sflag:s31], $0x800  }
0x7a: {  	[sflag:s31] =	ssyncset.done @!p1 $0x0  }
0x7b: {  	[sflag:s31] =	ssyncadd.s32 @!p1 $0xFFFFF800  }
0x7c: {  	[spmem:s5] =	stream.indirect.scatter.add.f32 [tilespmem:s26], [sflag:$0xB], $0x10, s28, s28, $0xb8;
	[tilespmem:$0x1ED90] =	vst v63  }
0x7d: {  	_ =	swait.ge [sflag:s10], $0x4000  }
0x7e: {  	[sflag:s10] =	ssyncset.done $0x0;
	s12 =	rddreg [dreg:$0x17]  }
0x7f: {  	s13 =	simm.s32 $0x300;
	[sflag:s10] =	ssyncadd.s32 $0xFFFFC000;
	s16 =	sadd.s32 s24, s12  }
0x80: {  	[tilespmem:s13], [sflag:$0x4] =	stream.strided.gather [hbm4b:s16+s28], $0x100, s29, s28, $0x38;
	[tilespmem:$0x1ED90] =	vst v63  }
0x81: {  	_ =	swait.ge [sflag:s14], $0x100  }
0x82: {  	[sflag:s14] =	ssyncset.done $0x0  }
0x83: {  	[sflag:s14] =	ssyncadd.s32 $0xFFFFFF00  }
0x84: {  	[tilespmem:s1], [sflag:$0x7] =	stream.indirect.gather [hbm4b:s0+s28], $0x80, s18, s28, $0xb8;
	[tilespmem:$0x1ED90] =	vst v63  }
0x85: {  	_ =	swait.ge [sflag:s15], $0x4000  }
0x86: {  	[sflag:s15] =	ssyncset.done $0x0  }
0x87: {  	s3 =	simm.s32 $0x180;
	s31 =	simm.s32 @!p1 $0xC;
	[sflag:s15] =	ssyncadd.s32 $0xFFFFC000  }
0x88: {  	[spmem:s4] =	stream.indirect.scatter.add.f32 [tilespmem:s8], [sflag:$0xA], $0x80, s3, s28, $0xb8;
	[tilespmem:$0x1ED90] =	vst v63  }
0x89: {  	_ =	swait.ge @!p1 [sflag:s31], $0x800  }
0x8a: {  	[sflag:s31] =	ssyncset.done @!p1 $0x0  }
0x8b: {  	[sflag:s31] =	ssyncadd.s32 @!p1 $0xFFFFF800  }
0x8c: {  	[spmem:s5] =	stream.indirect.scatter.add.f32 [tilespmem:s26], [sflag:$0xC], $0x10, s3, s28, $0xb8;
	[tilespmem:$0x1ED90] =	vst v63  }
0x8d: {  	_ =	swait.ge [sflag:s17], $0x4000  }
0x8e: {  	s16 =	rddreg [dreg:$0x13]  }
0x8f: {  	[sflag:s17] =	ssyncset.done $0x0;
	s18 =	sadd.s32 s24, s16  }
0x90: {  	[sflag:s17] =	ssyncadd.s32 $0xFFFFC000;
	s16 =	simm.s32 $0x400;
	s12 =	sadd.s32 $0x800, s18  }
0x91: {  	[tilespmem:s16], [sflag:$0x5] =	stream.strided.gather [hbm4b:s12+s28], $0x100, s29, s28, $0x38;
	[tilespmem:$0x1ED90] =	vst v63  }
0x92: {  	_ =	swait.ge [sflag:s19], $0x100  }
0x93: {  	[sflag:s19] =	ssyncset.done $0x0  }
0x94: {  	[sflag:s19] =	ssyncadd.s32 $0xFFFFFF00  }
0x95: {  	[tilespmem:s8], [sflag:$0x8] =	stream.indirect.gather [hbm4b:s0+s28], $0x80, s13, s28, $0xb8;
	[tilespmem:$0x1ED90] =	vst v63  }
0x96: {  	_ =	swait.ge [sflag:s9], $0x4000  }
0x97: {  	[sflag:s9] =	ssyncset.done $0x0  }
0x98: {  	s3 =	simm.s32 $0x280;
	s12 =	simm.s32 @!p1 $0xD;
	[sflag:s9] =	ssyncadd.s32 $0xFFFFC000  }
0x99: {  	[spmem:s4] =	stream.indirect.scatter.add.f32 [tilespmem:s1], [sflag:$0x9], $0x80, s3, s28, $0xb8;
	[tilespmem:$0x1ED90] =	vst v63  }
0x9a: {  	_ =	swait.ge @!p1 [sflag:s12], $0x800  }
0x9b: {  	[sflag:s12] =	ssyncset.done @!p1 $0x0  }
0x9c: {  	[sflag:s12] =	ssyncadd.s32 @!p1 $0xFFFFF800  }
0x9d: {  	[spmem:s5] =	stream.indirect.scatter.add.f32 [tilespmem:s26], [sflag:$0xD], $0x10, s3, s28, $0xb8;
	[tilespmem:$0x1ED90] =	vst v63  }
0x9e: {  	_ =	swait.ge [sflag:s10], $0x4000  }
0x9f: {  	[sflag:s10] =	ssyncset.done $0x0  }
0xa0: {  	s18 =	sadd.s32 $0xA00, s18;
	s3 =	simm.s32 $0x500;
	[sflag:s10] =	ssyncadd.s32 $0xFFFFC000  }
0xa1: {  	[tilespmem:s3], [sflag:$0x6] =	stream.strided.gather [hbm4b:s18+s28], $0x100, s29, s28, $0x38;
	[tilespmem:$0x1ED90] =	vst v63  }
0xa2: {  	_ =	swait.ge [sflag:s6], $0x100  }
0xa3: {  	[sflag:s6] =	ssyncset.done $0x0  }
0xa4: {  	[sflag:s6] =	ssyncadd.s32 $0xFFFFFF00  }
0xa5: {  	[tilespmem:s1], [sflag:$0x7] =	stream.indirect.gather [hbm4b:s0+s28], $0x80, s16, s28, $0xb8;
	[tilespmem:$0x1ED90] =	vst v63  }
0xa6: {  	_ =	swait.ge [sflag:s15], $0x4000  }
0xa7: {  	[sflag:s15] =	ssyncset.done $0x0  }
0xa8: {  	s31 =	simm.s32 $0x380;
	[sflag:s15] =	ssyncadd.s32 $0xFFFFC000  }
0xa9: {  	[spmem:s4] =	stream.indirect.scatter.add.f32 [tilespmem:s8], [sflag:$0xA], $0x80, s31, s28, $0xb8;
	[tilespmem:$0x1ED90] =	vst v63  }
0xaa: {  	_ =	swait.ge [sflag:s11], $0x800  }
0xab: {  	[sflag:s11] =	ssyncset.done $0x0  }
0xac: {  	p1 =	seq.s32 s24, $0x9000;
	[sflag:s11] =	ssyncadd.s32 $0xFFFFF800  }
0xad: {  	[spmem:s5] =	stream.indirect.scatter.add.f32 [tilespmem:s26], [sflag:$0xB], $0x10, s31, s28, $0xb8;
	[tilespmem:$0x1ED90] =	vst v63  }
0xae: {  	s12 =	sshrl.u32 @!p1 s22, $0x3;
	s18 =	simm.s32 @!p1 $0x0;
	_ =	swait.ge [sflag:s17], $0x4000  }
0xaf: {  	s16 =	simm.s32 @!p1 $0x4E200;
	[sflag:s17] =	ssyncset.done $0x0;
	s13 =	rddreg [dreg:$0x6]  }
0xb0: {  	s31 =	simm.s32 @!p1 $0x80;
	[sflag:s17] =	ssyncadd.s32 $0xFFFFC000;
	s12 =	sadd.s32 @!p1 s13, s12  }
0xb1: {  	[tilespmem:s18], [sflag:$0x1] =	stream.strided.gather @!p1 [hbm4b:s12+s31], $0x100, s16, s31, $0x38;
	[tilespmem:$0x1ED90] =	vst v63  }
0xb2: {  	_ =	swait.ge [sflag:s25], $0x100  }
0xb3: {  	[sflag:s25] =	ssyncset.done $0x0  }
0xb4: {  	[sflag:s25] =	ssyncadd.s32 $0xFFFFFF00  }
0xb5: {  	[tilespmem:s8], [sflag:$0x8] =	stream.indirect.gather [hbm4b:s0+s28], $0x80, s3, s28, $0xb8;
	[tilespmem:$0x1ED90] =	vst v63  }
0xb6: {  	_ =	swait.ge [sflag:s9], $0x4000  }
0xb7: {  	[sflag:s9] =	ssyncset.done $0x0  }
0xb8: {  	[sflag:s9] =	ssyncadd.s32 $0xFFFFC000  }
0xb9: {  	[spmem:s4] =	stream.indirect.scatter.add.f32 [tilespmem:s1], [sflag:$0x9], $0x80, s30, s28, $0xb8;
	[tilespmem:$0x1ED90] =	vst v63  }
0xba: {  	_ =	swait.ge [sflag:s7], $0x800  }
0xbb: {  	[sflag:s7] =	ssyncset.done $0x0  }
0xbc: {  	[sflag:s7] =	ssyncadd.s32 $0xFFFFF800  }
0xbd: {  	[spmem:s5] =	stream.indirect.scatter.add.f32 [tilespmem:s26], [sflag:$0xC], $0x10, s30, s28, $0xb8;
	[tilespmem:$0x1ED90] =	vst v63  }
0xbe: {  	_ =	swait.ge [sflag:s10], $0x4000  }
0xbf: {  	[sflag:s10] =	ssyncset.done $0x0;
	s12 =	rddreg [dreg:$0x15]  }
0xc0: {  	s13 =	simm.s32 @!p1 $0x100;
	[sflag:s10] =	ssyncadd.s32 $0xFFFFC000;
	s12 =	sadd.s32 @!p1 s24, s12  }
0xc1: {  	[tilespmem:s13], [sflag:$0x2] =	stream.strided.gather @!p1 [hbm4b:s12+s31], $0x100, s16, s31, $0x38;
	[tilespmem:$0x1ED90] =	vst v63  }
0xc2: {  	s12 =	simm.s32 @!p1 $0x1  }
0xc3: {  	_ =	swait.ge @!p1 [sflag:s12], $0x100  }
0xc4: {  	[sflag:s12] =	ssyncset.done @!p1 $0x0  }
0xc5: {  	[sflag:s12] =	ssyncadd.s32 @!p1 $0xFFFFFF00;
	s12 =	simm.s32 @!p1 $0x600  }
0xc6: {  	[tilespmem:s12], [sflag:$0x7] =	stream.indirect.gather @!p1 [hbm4b:s0+s31], $0x80, s18, s31, $0xb8;
	[tilespmem:$0x1ED90] =	vst v63  }
0xc7: {  	_ =	swait.ge [sflag:s15], $0x4000  }
0xc8: {  	[sflag:s15] =	ssyncset.done $0x0  }
0xc9: {  	[sflag:s15] =	ssyncadd.s32 $0xFFFFC000  }
0xca: {  	[spmem:s4] =	stream.indirect.scatter.add.f32 [tilespmem:s8], [sflag:$0xA], $0x80, s21, s28, $0xb8;
	[tilespmem:$0x1ED90] =	vst v63  }
0xcb: {  	_ =	swait.ge [sflag:s20], $0x800  }
0xcc: {  	[sflag:s20] =	ssyncset.done $0x0  }
.Ltmp2:
0xcd: {  	[sflag:s20] =	ssyncadd.s32 $0xFFFFF800;
	(pc) =	sbr.rel @p1 .LBB2_4-.Ltmp2, $4  }
0xce: {  	[spmem:s5] =	stream.indirect.scatter.add.f32 [tilespmem:s26], [sflag:$0xD], $0x10, s21, s28, $0xb8;
	[tilespmem:$0x1ED90] =	vst v63  }
0xcf: {  	_ =	swait.ge [sflag:s17], $0x4000  }
0xd0: {  	[sflag:s17] =	ssyncset.done $0x0  }
0xd1: {  	[sflag:s17] =	ssyncadd.s32 $0xFFFFC000  }
0xd2: {  	s12 =	rddreg [dreg:$0x14]  }
0xd3: {  	s12 =	sadd.s32 s24, s12  }
0xd4: {  	[tilespmem:s23], [sflag:$0x3] =	stream.strided.gather [hbm4b:s12+s28], $0x100, s29, s28, $0x38;
	[tilespmem:$0x1ED90] =	vst v63  }
.Ltmp3:
0xd5: {  	_ = 	snop;
	(pc) =	sbr.rel .LBB2_2-.Ltmp3, $4  }
0xd6: {  	_ =	swait.ge [sflag:s2], $0x100  }
0xd7: {  	s31 =	simm.s32 $0x100;
	s22 =	sadd.s32 $0x6000, s22;
	[sflag:s2] =	ssyncset.done $0x0  }
0xd8: {  	s18 =	simm.s32 $0x200;
	s24 =	sadd.s32 $0xC00, s24;
	[sflag:s2] =	ssyncadd.s32 $0xFFFFFF00  }
0xd9: {  	[tilespmem:s8], [sflag:$0x8] =	stream.indirect.gather [hbm4b:s0+s28], $0x80, s31, s28, $0xb8;
	[tilespmem:$0x1ED90] =	vst v63  }
.LBB2_5:
0xda: {  	_ =	sfence.sel $0x180000  }
0xdb: {  	[bflag:$0x0] =	sbarrier.arrive $0xFFFF  }
0xdc: {  	_ =	strace $0x90000047  }
0xdd: {  	s0 =	stileid.u32;
	[bflag:$0x2] =	sbarrier.arrive $0xFFFF  }
0xde: {  	p0 =	sne.s32 s0, $0x0;
	s0 =	rddreg [dreg:$0x5]  }
0xdf: {  	s0 =	sadd.s32 @!p0 $0x100000, s0  }
0xe0: {  	[sflag:s0] =	ssyncadd.tile.s32 @!p0 $0x1;
	_ =	shalt  }
.Lfunc_end2:
_tile_overlayer_lowered:
.L_overlay_start_2:
0xe1: {  	(tag) =	ssettag $0x2  }
0xe2: {  	s0 =	rddreg [dreg:$0x0];
	s2 =	stileid.u32  }
0xe3: {  	s1 =	rddreg [dreg:$0x1];
	p0 =	sne.s32 s2, $0x0  }
0xe4: {  	s3 =	rddreg [dreg:$0x2];
	[bflag:$0x3] =	sbarrier.arrive $0xFFFF;
	s2 =	simm.s32 @!p0 $0x1C0E  }
0xe5: {  	[timem:s3], [sflag:s2] =	dma.local @!p0 [hbm:s0], s1  }
0xe6: {  	s0 =	simm.s32 @!p0 $0xE  }
0xe7: {  	_ =	swait.ge @!p0 [sflag:s0], s1  }
0xe8: {  	s1 =	ssub.s32 @!p0 $0x0, s1;
	[sflag:s0] =	ssyncset.done @!p0 $0x0  }
0xe9: {  	[sflag:s0] =	ssyncadd.s32 @!p0 s1  }
0xea: {  	[bflag:$0x3] =	sbarrier.arrive $0xFFFF  }
0xeb: {  	_ =	shalt  }

</sc_bundles>
